<compile_context>
chip_gen: v7x
topology: tpu7x:2x2x1
jax: 0.10.2.dev20260603
libtpu: 0.0.44.dev20260713+nightly
codegen_flags: <defaults>
</compile_context>

<pallas_src>
import functools

import jax
import jax.numpy as jnp
from jax import lax
from jax.experimental import pallas as pl
from jax.experimental.pallas import tpu as pltpu
from jax.experimental.pallas import tpu_sc as plsc

N = 10000
E = 320000
D_FEAT = 128
D_MSG = 256
HALF = 128
EPS = 1e-3

NC = 2
NS = 16
K = 128
J = 160
T = J * K
E_PAD = NS * T
R = 10240
ROWS_PER_TILE = R // NS
TRASH = 10000



def _deg_body(idx_hbm, out_hbm, idx_v, ones_v, zero_v, acc_sh):
    c = lax.axis_index("c")
    s = lax.axis_index("s")

    def fill_z(i, _):
        zero_v[pl.ds(i * 16, 16)] = jnp.zeros((16,), jnp.float32)
        return 0

    lax.fori_loop(0, ROWS_PER_TILE // 16, fill_z, 0)

    def fill_o(i, _):
        ones_v[pl.ds(i * 16, 16)] = jnp.ones((16,), jnp.float32)
        return 0

    lax.fori_loop(0, K // 16, fill_o, 0)

    pltpu.sync_copy(idx_hbm.at[c, s], idx_v)
    pltpu.sync_copy(zero_v, acc_sh.at[pl.ds(s * ROWS_PER_TILE, ROWS_PER_TILE)])
    plsc.subcore_barrier()

    def body(j, _):
        pltpu.sync_copy(ones_v, acc_sh.at[idx_v.at[j]], add=True)
        return 0

    lax.fori_loop(0, J, body, 0)
    plsc.subcore_barrier()
    pltpu.sync_copy(acc_sh.at[pl.ds(s * ROWS_PER_TILE, ROWS_PER_TILE)],
                    out_hbm.at[c, pl.ds(s * ROWS_PER_TILE, ROWS_PER_TILE)])


@functools.lru_cache(maxsize=None)
def _get_deg_kernel():
    mesh = plsc.VectorSubcoreMesh(core_axis_name="c", subcore_axis_name="s",
                                  num_cores=NC, num_subcores=NS)
    return pl.kernel(
        _deg_body,
        out_type=jax.ShapeDtypeStruct((2, R), jnp.float32),
        mesh=mesh,
        scratch_types=[
            pltpu.VMEM((J, K), jnp.int32),
            pltpu.VMEM((K,), jnp.float32),
            pltpu.VMEM((ROWS_PER_TILE,), jnp.float32),
            pltpu.VMEM_SHARED((R,), jnp.float32),
        ],
    )


def _msg_body(src_hbm, dst_hbm, tbl_hbm, out_hbm,
              sidx_v, didx_v, rows0, rows1, acc_sh,
              semr0, semr1, semc0, semc1, sems0, sems1,
              semd0, semd1, semd2, semd3):
    c = lax.axis_index("c")
    s = lax.axis_index("s")

    def fill_z(i, _):
        r = i // (HALF // 16)
        cc = i % (HALF // 16)
        rows0[r, pl.ds(cc * 16, 16)] = jnp.zeros((16,), jnp.float32)
        return 0

    lax.fori_loop(0, K * HALF // 16, fill_z, 0)

    def zero_acc(i, _):
        pltpu.sync_copy(rows0, acc_sh.at[pl.ds(s * ROWS_PER_TILE + i * K, K)])
        return 0

    lax.fori_loop(0, ROWS_PER_TILE // K, zero_acc, 0)
    plsc.subcore_barrier()

    rows = (rows0, rows1)
    semr = (semr0, semr1)
    semc = (semc0, semc1)
    sems = (sems0, sems1)
    semd = (semd0, semd1, semd2, semd3)

    pltpu.sync_copy(src_hbm.at[c, s, 0], sidx_v.at[0])
    pltpu.sync_copy(dst_hbm.at[s, 0], didx_v.at[0])
    pltpu.async_copy(tbl_hbm.at[sidx_v.at[0]], rows0, semr0)
    pltpu.async_copy(src_hbm.at[c, s, 1], sidx_v.at[1], sems1)
    pltpu.async_copy(dst_hbm.at[s, 1], didx_v.at[1], semd1)

    def body(g, _):
        for q in range(4):
            j = 4 * g + q
            br = q % 2
            bn = (q + 1) % 2
            bd = q

            @pl.when(j + 1 < J)
            def _():
                pltpu.make_async_copy(src_hbm.at[c, s, j + 1], sidx_v.at[bn],
                                      sems[bn]).wait()
                pltpu.make_async_copy(dst_hbm.at[s, j + 1],
                                      didx_v.at[(q + 1) % 4],
                                      semd[(q + 1) % 4]).wait()
                if q == 0:
                    @pl.when(j >= 1)
                    def _():
                        pltpu.make_async_copy(
                            rows[bn], acc_sh.at[didx_v.at[(q - 1) % 4]],
                            semc[bn]).wait()
                else:
                    pltpu.make_async_copy(
                        rows[bn], acc_sh.at[didx_v.at[(q - 1) % 4]],
                        semc[bn]).wait()
                pltpu.async_copy(tbl_hbm.at[sidx_v.at[bn]], rows[bn], semr[bn])

            pltpu.make_async_copy(tbl_hbm.at[sidx_v.at[br]], rows[br],
                                  semr[br]).wait()
            pltpu.async_copy(rows[br], acc_sh.at[didx_v.at[bd]], semc[br],
                             add=True)

            @pl.when(j + 2 < J)
            def _():
                pltpu.async_copy(src_hbm.at[c, s, j + 2], sidx_v.at[br],
                                 sems[br])
                pltpu.async_copy(dst_hbm.at[s, j + 2], didx_v.at[(q + 2) % 4],
                                 semd[(q + 2) % 4])
        return 0

    lax.fori_loop(0, J // 4, body, 0)
    pltpu.make_async_copy(rows[0], acc_sh.at[didx_v.at[2]], semc[0]).wait()
    pltpu.make_async_copy(rows[1], acc_sh.at[didx_v.at[3]], semc[1]).wait()
    plsc.subcore_barrier()
    pltpu.sync_copy(acc_sh.at[pl.ds(s * ROWS_PER_TILE, ROWS_PER_TILE)],
                    out_hbm.at[c, pl.ds(s * ROWS_PER_TILE, ROWS_PER_TILE)])


@functools.lru_cache(maxsize=None)
def _get_msg_kernel():
    mesh = plsc.VectorSubcoreMesh(core_axis_name="c", subcore_axis_name="s",
                                  num_cores=NC, num_subcores=NS)
    return pl.kernel(
        _msg_body,
        out_type=jax.ShapeDtypeStruct((2, R, HALF), jnp.float32),
        mesh=mesh,
        scratch_types=[
            pltpu.VMEM((2, K), jnp.int32),
            pltpu.VMEM((4, K), jnp.int32),
            pltpu.VMEM((K, HALF), jnp.float32),
            pltpu.VMEM((K, HALF), jnp.float32),
            pltpu.VMEM_SHARED((R, HALF), jnp.float32),
        ] + [pltpu.SemaphoreType.DMA] * 10,
    )


NB = 1000
GRID = N // NB


def _tca_body(feat_ref, emb_ref, deg_ref, h0_ref, hs_ref, norms_ref):
    nrm = lax.rsqrt(jnp.maximum(deg_ref[0], 1.0))
    norms_ref[0] = nrm
    no = nrm[0]
    h0 = jnp.concatenate(
        [feat_ref[...], jnp.broadcast_to(emb_ref[...], (NB, D_MSG - D_FEAT))],
        axis=1)
    h0_ref[...] = h0
    hs = h0 * no[:, None]
    hs_ref[0] = hs[:, :HALF]
    hs_ref[1] = hs[:, HALF:]


_tca = pl.pallas_call(
    _tca_body,
    grid=(GRID,),
    in_specs=[
        pl.BlockSpec((NB, D_FEAT), lambda i: (i, 0)),
        pl.BlockSpec((1, D_MSG - D_FEAT), lambda i: (0, 0)),
        pl.BlockSpec((1, 2, NB), lambda i: (i, 0, 0)),
    ],
    out_specs=[
        pl.BlockSpec((NB, D_MSG), lambda i: (i, 0)),
        pl.BlockSpec((2, NB, HALF), lambda i: (0, i, 0)),
        pl.BlockSpec((1, 2, NB), lambda i: (i, 0, 0)),
    ],
    out_shape=[
        jax.ShapeDtypeStruct((N, D_MSG), jnp.float32),
        jax.ShapeDtypeStruct((2, N, HALF), jnp.float32),
        jax.ShapeDtypeStruct((GRID, 2, NB), jnp.float32),
    ],
)


def _tcb_body(h_ref, m0_ref, m1_ref, norms_ref, w_ref, b_ref, beta_ref,
              hn_ref, hs_ref=None):
    nin = norms_ref[0, 1]
    mb = jnp.concatenate([m0_ref[0], m1_ref[0]], axis=1) * nin[:, None]
    out = jnp.dot(mb, w_ref[...], preferred_element_type=jnp.float32)
    out = jnp.maximum(out + b_ref[...], 0.0)
    out = h_ref[...] + out
    mu = jnp.mean(out, axis=1, keepdims=True)
    var = jnp.mean((out - mu) ** 2, axis=1, keepdims=True)
    out = (out - mu) * lax.rsqrt(var + EPS) + beta_ref[...]
    hn_ref[...] = out
    if hs_ref is not None:
        no = norms_ref[0, 0]
        hs = out * no[:, None]
        hs_ref[0] = hs[:, :HALF]
        hs_ref[1] = hs[:, HALF:]


def _make_tcb(emit_hs):
    body = _tcb_body if emit_hs else functools.partial(_tcb_body, hs_ref=None)
    out_specs = [pl.BlockSpec((NB, D_MSG), lambda i: (i, 0))]
    out_shape = [jax.ShapeDtypeStruct((N, D_MSG), jnp.float32)]
    if emit_hs:
        out_specs.append(pl.BlockSpec((2, NB, HALF), lambda i: (0, i, 0)))
        out_shape.append(jax.ShapeDtypeStruct((2, N, HALF), jnp.float32))
    return pl.pallas_call(
        body,
        grid=(GRID,),
        in_specs=[
            pl.BlockSpec((NB, D_MSG), lambda i: (i, 0)),
            pl.BlockSpec((1, NB, HALF), lambda i: (0, i, 0)),
            pl.BlockSpec((1, NB, HALF), lambda i: (1, i, 0)),
            pl.BlockSpec((1, 2, NB), lambda i: (i, 0, 0)),
            pl.BlockSpec((D_MSG, D_MSG), lambda i: (0, 0)),
            pl.BlockSpec((1, D_MSG), lambda i: (0, 0)),
            pl.BlockSpec((1, D_MSG), lambda i: (0, 0)),
        ],
        out_specs=out_specs,
        out_shape=out_shape,
    )


_tcb_mid = _make_tcb(True)
_tcb_last = _make_tcb(False)


def kernel(feat, edge_index, emb, W0, b0, beta0, W1, b1, beta1):
    src = edge_index[0].astype(jnp.int32)
    dst = edge_index[1].astype(jnp.int32)
    npad = E_PAD - E

    src0 = jnp.concatenate([src, jnp.zeros((npad,), jnp.int32)])
    msg_src = jnp.stack([src0, src0 + N]).reshape(2, NS, J, K)
    dstp = jnp.concatenate([dst, jnp.full((npad,), TRASH, jnp.int32)])
    msg_dst = dstp.reshape(NS, J, K)
    deg_idx = jnp.stack([
        jnp.concatenate([src, jnp.full((npad,), TRASH, jnp.int32)]),
        dstp,
    ]).reshape(2, NS, J, K)

    deg = _get_deg_kernel()(deg_idx)
    deg3 = deg[:, :N].reshape(2, GRID, NB).transpose(1, 0, 2)
    h0, hs0, norms = _tca(feat, emb, deg3)
    _msg = _get_msg_kernel()
    mA = _msg(msg_src, msg_dst, hs0.reshape(2 * N, HALF))
    h1, hs1 = _tcb_mid(h0, mA, mA, norms, W0, b0.reshape(1, D_MSG),
                       beta0.reshape(1, D_MSG))
    mB = _msg(msg_src, msg_dst, hs1.reshape(2 * N, HALF))
    (h2,) = _tcb_last(h1, mB, mB, norms, W1, b1.reshape(1, D_MSG),
                      beta1.reshape(1, D_MSG))
    return h2

# --- scband reference (transcript-rebuilt; emitter-appended) ---
"""Pipeline reference for scband-gcn-23390391894415 (READ-ONLY COPY).

The authoritative reference and input builder live on the scoring server;
editing this copy changes nothing except your own understanding.
"""

import jax, jax.numpy as jnp
import numpy as np

N = 10000
E = 320000
D_FEAT = 128
D_MSG = 256
EPS = 1e-3  # keras LayerNormalization default epsilon


def setup_inputs(seed: int = 0) -> dict:
    key = jax.random.key(seed)
    ks = jax.random.split(key, 8)
    feat = jax.random.normal(ks[0], (N, D_FEAT), dtype=jnp.float32)
    edge_index = jax.random.randint(ks[1], (2, E), 0, N)
    # TrainableEmbedding weight: shape (1, message_size - feat_size)
    emb = jax.random.normal(ks[2], (1, D_MSG - D_FEAT), dtype=jnp.float32) * 0.05

    def glorot(k, shape):
        lim = float(np.sqrt(6.0 / (shape[0] + shape[1])))
        return jax.random.uniform(k, shape, jnp.float32, -lim, lim)

    W0 = glorot(ks[3], (D_MSG, D_MSG))
    b0 = jnp.zeros((D_MSG,), jnp.float32)
    beta0 = jnp.zeros((D_MSG,), jnp.float32)  # LN scale=False -> only center (beta)
    W1 = glorot(ks[4], (D_MSG, D_MSG))
    b1 = jnp.zeros((D_MSG,), jnp.float32)
    beta1 = jnp.zeros((D_MSG,), jnp.float32)
    return {"feat": feat, "edge_index": edge_index, "emb": emb,
            "W0": W0, "b0": b0, "beta0": beta0,
            "W1": W1, "b1": b1, "beta1": beta1}


def _gcn_layer(h, src, dst, norm_out, norm_in, W, b, beta):
    # DGL GraphConv with norm='both': D_src^{-1/2} A D_dst^{-1/2} h W + b, then activation
    hs = h * norm_out[:, None]
    m = jax.ops.segment_sum(hs[src], dst, num_segments=N)
    m = m * norm_in[:, None]
    out = jax.nn.relu(m @ W + b)
    # HeteroGraphConv residual
    out = h + out
    # keras LayerNormalization(scale=False): center with beta, no gamma
    mu = jnp.mean(out, axis=-1, keepdims=True)
    var = jnp.mean((out - mu) ** 2, axis=-1, keepdims=True)
    out = (out - mu) / jnp.sqrt(var + EPS) + beta
    return out


def reference(feat, edge_index, emb, W0, b0, beta0, W1, b1, beta1):
    src = edge_index[0]
    dst = edge_index[1]
    ones = jnp.ones((E,), jnp.float32)
    deg_out = jnp.clip(jax.ops.segment_sum(ones, src, num_segments=N), 1.0, None)
    deg_in = jnp.clip(jax.ops.segment_sum(ones, dst, num_segments=N), 1.0, None)
    norm_out = deg_out ** -0.5
    norm_in = deg_in ** -0.5
    # initial_h: concat(node features, tiled trainable embedding)
    h = jnp.concatenate([feat, jnp.tile(emb, (N, 1))], axis=1)
    h = _gcn_layer(h, src, dst, norm_out, norm_in, W0, b0, beta0)
    h = _gcn_layer(h, src, dst, norm_out, norm_in, W1, b1, beta1)
    return h

if __name__ == "__main__":
    import jax
    _d = setup_inputs()
    print(jax.jit(kernel)(*tuple(_d.values())))

</pallas_src>

<mosaic_0001>
#map = affine_map<(d0, d1) -> (0, 0, 0, 0)>
#map1 = affine_map<(d0, d1) -> (0, 0)>
module attributes {stable_mosaic.version = 14 : i64} {
  func.func @_deg_body(%arg0: i32, %arg1: i32, %arg2: memref<2x16x160x128xi32, #tpu.memory_space<hbm>>, %arg3: memref<2x10240xf32, #tpu.memory_space<hbm>>, %arg4: memref<160x128xi32, #tpu.memory_space<vmem>>, %arg5: memref<128xf32, #tpu.memory_space<vmem>>, %arg6: memref<640xf32, #tpu.memory_space<vmem>>, %arg7: memref<10240xf32, #tpu.memory_space<vmem_shared>>) attributes {dimension_semantics = [#tpu.dimension_semantics<core_parallel>, #tpu.dimension_semantics<subcore_parallel>], iteration_bounds = array<i64: 2, 16>, scalar_prefetch = 0 : i64, scratch_operands = 4 : i64, tpu.core_type = #tpu.core_type<sc_vector_subcore>, window_params = [{transform_indices = #map}, {transform_indices = #map1}]} {
    %scan3A = arith.constant 0 : i32
    %scan3A_0 = arith.constant 0 : i32
    %scan3A_1 = arith.constant 40 : i32
    %scan3A_2 = arith.addi %scan3A_0, %scan3A_1 : i32
    %scan3A_3 = arith.constant 1 : i32
    %scan3A_4 = scf.for %scan3A_26 = %scan3A_0 to %scan3A_2 step %scan3A_3 iter_args(%scan3A_27 = %scan3A) -> (i32)  : i32 {
      %broadcast_in_dim3A = arith.constant 0.000000e+00 : f32
      %broadcast_in_dim3A_28 = vector.broadcast %broadcast_in_dim3A : f32 to vector<16xf32>
      %mul3A_29 = arith.constant 16 : i32
      %mul3A_30 = arith.muli %scan3A_26, %mul3A_29 : i32
      %swap3A = arith.index_cast %mul3A_30 : i32 to index
      %swap3A_31 = tpu.vector_load %arg6[%swap3A] {strides = array<i32>} : memref<640xf32, #tpu.memory_space<vmem>>, vector<16xf32>,
      %swap3A_32 = vector.shape_cast %swap3A_31 : vector<16xf32> to vector<16xf32>
      %swap3A_33 = vector.shape_cast %broadcast_in_dim3A_28 : vector<16xf32> to vector<16xf32>
      tpu.vector_store %arg6[%swap3A], %swap3A_33 {strides = array<i32>} : memref<640xf32, #tpu.memory_space<vmem>>, vector<16xf32>,
      %scan3A_34 = arith.constant 0 : i32
      scf.yield %scan3A_34 : i32
    }
    %scan3A_5 = arith.constant 40 : i32
    %scan3A_6 = arith.constant 0 : i32
    %scan3A_7 = arith.constant 0 : i32
    %scan3A_8 = arith.constant 8 : i32
    %scan3A_9 = arith.addi %scan3A_7, %scan3A_8 : i32
    %scan3A_10 = arith.constant 1 : i32
    %scan3A_11 = scf.for %scan3A_26 = %scan3A_7 to %scan3A_9 step %scan3A_10 iter_args(%scan3A_27 = %scan3A_6) -> (i32)  : i32 {
      %broadcast_in_dim3A = arith.constant 1.000000e+00 : f32
      %broadcast_in_dim3A_28 = vector.broadcast %broadcast_in_dim3A : f32 to vector<16xf32>
      %mul3A_29 = arith.constant 16 : i32
      %mul3A_30 = arith.muli %scan3A_26, %mul3A_29 : i32
      %swap3A = arith.index_cast %mul3A_30 : i32 to index
      %swap3A_31 = tpu.vector_load %arg5[%swap3A] {strides = array<i32>} : memref<128xf32, #tpu.memory_space<vmem>>, vector<16xf32>,
      %swap3A_32 = vector.shape_cast %swap3A_31 : vector<16xf32> to vector<16xf32>
      %swap3A_33 = vector.shape_cast %broadcast_in_dim3A_28 : vector<16xf32> to vector<16xf32>
      tpu.vector_store %arg5[%swap3A], %swap3A_33 {strides = array<i32>} : memref<128xf32, #tpu.memory_space<vmem>>, vector<16xf32>,
      %scan3A_34 = arith.constant 0 : i32
      scf.yield %scan3A_34 : i32
    }
    %scan3A_12 = arith.constant 8 : i32
    "tpu.region"() ({
      %run_scoped3A = tpu.sem_alloc : memref<!tpu.dma_semaphore, #tpu.memory_space<semaphore_mem>>
      %dma_start3A = arith.constant 0 : i32
      %dma_start3A_26 = arith.constant 0 : i32
      %dma_start3A_27 = tpu.memref_slice %arg2[%arg0, %arg1, %dma_start3A, %dma_start3A_26] : memref<2x16x160x128xi32, #tpu.memory_space<hbm>> -> memref<1x1x160x128xi32, #tpu.memory_space<hbm>>
      %dma_start3A_28 = tpu.memref_squeeze %dma_start3A_27 : memref<1x1x160x128xi32, #tpu.memory_space<hbm>> -> memref<160x128xi32, #tpu.memory_space<hbm>>
      %dma_start3A_29 = arith.constant 0 : i32
      %dma_start3A_30 = arith.constant 0 : i32
      %dma_start3A_31 = tpu.memref_slice %arg2[%arg0, %arg1, %dma_start3A_29, %dma_start3A_30] : memref<2x16x160x128xi32, #tpu.memory_space<hbm>> -> memref<1x1x160x128xi32, #tpu.memory_space<hbm>>
      %dma_start3A_32 = tpu.memref_squeeze %dma_start3A_31 : memref<1x1x160x128xi32, #tpu.memory_space<hbm>> -> memref<160x128xi32, #tpu.memory_space<hbm>>
      tpu.enqueue_dma source(%dma_start3A_32 : memref<160x128xi32, #tpu.memory_space<hbm>>) target(%arg4 : memref<160x128xi32, #tpu.memory_space<vmem>>) target_semaphore(%run_scoped3A : memref<!tpu.dma_semaphore, #tpu.memory_space<semaphore_mem>>)
      %dma_wait3A = arith.constant 0 : i32
      %dma_wait3A_33 = arith.constant 0 : i32
      %dma_wait3A_34 = tpu.memref_slice %arg2[%arg0, %arg1, %dma_wait3A, %dma_wait3A_33] : memref<2x16x160x128xi32, #tpu.memory_space<hbm>> -> memref<1x1x160x128xi32, #tpu.memory_space<hbm>>
      %dma_wait3A_35 = tpu.memref_squeeze %dma_wait3A_34 : memref<1x1x160x128xi32, #tpu.memory_space<hbm>> -> memref<160x128xi32, #tpu.memory_space<hbm>>
      %dma_wait3A_36 = arith.constant 0 : i32
      %dma_wait3A_37 = arith.constant 0 : i32
      %dma_wait3A_38 = tpu.memref_slice %arg2[%arg0, %arg1, %dma_wait3A_36, %dma_wait3A_37] : memref<2x16x160x128xi32, #tpu.memory_space<hbm>> -> memref<1x1x160x128xi32, #tpu.memory_space<hbm>>
      %dma_wait3A_39 = tpu.memref_squeeze %dma_wait3A_38 : memref<1x1x160x128xi32, #tpu.memory_space<hbm>> -> memref<160x128xi32, #tpu.memory_space<hbm>>
      tpu.wait_dma2 semaphore(%run_scoped3A : memref<!tpu.dma_semaphore, #tpu.memory_space<semaphore_mem>>) src(%dma_wait3A_39 : memref<160x128xi32, #tpu.memory_space<hbm>>) dst(%arg4 : memref<160x128xi32, #tpu.memory_space<vmem>>)
      tpu.yield
    }) : () -> ()
    %mul3A = arith.constant 640 : i32
    %mul3A_13 = arith.muli %arg1, %mul3A : i32
    "tpu.region"() ({
      %run_scoped3A = tpu.sem_alloc : memref<!tpu.dma_semaphore, #tpu.memory_space<semaphore_mem>>
      %dma_start3A = tpu.memref_slice %arg7[%mul3A_13] : memref<10240xf32, #tpu.memory_space<vmem_shared>> -> memref<640xf32, #tpu.memory_space<vmem_shared>>
      %dma_start3A_26 = tpu.memref_slice %arg7[%mul3A_13] : memref<10240xf32, #tpu.memory_space<vmem_shared>> -> memref<640xf32, #tpu.memory_space<vmem_shared>>
      tpu.enqueue_dma source(%arg6 : memref<640xf32, #tpu.memory_space<vmem>>) target(%dma_start3A_26 : memref<640xf32, #tpu.memory_space<vmem_shared>>) target_semaphore(%run_scoped3A : memref<!tpu.dma_semaphore, #tpu.memory_space<semaphore_mem>>)
      %dma_wait3A = tpu.memref_slice %arg7[%mul3A_13] : memref<10240xf32, #tpu.memory_space<vmem_shared>> -> memref<640xf32, #tpu.memory_space<vmem_shared>>
      %dma_wait3A_27 = tpu.memref_slice %arg7[%mul3A_13] : memref<10240xf32, #tpu.memory_space<vmem_shared>> -> memref<640xf32, #tpu.memory_space<vmem_shared>>
      tpu.wait_dma2 semaphore(%run_scoped3A : memref<!tpu.dma_semaphore, #tpu.memory_space<semaphore_mem>>) src(%arg6 : memref<640xf32, #tpu.memory_space<vmem>>) dst(%dma_wait3A_27 : memref<640xf32, #tpu.memory_space<vmem_shared>>)
      tpu.yield
    }) : () -> ()
    %barrier3A = arith.constant 0 : index
    tpu.barrier barrier_id(%barrier3A)
    %scan3A_14 = arith.constant 0 : i32
    %scan3A_15 = arith.constant 0 : i32
    %scan3A_16 = arith.constant 160 : i32
    %scan3A_17 = arith.addi %scan3A_15, %scan3A_16 : i32
    %scan3A_18 = arith.constant 1 : i32
    %scan3A_19 = scf.for %scan3A_26 = %scan3A_15 to %scan3A_17 step %scan3A_18 iter_args(%scan3A_27 = %scan3A_14) -> (i32)  : i32 {
      "tpu.region"() ({
        %run_scoped3A = tpu.sem_alloc : memref<!tpu.dma_semaphore, #tpu.memory_space<semaphore_mem>>
        %dma_start3A = arith.constant 0 : i32
        %dma_start3A_29 = tpu.memref_slice %arg4[%scan3A_26, %dma_start3A] : memref<160x128xi32, #tpu.memory_space<vmem>> -> memref<1x128xi32, #tpu.memory_space<vmem>>
        %dma_start3A_30 = tpu.memref_squeeze %dma_start3A_29 : memref<1x128xi32, #tpu.memory_space<vmem>> -> memref<128xi32, #tpu.memory_space<vmem>>
        %dma_start3A_31 = arith.constant 0 : i32
        %dma_start3A_32 = tpu.memref_slice %arg7[%dma_start3A_31] : memref<10240xf32, #tpu.memory_space<vmem_shared>> -> memref<10240xf32, #tpu.memory_space<vmem_shared>>
        tpu.enqueue_indirect_dma source(%arg5 : memref<128xf32, #tpu.memory_space<vmem>>) target(%dma_start3A_32 : memref<10240xf32, #tpu.memory_space<vmem_shared>>) offsets(%dma_start3A_30 : memref<128xi32, #tpu.memory_space<vmem>>) semaphore(%run_scoped3A : memref<!tpu.dma_semaphore, #tpu.memory_space<semaphore_mem>>) {add = true}
        %dma_wait3A = arith.constant 0 : i32
        %dma_wait3A_33 = tpu.memref_slice %arg4[%scan3A_26, %dma_wait3A] : memref<160x128xi32, #tpu.memory_space<vmem>> -> memref<1x128xi32, #tpu.memory_space<vmem>>
        %dma_wait3A_34 = tpu.memref_squeeze %dma_wait3A_33 : memref<1x128xi32, #tpu.memory_space<vmem>> -> memref<128xi32, #tpu.memory_space<vmem>>
        %dma_wait3A_35 = arith.constant 0 : i32
        %dma_wait3A_36 = tpu.memref_slice %arg7[%dma_wait3A_35] : memref<10240xf32, #tpu.memory_space<vmem_shared>> -> memref<10240xf32, #tpu.memory_space<vmem_shared>>
        tpu.wait_indirect_dma semaphore(%run_scoped3A : memref<!tpu.dma_semaphore, #tpu.memory_space<semaphore_mem>>) src(%arg5 : memref<128xf32, #tpu.memory_space<vmem>>) dst(%dma_wait3A_36 : memref<10240xf32, #tpu.memory_space<vmem_shared>>)
        tpu.yield
      }) : () -> ()
      %scan3A_28 = arith.constant 0 : i32
      scf.yield %scan3A_28 : i32
    }
    %scan3A_20 = arith.constant 160 : i32
    %barrier3A_21 = arith.constant 0 : index
    tpu.barrier barrier_id(%barrier3A_21)
    %mul3A_22 = arith.constant 640 : i32
    %mul3A_23 = arith.muli %arg1, %mul3A_22 : i32
    %mul3A_24 = arith.constant 640 : i32
    %mul3A_25 = arith.muli %arg1, %mul3A_24 : i32
    "tpu.region"() ({
      %run_scoped3A = tpu.sem_alloc : memref<!tpu.dma_semaphore, #tpu.memory_space<semaphore_mem>>
      %dma_start3A = tpu.memref_slice %arg3[%arg0, %mul3A_25] : memref<2x10240xf32, #tpu.memory_space<hbm>> -> memref<1x640xf32, #tpu.memory_space<hbm>>
      %dma_start3A_26 = tpu.memref_squeeze %dma_start3A : memref<1x640xf32, #tpu.memory_space<hbm>> -> memref<640xf32, #tpu.memory_space<hbm>>
      %dma_start3A_27 = tpu.memref_slice %arg7[%mul3A_23] : memref<10240xf32, #tpu.memory_space<vmem_shared>> -> memref<640xf32, #tpu.memory_space<vmem_shared>>
      tpu.enqueue_dma source(%dma_start3A_27 : memref<640xf32, #tpu.memory_space<vmem_shared>>) target(%dma_start3A_26 : memref<640xf32, #tpu.memory_space<hbm>>) target_semaphore(%run_scoped3A : memref<!tpu.dma_semaphore, #tpu.memory_space<semaphore_mem>>)
      %dma_wait3A = tpu.memref_slice %arg3[%arg0, %mul3A_25] : memref<2x10240xf32, #tpu.memory_space<hbm>> -> memref<1x640xf32, #tpu.memory_space<hbm>>
      %dma_wait3A_28 = tpu.memref_squeeze %dma_wait3A : memref<1x640xf32, #tpu.memory_space<hbm>> -> memref<640xf32, #tpu.memory_space<hbm>>
      %dma_wait3A_29 = tpu.memref_slice %arg7[%mul3A_23] : memref<10240xf32, #tpu.memory_space<vmem_shared>> -> memref<640xf32, #tpu.memory_space<vmem_shared>>
      tpu.wait_dma2 semaphore(%run_scoped3A : memref<!tpu.dma_semaphore, #tpu.memory_space<semaphore_mem>>) src(%dma_wait3A_29 : memref<640xf32, #tpu.memory_space<vmem_shared>>) dst(%dma_wait3A_28 : memref<640xf32, #tpu.memory_space<hbm>>)
      tpu.yield
    }) : () -> ()
    return
  }
}

#map = affine_map<(d0, d1) -> (0, 0, 0, 0)>
#map1 = affine_map<(d0, d1) -> (0, 0, 0)>
#map2 = affine_map<(d0, d1) -> (0, 0)>
module attributes {stable_mosaic.version = 14 : i64} {
  func.func @_msg_body(%arg0: i32, %arg1: i32, %arg2: memref<2x16x160x128xi32, #tpu.memory_space<hbm>>, %arg3: memref<16x160x128xi32, #tpu.memory_space<hbm>>, %arg4: memref<20000x128xf32, #tpu.memory_space<hbm>>, %arg5: memref<2x10240x128xf32, #tpu.memory_space<hbm>>, %arg6: memref<2x128xi32, #tpu.memory_space<vmem>>, %arg7: memref<4x128xi32, #tpu.memory_space<vmem>>, %arg8: memref<128x128xf32, #tpu.memory_space<vmem>>, %arg9: memref<128x128xf32, #tpu.memory_space<vmem>>, %arg10: memref<10240x128xf32, #tpu.memory_space<vmem_shared>>, %arg11: memref<!tpu.dma_semaphore, #tpu.memory_space<semaphore_mem>>, %arg12: memref<!tpu.dma_semaphore, #tpu.memory_space<semaphore_mem>>, %arg13: memref<!tpu.dma_semaphore, #tpu.memory_space<semaphore_mem>>, %arg14: memref<!tpu.dma_semaphore, #tpu.memory_space<semaphore_mem>>, %arg15: memref<!tpu.dma_semaphore, #tpu.memory_space<semaphore_mem>>, %arg16: memref<!tpu.dma_semaphore, #tpu.memory_space<semaphore_mem>>, %arg17: memref<!tpu.dma_semaphore, #tpu.memory_space<semaphore_mem>>, %arg18: memref<!tpu.dma_semaphore, #tpu.memory_space<semaphore_mem>>, %arg19: memref<!tpu.dma_semaphore, #tpu.memory_space<semaphore_mem>>, %arg20: memref<!tpu.dma_semaphore, #tpu.memory_space<semaphore_mem>>) attributes {dimension_semantics = [#tpu.dimension_semantics<core_parallel>, #tpu.dimension_semantics<subcore_parallel>], iteration_bounds = array<i64: 2, 16>, scalar_prefetch = 0 : i64, scratch_operands = 15 : i64, tpu.core_type = #tpu.core_type<sc_vector_subcore>, window_params = [{transform_indices = #map}, {transform_indices = #map1}, {transform_indices = #map2}, {transform_indices = #map1}]} {
    %scan3A = arith.constant 0 : i32
    %scan3A_0 = arith.constant 0 : i32
    %scan3A_1 = arith.constant 1024 : i32
    %scan3A_2 = arith.addi %scan3A_0, %scan3A_1 : i32
    %scan3A_3 = arith.constant 1 : i32
    %scan3A_4 = scf.for %scan3A_74 = %scan3A_0 to %scan3A_2 step %scan3A_3 iter_args(%scan3A_75 = %scan3A) -> (i32)  : i32 {
      %jit3A = arith.constant 8 : i32
      %div3A = arith.divsi %scan3A_74, %jit3A : i32
      %sign3A = arith.constant 0 : i32
      %sign3A_76 = arith.cmpi sgt, %scan3A_74, %sign3A : i32
      %sign3A_77 = arith.extui %sign3A_76 : i1 to i32
      %sign3A_78 = arith.constant 0 : i32
      %sign3A_79 = arith.cmpi slt, %scan3A_74, %sign3A_78 : i32
      %sign3A_80 = arith.extui %sign3A_79 : i1 to i32
      %sign3A_81 = arith.subi %sign3A_77, %sign3A_80 : i32
      %sign3A_82 = arith.constant 0 : i32
      %sign3A_83 = arith.cmpi sgt, %jit3A, %sign3A_82 : i32
      %sign3A_84 = arith.extui %sign3A_83 : i1 to i32
      %sign3A_85 = arith.constant 0 : i32
      %sign3A_86 = arith.cmpi slt, %jit3A, %sign3A_85 : i32
      %sign3A_87 = arith.extui %sign3A_86 : i1 to i32
      %sign3A_88 = arith.subi %sign3A_84, %sign3A_87 : i32
      %ne3A = arith.cmpi ne, %sign3A_81, %sign3A_88 : i32
      %rem3A = arith.remsi %scan3A_74, %jit3A : i32
      %ne3A_89 = arith.constant 0 : i32
      %ne3A_90 = arith.cmpi ne, %rem3A, %ne3A_89 : i32
      %and3A = arith.andi %ne3A, %ne3A_90 : i1
      %sub3A = arith.constant 1 : i32
      %sub3A_91 = arith.subi %div3A, %sub3A : i32
      %select_n3A = arith.select %and3A, %sub3A_91, %div3A : i32
      %jit3A_92 = arith.constant 8 : i32
      %eq3A = arith.constant 0 : i32
      %eq3A_93 = arith.cmpi eq, %jit3A_92, %eq3A : i32
      %jit3A_94 = arith.constant 1 : i32
      %select_n3A_95 = arith.select %eq3A_93, %jit3A_94, %jit3A_92 : i32
      %rem3A_96 = arith.remsi %scan3A_74, %select_n3A_95 : i32
      %ne3A_97 = arith.constant 0 : i32
      %ne3A_98 = arith.cmpi ne, %rem3A_96, %ne3A_97 : i32
      %lt3A = arith.constant 0 : i32
      %lt3A_99 = arith.cmpi slt, %rem3A_96, %lt3A : i32
      %lt3A_100 = arith.constant 0 : i32
      %lt3A_101 = arith.cmpi slt, %select_n3A_95, %lt3A_100 : i32
      %ne3A_102 = arith.xori %lt3A_99, %lt3A_101 : i1
      %and3A_103 = arith.andi %ne3A_102, %ne3A_98 : i1
      %add3A = arith.addi %rem3A_96, %select_n3A_95 : i32
      %select_n3A_104 = arith.select %and3A_103, %add3A, %rem3A_96 : i32
      %broadcast_in_dim3A = arith.constant 0.000000e+00 : f32
      %broadcast_in_dim3A_105 = vector.broadcast %broadcast_in_dim3A : f32 to vector<16xf32>
      %mul3A_106 = arith.constant 16 : i32
      %mul3A_107 = arith.muli %select_n3A_104, %mul3A_106 : i32
      %swap3A = arith.index_cast %select_n3A : i32 to index
      %swap3A_108 = arith.index_cast %mul3A_107 : i32 to index
      %swap3A_109 = tpu.vector_load %arg8[%swap3A, %swap3A_108] {strides = array<i32>} : memref<128x128xf32, #tpu.memory_space<vmem>>, vector<1x16xf32>,
      %swap3A_110 = vector.shape_cast %swap3A_109 : vector<1x16xf32> to vector<16xf32>
      %swap3A_111 = vector.shape_cast %broadcast_in_dim3A_105 : vector<16xf32> to vector<1x16xf32>
      tpu.vector_store %arg8[%swap3A, %swap3A_108], %swap3A_111 {strides = array<i32>} : memref<128x128xf32, #tpu.memory_space<vmem>>, vector<1x16xf32>,
      %scan3A_112 = arith.constant 0 : i32
      scf.yield %scan3A_112 : i32
    }
    %scan3A_5 = arith.constant 1024 : i32
    %scan3A_6 = arith.constant 0 : i32
    %scan3A_7 = arith.constant 0 : i32
    %scan3A_8 = arith.constant 5 : i32
    %scan3A_9 = arith.addi %scan3A_7, %scan3A_8 : i32
    %scan3A_10 = arith.constant 1 : i32
    %scan3A_11 = scf.for %scan3A_74 = %scan3A_7 to %scan3A_9 step %scan3A_10 iter_args(%scan3A_75 = %scan3A_6) -> (i32)  : i32 {
      %mul3A_76 = arith.constant 640 : i32
      %mul3A_77 = arith.muli %arg1, %mul3A_76 : i32
      %mul3A_78 = arith.constant 128 : i32
      %mul3A_79 = arith.muli %scan3A_74, %mul3A_78 : i32
      %add3A = arith.addi %mul3A_77, %mul3A_79 : i32
      "tpu.region"() ({
        %run_scoped3A_81 = tpu.sem_alloc : memref<!tpu.dma_semaphore, #tpu.memory_space<semaphore_mem>>
        %dma_start3A_82 = arith.constant 0 : i32
        %dma_start3A_83 = tpu.memref_slice %arg10[%add3A, %dma_start3A_82] : memref<10240x128xf32, #tpu.memory_space<vmem_shared>> -> memref<128x128xf32, #tpu.memory_space<vmem_shared>>
        %dma_start3A_84 = arith.constant 0 : i32
        %dma_start3A_85 = tpu.memref_slice %arg10[%add3A, %dma_start3A_84] : memref<10240x128xf32, #tpu.memory_space<vmem_shared>> -> memref<128x128xf32, #tpu.memory_space<vmem_shared>>
        tpu.enqueue_dma source(%arg8 : memref<128x128xf32, #tpu.memory_space<vmem>>) target(%dma_start3A_85 : memref<128x128xf32, #tpu.memory_space<vmem_shared>>) target_semaphore(%run_scoped3A_81 : memref<!tpu.dma_semaphore, #tpu.memory_space<semaphore_mem>>)
        %dma_wait3A_86 = arith.constant 0 : i32
        %dma_wait3A_87 = tpu.memref_slice %arg10[%add3A, %dma_wait3A_86] : memref<10240x128xf32, #tpu.memory_space<vmem_shared>> -> memref<128x128xf32, #tpu.memory_space<vmem_shared>>
        %dma_wait3A_88 = arith.constant 0 : i32
        %dma_wait3A_89 = tpu.memref_slice %arg10[%add3A, %dma_wait3A_88] : memref<10240x128xf32, #tpu.memory_space<vmem_shared>> -> memref<128x128xf32, #tpu.memory_space<vmem_shared>>
        tpu.wait_dma2 semaphore(%run_scoped3A_81 : memref<!tpu.dma_semaphore, #tpu.memory_space<semaphore_mem>>) src(%arg8 : memref<128x128xf32, #tpu.memory_space<vmem>>) dst(%dma_wait3A_89 : memref<128x128xf32, #tpu.memory_space<vmem_shared>>)
        tpu.yield
      }) : () -> ()
      %scan3A_80 = arith.constant 0 : i32
      scf.yield %scan3A_80 : i32
    }
    %scan3A_12 = arith.constant 5 : i32
    %barrier3A = arith.constant 0 : index
    tpu.barrier barrier_id(%barrier3A)
    %run_scoped3A = arith.constant 0 : i32
    %run_scoped3A_13 = arith.constant 0 : i32
    "tpu.region"() ({
      %run_scoped3A_74 = tpu.sem_alloc : memref<!tpu.dma_semaphore, #tpu.memory_space<semaphore_mem>>
      %dma_start3A_75 = arith.constant 0 : i32
      %dma_start3A_76 = tpu.memref_slice %arg6[%run_scoped3A_13, %dma_start3A_75] : memref<2x128xi32, #tpu.memory_space<vmem>> -> memref<1x128xi32, #tpu.memory_space<vmem>>
      %dma_start3A_77 = tpu.memref_squeeze %dma_start3A_76 : memref<1x128xi32, #tpu.memory_space<vmem>> -> memref<128xi32, #tpu.memory_space<vmem>>
      %dma_start3A_78 = arith.constant 0 : i32
      %dma_start3A_79 = tpu.memref_slice %arg2[%arg0, %arg1, %run_scoped3A, %dma_start3A_78] : memref<2x16x160x128xi32, #tpu.memory_space<hbm>> -> memref<1x1x1x128xi32, #tpu.memory_space<hbm>>
      %dma_start3A_80 = tpu.memref_squeeze %dma_start3A_79 : memref<1x1x1x128xi32, #tpu.memory_space<hbm>> -> memref<128xi32, #tpu.memory_space<hbm>>
      %dma_start3A_81 = arith.constant 0 : i32
      %dma_start3A_82 = tpu.memref_slice %arg6[%run_scoped3A_13, %dma_start3A_81] : memref<2x128xi32, #tpu.memory_space<vmem>> -> memref<1x128xi32, #tpu.memory_space<vmem>>
      %dma_start3A_83 = tpu.memref_squeeze %dma_start3A_82 : memref<1x128xi32, #tpu.memory_space<vmem>> -> memref<128xi32, #tpu.memory_space<vmem>>
      %dma_start3A_84 = arith.constant 0 : i32
      %dma_start3A_85 = tpu.memref_slice %arg2[%arg0, %arg1, %run_scoped3A, %dma_start3A_84] : memref<2x16x160x128xi32, #tpu.memory_space<hbm>> -> memref<1x1x1x128xi32, #tpu.memory_space<hbm>>
      %dma_start3A_86 = tpu.memref_squeeze %dma_start3A_85 : memref<1x1x1x128xi32, #tpu.memory_space<hbm>> -> memref<128xi32, #tpu.memory_space<hbm>>
      tpu.enqueue_dma source(%dma_start3A_86 : memref<128xi32, #tpu.memory_space<hbm>>) target(%dma_start3A_83 : memref<128xi32, #tpu.memory_space<vmem>>) target_semaphore(%run_scoped3A_74 : memref<!tpu.dma_semaphore, #tpu.memory_space<semaphore_mem>>)
      %dma_wait3A_87 = arith.constant 0 : i32
      %dma_wait3A_88 = tpu.memref_slice %arg6[%run_scoped3A_13, %dma_wait3A_87] : memref<2x128xi32, #tpu.memory_space<vmem>> -> memref<1x128xi32, #tpu.memory_space<vmem>>
      %dma_wait3A_89 = tpu.memref_squeeze %dma_wait3A_88 : memref<1x128xi32, #tpu.memory_space<vmem>> -> memref<128xi32, #tpu.memory_space<vmem>>
      %dma_wait3A_90 = arith.constant 0 : i32
      %dma_wait3A_91 = tpu.memref_slice %arg2[%arg0, %arg1, %run_scoped3A, %dma_wait3A_90] : memref<2x16x160x128xi32, #tpu.memory_space<hbm>> -> memref<1x1x1x128xi32, #tpu.memory_space<hbm>>
      %dma_wait3A_92 = tpu.memref_squeeze %dma_wait3A_91 : memref<1x1x1x128xi32, #tpu.memory_space<hbm>> -> memref<128xi32, #tpu.memory_space<hbm>>
      %dma_wait3A_93 = arith.constant 0 : i32
      %dma_wait3A_94 = tpu.memref_slice %arg6[%run_scoped3A_13, %dma_wait3A_93] : memref<2x128xi32, #tpu.memory_space<vmem>> -> memref<1x128xi32, #tpu.memory_space<vmem>>
      %dma_wait3A_95 = tpu.memref_squeeze %dma_wait3A_94 : memref<1x128xi32, #tpu.memory_space<vmem>> -> memref<128xi32, #tpu.memory_space<vmem>>
      %dma_wait3A_96 = arith.constant 0 : i32
      %dma_wait3A_97 = tpu.memref_slice %arg2[%arg0, %arg1, %run_scoped3A, %dma_wait3A_96] : memref<2x16x160x128xi32, #tpu.memory_space<hbm>> -> memref<1x1x1x128xi32, #tpu.memory_space<hbm>>
      %dma_wait3A_98 = tpu.memref_squeeze %dma_wait3A_97 : memref<1x1x1x128xi32, #tpu.memory_space<hbm>> -> memref<128xi32, #tpu.memory_space<hbm>>
      tpu.wait_dma2 semaphore(%run_scoped3A_74 : memref<!tpu.dma_semaphore, #tpu.memory_space<semaphore_mem>>) src(%dma_wait3A_98 : memref<128xi32, #tpu.memory_space<hbm>>) dst(%dma_wait3A_95 : memref<128xi32, #tpu.memory_space<vmem>>)
      tpu.yield
    }) : () -> ()
    %run_scoped3A_14 = arith.constant 0 : i32
    %run_scoped3A_15 = arith.constant 0 : i32
    "tpu.region"() ({
      %run_scoped3A_74 = tpu.sem_alloc : memref<!tpu.dma_semaphore, #tpu.memory_space<semaphore_mem>>
      %dma_start3A_75 = arith.constant 0 : i32
      %dma_start3A_76 = tpu.memref_slice %arg7[%run_scoped3A_15, %dma_start3A_75] : memref<4x128xi32, #tpu.memory_space<vmem>> -> memref<1x128xi32, #tpu.memory_space<vmem>>
      %dma_start3A_77 = tpu.memref_squeeze %dma_start3A_76 : memref<1x128xi32, #tpu.memory_space<vmem>> -> memref<128xi32, #tpu.memory_space<vmem>>
      %dma_start3A_78 = arith.constant 0 : i32
      %dma_start3A_79 = tpu.memref_slice %arg3[%arg1, %run_scoped3A_14, %dma_start3A_78] : memref<16x160x128xi32, #tpu.memory_space<hbm>> -> memref<1x1x128xi32, #tpu.memory_space<hbm>>
      %dma_start3A_80 = tpu.memref_squeeze %dma_start3A_79 : memref<1x1x128xi32, #tpu.memory_space<hbm>> -> memref<128xi32, #tpu.memory_space<hbm>>
      %dma_start3A_81 = arith.constant 0 : i32
      %dma_start3A_82 = tpu.memref_slice %arg7[%run_scoped3A_15, %dma_start3A_81] : memref<4x128xi32, #tpu.memory_space<vmem>> -> memref<1x128xi32, #tpu.memory_space<vmem>>
      %dma_start3A_83 = tpu.memref_squeeze %dma_start3A_82 : memref<1x128xi32, #tpu.memory_space<vmem>> -> memref<128xi32, #tpu.memory_space<vmem>>
      %dma_start3A_84 = arith.constant 0 : i32
      %dma_start3A_85 = tpu.memref_slice %arg3[%arg1, %run_scoped3A_14, %dma_start3A_84] : memref<16x160x128xi32, #tpu.memory_space<hbm>> -> memref<1x1x128xi32, #tpu.memory_space<hbm>>
      %dma_start3A_86 = tpu.memref_squeeze %dma_start3A_85 : memref<1x1x128xi32, #tpu.memory_space<hbm>> -> memref<128xi32, #tpu.memory_space<hbm>>
      tpu.enqueue_dma source(%dma_start3A_86 : memref<128xi32, #tpu.memory_space<hbm>>) target(%dma_start3A_83 : memref<128xi32, #tpu.memory_space<vmem>>) target_semaphore(%run_scoped3A_74 : memref<!tpu.dma_semaphore, #tpu.memory_space<semaphore_mem>>)
      %dma_wait3A_87 = arith.constant 0 : i32
      %dma_wait3A_88 = tpu.memref_slice %arg7[%run_scoped3A_15, %dma_wait3A_87] : memref<4x128xi32, #tpu.memory_space<vmem>> -> memref<1x128xi32, #tpu.memory_space<vmem>>
      %dma_wait3A_89 = tpu.memref_squeeze %dma_wait3A_88 : memref<1x128xi32, #tpu.memory_space<vmem>> -> memref<128xi32, #tpu.memory_space<vmem>>
      %dma_wait3A_90 = arith.constant 0 : i32
      %dma_wait3A_91 = tpu.memref_slice %arg3[%arg1, %run_scoped3A_14, %dma_wait3A_90] : memref<16x160x128xi32, #tpu.memory_space<hbm>> -> memref<1x1x128xi32, #tpu.memory_space<hbm>>
      %dma_wait3A_92 = tpu.memref_squeeze %dma_wait3A_91 : memref<1x1x128xi32, #tpu.memory_space<hbm>> -> memref<128xi32, #tpu.memory_space<hbm>>
      %dma_wait3A_93 = arith.constant 0 : i32
      %dma_wait3A_94 = tpu.memref_slice %arg7[%run_scoped3A_15, %dma_wait3A_93] : memref<4x128xi32, #tpu.memory_space<vmem>> -> memref<1x128xi32, #tpu.memory_space<vmem>>
      %dma_wait3A_95 = tpu.memref_squeeze %dma_wait3A_94 : memref<1x128xi32, #tpu.memory_space<vmem>> -> memref<128xi32, #tpu.memory_space<vmem>>
      %dma_wait3A_96 = arith.constant 0 : i32
      %dma_wait3A_97 = tpu.memref_slice %arg3[%arg1, %run_scoped3A_14, %dma_wait3A_96] : memref<16x160x128xi32, #tpu.memory_space<hbm>> -> memref<1x1x128xi32, #tpu.memory_space<hbm>>
      %dma_wait3A_98 = tpu.memref_squeeze %dma_wait3A_97 : memref<1x1x128xi32, #tpu.memory_space<hbm>> -> memref<128xi32, #tpu.memory_space<hbm>>
      tpu.wait_dma2 semaphore(%run_scoped3A_74 : memref<!tpu.dma_semaphore, #tpu.memory_space<semaphore_mem>>) src(%dma_wait3A_98 : memref<128xi32, #tpu.memory_space<hbm>>) dst(%dma_wait3A_95 : memref<128xi32, #tpu.memory_space<vmem>>)
      tpu.yield
    }) : () -> ()
    %dma_start3A = arith.constant 0 : i32
    %dma_start3A_16 = arith.constant 0 : i32
    %dma_start3A_17 = tpu.memref_slice %arg6[%dma_start3A, %dma_start3A_16] : memref<2x128xi32, #tpu.memory_space<vmem>> -> memref<1x128xi32, #tpu.memory_space<vmem>>
    %dma_start3A_18 = tpu.memref_squeeze %dma_start3A_17 : memref<1x128xi32, #tpu.memory_space<vmem>> -> memref<128xi32, #tpu.memory_space<vmem>>
    %dma_start3A_19 = arith.constant 0 : i32
    %dma_start3A_20 = arith.constant 0 : i32
    %dma_start3A_21 = tpu.memref_slice %arg4[%dma_start3A_19, %dma_start3A_20] : memref<20000x128xf32, #tpu.memory_space<hbm>> -> memref<20000x128xf32, #tpu.memory_space<hbm>>
    tpu.enqueue_indirect_dma source(%dma_start3A_21 : memref<20000x128xf32, #tpu.memory_space<hbm>>) target(%arg8 : memref<128x128xf32, #tpu.memory_space<vmem>>) offsets(%dma_start3A_18 : memref<128xi32, #tpu.memory_space<vmem>>) semaphore(%arg11 : memref<!tpu.dma_semaphore, #tpu.memory_space<semaphore_mem>>)
    %dma_start3A_22 = arith.constant 1 : i32
    %dma_start3A_23 = arith.constant 1 : i32
    %dma_start3A_24 = arith.constant 0 : i32
    %dma_start3A_25 = tpu.memref_slice %arg6[%dma_start3A_23, %dma_start3A_24] : memref<2x128xi32, #tpu.memory_space<vmem>> -> memref<1x128xi32, #tpu.memory_space<vmem>>
    %dma_start3A_26 = tpu.memref_squeeze %dma_start3A_25 : memref<1x128xi32, #tpu.memory_space<vmem>> -> memref<128xi32, #tpu.memory_space<vmem>>
    %dma_start3A_27 = arith.constant 0 : i32
    %dma_start3A_28 = tpu.memref_slice %arg2[%arg0, %arg1, %dma_start3A_22, %dma_start3A_27] : memref<2x16x160x128xi32, #tpu.memory_space<hbm>> -> memref<1x1x1x128xi32, #tpu.memory_space<hbm>>
    %dma_start3A_29 = tpu.memref_squeeze %dma_start3A_28 : memref<1x1x1x128xi32, #tpu.memory_space<hbm>> -> memref<128xi32, #tpu.memory_space<hbm>>
    %dma_start3A_30 = arith.constant 0 : i32
    %dma_start3A_31 = tpu.memref_slice %arg6[%dma_start3A_23, %dma_start3A_30] : memref<2x128xi32, #tpu.memory_space<vmem>> -> memref<1x128xi32, #tpu.memory_space<vmem>>
    %dma_start3A_32 = tpu.memref_squeeze %dma_start3A_31 : memref<1x128xi32, #tpu.memory_space<vmem>> -> memref<128xi32, #tpu.memory_space<vmem>>
    %dma_start3A_33 = arith.constant 0 : i32
    %dma_start3A_34 = tpu.memref_slice %arg2[%arg0, %arg1, %dma_start3A_22, %dma_start3A_33] : memref<2x16x160x128xi32, #tpu.memory_space<hbm>> -> memref<1x1x1x128xi32, #tpu.memory_space<hbm>>
    %dma_start3A_35 = tpu.memref_squeeze %dma_start3A_34 : memref<1x1x1x128xi32, #tpu.memory_space<hbm>> -> memref<128xi32, #tpu.memory_space<hbm>>
    tpu.enqueue_dma source(%dma_start3A_35 : memref<128xi32, #tpu.memory_space<hbm>>) target(%dma_start3A_32 : memref<128xi32, #tpu.memory_space<vmem>>) target_semaphore(%arg16 : memref<!tpu.dma_semaphore, #tpu.memory_space<semaphore_mem>>)
    %dma_start3A_36 = arith.constant 1 : i32
    %dma_start3A_37 = arith.constant 1 : i32
    %dma_start3A_38 = arith.constant 0 : i32
    %dma_start3A_39 = tpu.memref_slice %arg7[%dma_start3A_37, %dma_start3A_38] : memref<4x128xi32, #tpu.memory_space<vmem>> -> memref<1x128xi32, #tpu.memory_space<vmem>>
    %dma_start3A_40 = tpu.memref_squeeze %dma_start3A_39 : memref<1x128xi32, #tpu.memory_space<vmem>> -> memref<128xi32, #tpu.memory_space<vmem>>
    %dma_start3A_41 = arith.constant 0 : i32
    %dma_start3A_42 = tpu.memref_slice %arg3[%arg1, %dma_start3A_36, %dma_start3A_41] : memref<16x160x128xi32, #tpu.memory_space<hbm>> -> memref<1x1x128xi32, #tpu.memory_space<hbm>>
    %dma_start3A_43 = tpu.memref_squeeze %dma_start3A_42 : memref<1x1x128xi32, #tpu.memory_space<hbm>> -> memref<128xi32, #tpu.memory_space<hbm>>
    %dma_start3A_44 = arith.constant 0 : i32
    %dma_start3A_45 = tpu.memref_slice %arg7[%dma_start3A_37, %dma_start3A_44] : memref<4x128xi32, #tpu.memory_space<vmem>> -> memref<1x128xi32, #tpu.memory_space<vmem>>
    %dma_start3A_46 = tpu.memref_squeeze %dma_start3A_45 : memref<1x128xi32, #tpu.memory_space<vmem>> -> memref<128xi32, #tpu.memory_space<vmem>>
    %dma_start3A_47 = arith.constant 0 : i32
    %dma_start3A_48 = tpu.memref_slice %arg3[%arg1, %dma_start3A_36, %dma_start3A_47] : memref<16x160x128xi32, #tpu.memory_space<hbm>> -> memref<1x1x128xi32, #tpu.memory_space<hbm>>
    %dma_start3A_49 = tpu.memref_squeeze %dma_start3A_48 : memref<1x1x128xi32, #tpu.memory_space<hbm>> -> memref<128xi32, #tpu.memory_space<hbm>>
    tpu.enqueue_dma source(%dma_start3A_49 : memref<128xi32, #tpu.memory_space<hbm>>) target(%dma_start3A_46 : memref<128xi32, #tpu.memory_space<vmem>>) target_semaphore(%arg18 : memref<!tpu.dma_semaphore, #tpu.memory_space<semaphore_mem>>)
    %scan3A_50 = arith.constant 0 : i32
    %scan3A_51 = arith.constant 0 : i32
    %scan3A_52 = arith.constant 40 : i32
    %scan3A_53 = arith.addi %scan3A_51, %scan3A_52 : i32
    %scan3A_54 = arith.constant 1 : i32
    %scan3A_55 = scf.for %scan3A_74 = %scan3A_51 to %scan3A_53 step %scan3A_54 iter_args(%scan3A_75 = %scan3A_50) -> (i32)  : i32 {
      %mul3A_76 = arith.constant 4 : i32
      %mul3A_77 = arith.muli %mul3A_76, %scan3A_74 : i32
      %add3A = arith.constant 0 : i32
      %add3A_78 = arith.addi %mul3A_77, %add3A : i32
      %add3A_79 = arith.constant 1 : i32
      %add3A_80 = arith.addi %add3A_78, %add3A_79 : i32
      %lt3A = arith.constant 160 : i32
      %lt3A_81 = arith.cmpi slt, %add3A_80, %lt3A : i32
      %convert_element_type3A = arith.extui %lt3A_81 : i1 to i32
      %cond3A = arith.constant 0 : i32
      %cond3A_82 = arith.cmpi ne, %convert_element_type3A, %cond3A : i32
      scf.if %cond3A_82 {
        %add3A_201 = arith.constant 1 : i32
        %add3A_202 = arith.addi %add3A_78, %add3A_201 : i32
        %dma_wait3A_203 = arith.constant 1 : i32
        %dma_wait3A_204 = arith.constant 0 : i32
        %dma_wait3A_205 = tpu.memref_slice %arg6[%dma_wait3A_203, %dma_wait3A_204] : memref<2x128xi32, #tpu.memory_space<vmem>> -> memref<1x128xi32, #tpu.memory_space<vmem>>
        %dma_wait3A_206 = tpu.memref_squeeze %dma_wait3A_205 : memref<1x128xi32, #tpu.memory_space<vmem>> -> memref<128xi32, #tpu.memory_space<vmem>>
        %dma_wait3A_207 = arith.constant 0 : i32
        %dma_wait3A_208 = tpu.memref_slice %arg2[%arg0, %arg1, %add3A_202, %dma_wait3A_207] : memref<2x16x160x128xi32, #tpu.memory_space<hbm>> -> memref<1x1x1x128xi32, #tpu.memory_space<hbm>>
        %dma_wait3A_209 = tpu.memref_squeeze %dma_wait3A_208 : memref<1x1x1x128xi32, #tpu.memory_space<hbm>> -> memref<128xi32, #tpu.memory_space<hbm>>
        %dma_wait3A_210 = arith.constant 0 : i32
        %dma_wait3A_211 = tpu.memref_slice %arg6[%dma_wait3A_203, %dma_wait3A_210] : memref<2x128xi32, #tpu.memory_space<vmem>> -> memref<1x128xi32, #tpu.memory_space<vmem>>
        %dma_wait3A_212 = tpu.memref_squeeze %dma_wait3A_211 : memref<1x128xi32, #tpu.memory_space<vmem>> -> memref<128xi32, #tpu.memory_space<vmem>>
        %dma_wait3A_213 = arith.constant 0 : i32
        %dma_wait3A_214 = tpu.memref_slice %arg2[%arg0, %arg1, %add3A_202, %dma_wait3A_213] : memref<2x16x160x128xi32, #tpu.memory_space<hbm>> -> memref<1x1x1x128xi32, #tpu.memory_space<hbm>>
        %dma_wait3A_215 = tpu.memref_squeeze %dma_wait3A_214 : memref<1x1x1x128xi32, #tpu.memory_space<hbm>> -> memref<128xi32, #tpu.memory_space<hbm>>
        tpu.wait_dma2 semaphore(%arg16 : memref<!tpu.dma_semaphore, #tpu.memory_space<semaphore_mem>>) src(%dma_wait3A_215 : memref<128xi32, #tpu.memory_space<hbm>>) dst(%dma_wait3A_212 : memref<128xi32, #tpu.memory_space<vmem>>)
        %add3A_216 = arith.constant 1 : i32
        %add3A_217 = arith.addi %add3A_78, %add3A_216 : i32
        %dma_wait3A_218 = arith.constant 1 : i32
        %dma_wait3A_219 = arith.constant 0 : i32
        %dma_wait3A_220 = tpu.memref_slice %arg7[%dma_wait3A_218, %dma_wait3A_219] : memref<4x128xi32, #tpu.memory_space<vmem>> -> memref<1x128xi32, #tpu.memory_space<vmem>>
        %dma_wait3A_221 = tpu.memref_squeeze %dma_wait3A_220 : memref<1x128xi32, #tpu.memory_space<vmem>> -> memref<128xi32, #tpu.memory_space<vmem>>
        %dma_wait3A_222 = arith.constant 0 : i32
        %dma_wait3A_223 = tpu.memref_slice %arg3[%arg1, %add3A_217, %dma_wait3A_222] : memref<16x160x128xi32, #tpu.memory_space<hbm>> -> memref<1x1x128xi32, #tpu.memory_space<hbm>>
        %dma_wait3A_224 = tpu.memref_squeeze %dma_wait3A_223 : memref<1x1x128xi32, #tpu.memory_space<hbm>> -> memref<128xi32, #tpu.memory_space<hbm>>
        %dma_wait3A_225 = arith.constant 0 : i32
        %dma_wait3A_226 = tpu.memref_slice %arg7[%dma_wait3A_218, %dma_wait3A_225] : memref<4x128xi32, #tpu.memory_space<vmem>> -> memref<1x128xi32, #tpu.memory_space<vmem>>
        %dma_wait3A_227 = tpu.memref_squeeze %dma_wait3A_226 : memref<1x128xi32, #tpu.memory_space<vmem>> -> memref<128xi32, #tpu.memory_space<vmem>>
        %dma_wait3A_228 = arith.constant 0 : i32
        %dma_wait3A_229 = tpu.memref_slice %arg3[%arg1, %add3A_217, %dma_wait3A_228] : memref<16x160x128xi32, #tpu.memory_space<hbm>> -> memref<1x1x128xi32, #tpu.memory_space<hbm>>
        %dma_wait3A_230 = tpu.memref_squeeze %dma_wait3A_229 : memref<1x1x128xi32, #tpu.memory_space<hbm>> -> memref<128xi32, #tpu.memory_space<hbm>>
        tpu.wait_dma2 semaphore(%arg18 : memref<!tpu.dma_semaphore, #tpu.memory_space<semaphore_mem>>) src(%dma_wait3A_230 : memref<128xi32, #tpu.memory_space<hbm>>) dst(%dma_wait3A_227 : memref<128xi32, #tpu.memory_space<vmem>>)
        %ge3A = arith.constant 1 : i32
        %ge3A_231 = arith.cmpi sge, %add3A_78, %ge3A : i32
        %convert_element_type3A_232 = arith.extui %ge3A_231 : i1 to i32
        %cond3A_233 = arith.constant 0 : i32
        %cond3A_234 = arith.cmpi ne, %convert_element_type3A_232, %cond3A_233 : i32
        scf.if %cond3A_234 {
          %dma_wait3A_242 = arith.constant 3 : i32
          %dma_wait3A_243 = arith.constant 0 : i32
          %dma_wait3A_244 = tpu.memref_slice %arg7[%dma_wait3A_242, %dma_wait3A_243] : memref<4x128xi32, #tpu.memory_space<vmem>> -> memref<1x128xi32, #tpu.memory_space<vmem>>
          %dma_wait3A_245 = tpu.memref_squeeze %dma_wait3A_244 : memref<1x128xi32, #tpu.memory_space<vmem>> -> memref<128xi32, #tpu.memory_space<vmem>>
          %dma_wait3A_246 = arith.constant 0 : i32
          %dma_wait3A_247 = arith.constant 0 : i32
          %dma_wait3A_248 = tpu.memref_slice %arg10[%dma_wait3A_246, %dma_wait3A_247] : memref<10240x128xf32, #tpu.memory_space<vmem_shared>> -> memref<10240x128xf32, #tpu.memory_space<vmem_shared>>
          tpu.wait_indirect_dma semaphore(%arg14 : memref<!tpu.dma_semaphore, #tpu.memory_space<semaphore_mem>>) src(%arg9 : memref<128x128xf32, #tpu.memory_space<vmem>>) dst(%dma_wait3A_248 : memref<10240x128xf32, #tpu.memory_space<vmem_shared>>)
        } else {
        }
        %dma_start3A_235 = arith.constant 1 : i32
        %dma_start3A_236 = arith.constant 0 : i32
        %dma_start3A_237 = tpu.memref_slice %arg6[%dma_start3A_235, %dma_start3A_236] : memref<2x128xi32, #tpu.memory_space<vmem>> -> memref<1x128xi32, #tpu.memory_space<vmem>>
        %dma_start3A_238 = tpu.memref_squeeze %dma_start3A_237 : memref<1x128xi32, #tpu.memory_space<vmem>> -> memref<128xi32, #tpu.memory_space<vmem>>
        %dma_start3A_239 = arith.constant 0 : i32
        %dma_start3A_240 = arith.constant 0 : i32
        %dma_start3A_241 = tpu.memref_slice %arg4[%dma_start3A_239, %dma_start3A_240] : memref<20000x128xf32, #tpu.memory_space<hbm>> -> memref<20000x128xf32, #tpu.memory_space<hbm>>
        tpu.enqueue_indirect_dma source(%dma_start3A_241 : memref<20000x128xf32, #tpu.memory_space<hbm>>) target(%arg9 : memref<128x128xf32, #tpu.memory_space<vmem>>) offsets(%dma_start3A_238 : memref<128xi32, #tpu.memory_space<vmem>>) semaphore(%arg12 : memref<!tpu.dma_semaphore, #tpu.memory_space<semaphore_mem>>)
      } else {
      }
      %dma_wait3A_83 = arith.constant 0 : i32
      %dma_wait3A_84 = arith.constant 0 : i32
      %dma_wait3A_85 = tpu.memref_slice %arg6[%dma_wait3A_83, %dma_wait3A_84] : memref<2x128xi32, #tpu.memory_space<vmem>> -> memref<1x128xi32, #tpu.memory_space<vmem>>
      %dma_wait3A_86 = tpu.memref_squeeze %dma_wait3A_85 : memref<1x128xi32, #tpu.memory_space<vmem>> -> memref<128xi32, #tpu.memory_space<vmem>>
      %dma_wait3A_87 = arith.constant 0 : i32
      %dma_wait3A_88 = arith.constant 0 : i32
      %dma_wait3A_89 = tpu.memref_slice %arg4[%dma_wait3A_87, %dma_wait3A_88] : memref<20000x128xf32, #tpu.memory_space<hbm>> -> memref<20000x128xf32, #tpu.memory_space<hbm>>
      tpu.wait_indirect_dma semaphore(%arg11 : memref<!tpu.dma_semaphore, #tpu.memory_space<semaphore_mem>>) src(%dma_wait3A_89 : memref<20000x128xf32, #tpu.memory_space<hbm>>) dst(%arg8 : memref<128x128xf32, #tpu.memory_space<vmem>>)
      %dma_start3A_90 = arith.constant 0 : i32
      %dma_start3A_91 = arith.constant 0 : i32
      %dma_start3A_92 = tpu.memref_slice %arg7[%dma_start3A_90, %dma_start3A_91] : memref<4x128xi32, #tpu.memory_space<vmem>> -> memref<1x128xi32, #tpu.memory_space<vmem>>
      %dma_start3A_93 = tpu.memref_squeeze %dma_start3A_92 : memref<1x128xi32, #tpu.memory_space<vmem>> -> memref<128xi32, #tpu.memory_space<vmem>>
      %dma_start3A_94 = arith.constant 0 : i32
      %dma_start3A_95 = arith.constant 0 : i32
      %dma_start3A_96 = tpu.memref_slice %arg10[%dma_start3A_94, %dma_start3A_95] : memref<10240x128xf32, #tpu.memory_space<vmem_shared>> -> memref<10240x128xf32, #tpu.memory_space<vmem_shared>>
      tpu.enqueue_indirect_dma source(%arg8 : memref<128x128xf32, #tpu.memory_space<vmem>>) target(%dma_start3A_96 : memref<10240x128xf32, #tpu.memory_space<vmem_shared>>) offsets(%dma_start3A_93 : memref<128xi32, #tpu.memory_space<vmem>>) semaphore(%arg13 : memref<!tpu.dma_semaphore, #tpu.memory_space<semaphore_mem>>) {add = true}
      %add3A_97 = arith.constant 2 : i32
      %add3A_98 = arith.addi %add3A_78, %add3A_97 : i32
      %lt3A_99 = arith.constant 160 : i32
      %lt3A_100 = arith.cmpi slt, %add3A_98, %lt3A_99 : i32
      %convert_element_type3A_101 = arith.extui %lt3A_100 : i1 to i32
      %cond3A_102 = arith.constant 0 : i32
      %cond3A_103 = arith.cmpi ne, %convert_element_type3A_101, %cond3A_102 : i32
      scf.if %cond3A_103 {
        %add3A_201 = arith.constant 2 : i32
        %add3A_202 = arith.addi %add3A_78, %add3A_201 : i32
        %dma_start3A_203 = arith.constant 0 : i32
        %dma_start3A_204 = arith.constant 0 : i32
        %dma_start3A_205 = tpu.memref_slice %arg6[%dma_start3A_203, %dma_start3A_204] : memref<2x128xi32, #tpu.memory_space<vmem>> -> memref<1x128xi32, #tpu.memory_space<vmem>>
        %dma_start3A_206 = tpu.memref_squeeze %dma_start3A_205 : memref<1x128xi32, #tpu.memory_space<vmem>> -> memref<128xi32, #tpu.memory_space<vmem>>
        %dma_start3A_207 = arith.constant 0 : i32
        %dma_start3A_208 = tpu.memref_slice %arg2[%arg0, %arg1, %add3A_202, %dma_start3A_207] : memref<2x16x160x128xi32, #tpu.memory_space<hbm>> -> memref<1x1x1x128xi32, #tpu.memory_space<hbm>>
        %dma_start3A_209 = tpu.memref_squeeze %dma_start3A_208 : memref<1x1x1x128xi32, #tpu.memory_space<hbm>> -> memref<128xi32, #tpu.memory_space<hbm>>
        %dma_start3A_210 = arith.constant 0 : i32
        %dma_start3A_211 = tpu.memref_slice %arg6[%dma_start3A_203, %dma_start3A_210] : memref<2x128xi32, #tpu.memory_space<vmem>> -> memref<1x128xi32, #tpu.memory_space<vmem>>
        %dma_start3A_212 = tpu.memref_squeeze %dma_start3A_211 : memref<1x128xi32, #tpu.memory_space<vmem>> -> memref<128xi32, #tpu.memory_space<vmem>>
        %dma_start3A_213 = arith.constant 0 : i32
        %dma_start3A_214 = tpu.memref_slice %arg2[%arg0, %arg1, %add3A_202, %dma_start3A_213] : memref<2x16x160x128xi32, #tpu.memory_space<hbm>> -> memref<1x1x1x128xi32, #tpu.memory_space<hbm>>
        %dma_start3A_215 = tpu.memref_squeeze %dma_start3A_214 : memref<1x1x1x128xi32, #tpu.memory_space<hbm>> -> memref<128xi32, #tpu.memory_space<hbm>>
        tpu.enqueue_dma source(%dma_start3A_215 : memref<128xi32, #tpu.memory_space<hbm>>) target(%dma_start3A_212 : memref<128xi32, #tpu.memory_space<vmem>>) target_semaphore(%arg15 : memref<!tpu.dma_semaphore, #tpu.memory_space<semaphore_mem>>)
        %add3A_216 = arith.constant 2 : i32
        %add3A_217 = arith.addi %add3A_78, %add3A_216 : i32
        %dma_start3A_218 = arith.constant 2 : i32
        %dma_start3A_219 = arith.constant 0 : i32
        %dma_start3A_220 = tpu.memref_slice %arg7[%dma_start3A_218, %dma_start3A_219] : memref<4x128xi32, #tpu.memory_space<vmem>> -> memref<1x128xi32, #tpu.memory_space<vmem>>
        %dma_start3A_221 = tpu.memref_squeeze %dma_start3A_220 : memref<1x128xi32, #tpu.memory_space<vmem>> -> memref<128xi32, #tpu.memory_space<vmem>>
        %dma_start3A_222 = arith.constant 0 : i32
        %dma_start3A_223 = tpu.memref_slice %arg3[%arg1, %add3A_217, %dma_start3A_222] : memref<16x160x128xi32, #tpu.memory_space<hbm>> -> memref<1x1x128xi32, #tpu.memory_space<hbm>>
        %dma_start3A_224 = tpu.memref_squeeze %dma_start3A_223 : memref<1x1x128xi32, #tpu.memory_space<hbm>> -> memref<128xi32, #tpu.memory_space<hbm>>
        %dma_start3A_225 = arith.constant 0 : i32
        %dma_start3A_226 = tpu.memref_slice %arg7[%dma_start3A_218, %dma_start3A_225] : memref<4x128xi32, #tpu.memory_space<vmem>> -> memref<1x128xi32, #tpu.memory_space<vmem>>
        %dma_start3A_227 = tpu.memref_squeeze %dma_start3A_226 : memref<1x128xi32, #tpu.memory_space<vmem>> -> memref<128xi32, #tpu.memory_space<vmem>>
        %dma_start3A_228 = arith.constant 0 : i32
        %dma_start3A_229 = tpu.memref_slice %arg3[%arg1, %add3A_217, %dma_start3A_228] : memref<16x160x128xi32, #tpu.memory_space<hbm>> -> memref<1x1x128xi32, #tpu.memory_space<hbm>>
        %dma_start3A_230 = tpu.memref_squeeze %dma_start3A_229 : memref<1x1x128xi32, #tpu.memory_space<hbm>> -> memref<128xi32, #tpu.memory_space<hbm>>
        tpu.enqueue_dma source(%dma_start3A_230 : memref<128xi32, #tpu.memory_space<hbm>>) target(%dma_start3A_227 : memref<128xi32, #tpu.memory_space<vmem>>) target_semaphore(%arg19 : memref<!tpu.dma_semaphore, #tpu.memory_space<semaphore_mem>>)
      } else {
      }
      %mul3A_104 = arith.constant 4 : i32
      %mul3A_105 = arith.muli %mul3A_104, %scan3A_74 : i32
      %add3A_106 = arith.constant 1 : i32
      %add3A_107 = arith.addi %mul3A_105, %add3A_106 : i32
      %add3A_108 = arith.constant 1 : i32
      %add3A_109 = arith.addi %add3A_107, %add3A_108 : i32
      %lt3A_110 = arith.constant 160 : i32
      %lt3A_111 = arith.cmpi slt, %add3A_109, %lt3A_110 : i32
      %convert_element_type3A_112 = arith.extui %lt3A_111 : i1 to i32
      %cond3A_113 = arith.constant 0 : i32
      %cond3A_114 = arith.cmpi ne, %convert_element_type3A_112, %cond3A_113 : i32
      scf.if %cond3A_114 {
        %add3A_201 = arith.constant 1 : i32
        %add3A_202 = arith.addi %add3A_107, %add3A_201 : i32
        %dma_wait3A_203 = arith.constant 0 : i32
        %dma_wait3A_204 = arith.constant 0 : i32
        %dma_wait3A_205 = tpu.memref_slice %arg6[%dma_wait3A_203, %dma_wait3A_204] : memref<2x128xi32, #tpu.memory_space<vmem>> -> memref<1x128xi32, #tpu.memory_space<vmem>>
        %dma_wait3A_206 = tpu.memref_squeeze %dma_wait3A_205 : memref<1x128xi32, #tpu.memory_space<vmem>> -> memref<128xi32, #tpu.memory_space<vmem>>
        %dma_wait3A_207 = arith.constant 0 : i32
        %dma_wait3A_208 = tpu.memref_slice %arg2[%arg0, %arg1, %add3A_202, %dma_wait3A_207] : memref<2x16x160x128xi32, #tpu.memory_space<hbm>> -> memref<1x1x1x128xi32, #tpu.memory_space<hbm>>
        %dma_wait3A_209 = tpu.memref_squeeze %dma_wait3A_208 : memref<1x1x1x128xi32, #tpu.memory_space<hbm>> -> memref<128xi32, #tpu.memory_space<hbm>>
        %dma_wait3A_210 = arith.constant 0 : i32
        %dma_wait3A_211 = tpu.memref_slice %arg6[%dma_wait3A_203, %dma_wait3A_210] : memref<2x128xi32, #tpu.memory_space<vmem>> -> memref<1x128xi32, #tpu.memory_space<vmem>>
        %dma_wait3A_212 = tpu.memref_squeeze %dma_wait3A_211 : memref<1x128xi32, #tpu.memory_space<vmem>> -> memref<128xi32, #tpu.memory_space<vmem>>
        %dma_wait3A_213 = arith.constant 0 : i32
        %dma_wait3A_214 = tpu.memref_slice %arg2[%arg0, %arg1, %add3A_202, %dma_wait3A_213] : memref<2x16x160x128xi32, #tpu.memory_space<hbm>> -> memref<1x1x1x128xi32, #tpu.memory_space<hbm>>
        %dma_wait3A_215 = tpu.memref_squeeze %dma_wait3A_214 : memref<1x1x1x128xi32, #tpu.memory_space<hbm>> -> memref<128xi32, #tpu.memory_space<hbm>>
        tpu.wait_dma2 semaphore(%arg15 : memref<!tpu.dma_semaphore, #tpu.memory_space<semaphore_mem>>) src(%dma_wait3A_215 : memref<128xi32, #tpu.memory_space<hbm>>) dst(%dma_wait3A_212 : memref<128xi32, #tpu.memory_space<vmem>>)
        %add3A_216 = arith.constant 1 : i32
        %add3A_217 = arith.addi %add3A_107, %add3A_216 : i32
        %dma_wait3A_218 = arith.constant 2 : i32
        %dma_wait3A_219 = arith.constant 0 : i32
        %dma_wait3A_220 = tpu.memref_slice %arg7[%dma_wait3A_218, %dma_wait3A_219] : memref<4x128xi32, #tpu.memory_space<vmem>> -> memref<1x128xi32, #tpu.memory_space<vmem>>
        %dma_wait3A_221 = tpu.memref_squeeze %dma_wait3A_220 : memref<1x128xi32, #tpu.memory_space<vmem>> -> memref<128xi32, #tpu.memory_space<vmem>>
        %dma_wait3A_222 = arith.constant 0 : i32
        %dma_wait3A_223 = tpu.memref_slice %arg3[%arg1, %add3A_217, %dma_wait3A_222] : memref<16x160x128xi32, #tpu.memory_space<hbm>> -> memref<1x1x128xi32, #tpu.memory_space<hbm>>
        %dma_wait3A_224 = tpu.memref_squeeze %dma_wait3A_223 : memref<1x1x128xi32, #tpu.memory_space<hbm>> -> memref<128xi32, #tpu.memory_space<hbm>>
        %dma_wait3A_225 = arith.constant 0 : i32
        %dma_wait3A_226 = tpu.memref_slice %arg7[%dma_wait3A_218, %dma_wait3A_225] : memref<4x128xi32, #tpu.memory_space<vmem>> -> memref<1x128xi32, #tpu.memory_space<vmem>>
        %dma_wait3A_227 = tpu.memref_squeeze %dma_wait3A_226 : memref<1x128xi32, #tpu.memory_space<vmem>> -> memref<128xi32, #tpu.memory_space<vmem>>
        %dma_wait3A_228 = arith.constant 0 : i32
        %dma_wait3A_229 = tpu.memref_slice %arg3[%arg1, %add3A_217, %dma_wait3A_228] : memref<16x160x128xi32, #tpu.memory_space<hbm>> -> memref<1x1x128xi32, #tpu.memory_space<hbm>>
        %dma_wait3A_230 = tpu.memref_squeeze %dma_wait3A_229 : memref<1x1x128xi32, #tpu.memory_space<hbm>> -> memref<128xi32, #tpu.memory_space<hbm>>
        tpu.wait_dma2 semaphore(%arg19 : memref<!tpu.dma_semaphore, #tpu.memory_space<semaphore_mem>>) src(%dma_wait3A_230 : memref<128xi32, #tpu.memory_space<hbm>>) dst(%dma_wait3A_227 : memref<128xi32, #tpu.memory_space<vmem>>)
        %dma_wait3A_231 = arith.constant 0 : i32
        %dma_wait3A_232 = arith.constant 0 : i32
        %dma_wait3A_233 = tpu.memref_slice %arg7[%dma_wait3A_231, %dma_wait3A_232] : memref<4x128xi32, #tpu.memory_space<vmem>> -> memref<1x128xi32, #tpu.memory_space<vmem>>
        %dma_wait3A_234 = tpu.memref_squeeze %dma_wait3A_233 : memref<1x128xi32, #tpu.memory_space<vmem>> -> memref<128xi32, #tpu.memory_space<vmem>>
        %dma_wait3A_235 = arith.constant 0 : i32
        %dma_wait3A_236 = arith.constant 0 : i32
        %dma_wait3A_237 = tpu.memref_slice %arg10[%dma_wait3A_235, %dma_wait3A_236] : memref<10240x128xf32, #tpu.memory_space<vmem_shared>> -> memref<10240x128xf32, #tpu.memory_space<vmem_shared>>
        tpu.wait_indirect_dma semaphore(%arg13 : memref<!tpu.dma_semaphore, #tpu.memory_space<semaphore_mem>>) src(%arg8 : memref<128x128xf32, #tpu.memory_space<vmem>>) dst(%dma_wait3A_237 : memref<10240x128xf32, #tpu.memory_space<vmem_shared>>)
        %dma_start3A_238 = arith.constant 0 : i32
        %dma_start3A_239 = arith.constant 0 : i32
        %dma_start3A_240 = tpu.memref_slice %arg6[%dma_start3A_238, %dma_start3A_239] : memref<2x128xi32, #tpu.memory_space<vmem>> -> memref<1x128xi32, #tpu.memory_space<vmem>>
        %dma_start3A_241 = tpu.memref_squeeze %dma_start3A_240 : memref<1x128xi32, #tpu.memory_space<vmem>> -> memref<128xi32, #tpu.memory_space<vmem>>
        %dma_start3A_242 = arith.constant 0 : i32
        %dma_start3A_243 = arith.constant 0 : i32
        %dma_start3A_244 = tpu.memref_slice %arg4[%dma_start3A_242, %dma_start3A_243] : memref<20000x128xf32, #tpu.memory_space<hbm>> -> memref<20000x128xf32, #tpu.memory_space<hbm>>
        tpu.enqueue_indirect_dma source(%dma_start3A_244 : memref<20000x128xf32, #tpu.memory_space<hbm>>) target(%arg8 : memref<128x128xf32, #tpu.memory_space<vmem>>) offsets(%dma_start3A_241 : memref<128xi32, #tpu.memory_space<vmem>>) semaphore(%arg11 : memref<!tpu.dma_semaphore, #tpu.memory_space<semaphore_mem>>)
      } else {
      }
      %dma_wait3A_115 = arith.constant 1 : i32
      %dma_wait3A_116 = arith.constant 0 : i32
      %dma_wait3A_117 = tpu.memref_slice %arg6[%dma_wait3A_115, %dma_wait3A_116] : memref<2x128xi32, #tpu.memory_space<vmem>> -> memref<1x128xi32, #tpu.memory_space<vmem>>
      %dma_wait3A_118 = tpu.memref_squeeze %dma_wait3A_117 : memref<1x128xi32, #tpu.memory_space<vmem>> -> memref<128xi32, #tpu.memory_space<vmem>>
      %dma_wait3A_119 = arith.constant 0 : i32
      %dma_wait3A_120 = arith.constant 0 : i32
      %dma_wait3A_121 = tpu.memref_slice %arg4[%dma_wait3A_119, %dma_wait3A_120] : memref<20000x128xf32, #tpu.memory_space<hbm>> -> memref<20000x128xf32, #tpu.memory_space<hbm>>
      tpu.wait_indirect_dma semaphore(%arg12 : memref<!tpu.dma_semaphore, #tpu.memory_space<semaphore_mem>>) src(%dma_wait3A_121 : memref<20000x128xf32, #tpu.memory_space<hbm>>) dst(%arg9 : memref<128x128xf32, #tpu.memory_space<vmem>>)
      %dma_start3A_122 = arith.constant 1 : i32
      %dma_start3A_123 = arith.constant 0 : i32
      %dma_start3A_124 = tpu.memref_slice %arg7[%dma_start3A_122, %dma_start3A_123] : memref<4x128xi32, #tpu.memory_space<vmem>> -> memref<1x128xi32, #tpu.memory_space<vmem>>
      %dma_start3A_125 = tpu.memref_squeeze %dma_start3A_124 : memref<1x128xi32, #tpu.memory_space<vmem>> -> memref<128xi32, #tpu.memory_space<vmem>>
      %dma_start3A_126 = arith.constant 0 : i32
      %dma_start3A_127 = arith.constant 0 : i32
      %dma_start3A_128 = tpu.memref_slice %arg10[%dma_start3A_126, %dma_start3A_127] : memref<10240x128xf32, #tpu.memory_space<vmem_shared>> -> memref<10240x128xf32, #tpu.memory_space<vmem_shared>>
      tpu.enqueue_indirect_dma source(%arg9 : memref<128x128xf32, #tpu.memory_space<vmem>>) target(%dma_start3A_128 : memref<10240x128xf32, #tpu.memory_space<vmem_shared>>) offsets(%dma_start3A_125 : memref<128xi32, #tpu.memory_space<vmem>>) semaphore(%arg14 : memref<!tpu.dma_semaphore, #tpu.memory_space<semaphore_mem>>) {add = true}
      %add3A_129 = arith.constant 2 : i32
      %add3A_130 = arith.addi %add3A_107, %add3A_129 : i32
      %lt3A_131 = arith.constant 160 : i32
      %lt3A_132 = arith.cmpi slt, %add3A_130, %lt3A_131 : i32
      %convert_element_type3A_133 = arith.extui %lt3A_132 : i1 to i32
      %cond3A_134 = arith.constant 0 : i32
      %cond3A_135 = arith.cmpi ne, %convert_element_type3A_133, %cond3A_134 : i32
      scf.if %cond3A_135 {
        %add3A_201 = arith.constant 2 : i32
        %add3A_202 = arith.addi %add3A_107, %add3A_201 : i32
        %dma_start3A_203 = arith.constant 1 : i32
        %dma_start3A_204 = arith.constant 0 : i32
        %dma_start3A_205 = tpu.memref_slice %arg6[%dma_start3A_203, %dma_start3A_204] : memref<2x128xi32, #tpu.memory_space<vmem>> -> memref<1x128xi32, #tpu.memory_space<vmem>>
        %dma_start3A_206 = tpu.memref_squeeze %dma_start3A_205 : memref<1x128xi32, #tpu.memory_space<vmem>> -> memref<128xi32, #tpu.memory_space<vmem>>
        %dma_start3A_207 = arith.constant 0 : i32
        %dma_start3A_208 = tpu.memref_slice %arg2[%arg0, %arg1, %add3A_202, %dma_start3A_207] : memref<2x16x160x128xi32, #tpu.memory_space<hbm>> -> memref<1x1x1x128xi32, #tpu.memory_space<hbm>>
        %dma_start3A_209 = tpu.memref_squeeze %dma_start3A_208 : memref<1x1x1x128xi32, #tpu.memory_space<hbm>> -> memref<128xi32, #tpu.memory_space<hbm>>
        %dma_start3A_210 = arith.constant 0 : i32
        %dma_start3A_211 = tpu.memref_slice %arg6[%dma_start3A_203, %dma_start3A_210] : memref<2x128xi32, #tpu.memory_space<vmem>> -> memref<1x128xi32, #tpu.memory_space<vmem>>
        %dma_start3A_212 = tpu.memref_squeeze %dma_start3A_211 : memref<1x128xi32, #tpu.memory_space<vmem>> -> memref<128xi32, #tpu.memory_space<vmem>>
        %dma_start3A_213 = arith.constant 0 : i32
        %dma_start3A_214 = tpu.memref_slice %arg2[%arg0, %arg1, %add3A_202, %dma_start3A_213] : memref<2x16x160x128xi32, #tpu.memory_space<hbm>> -> memref<1x1x1x128xi32, #tpu.memory_space<hbm>>
        %dma_start3A_215 = tpu.memref_squeeze %dma_start3A_214 : memref<1x1x1x128xi32, #tpu.memory_space<hbm>> -> memref<128xi32, #tpu.memory_space<hbm>>
        tpu.enqueue_dma source(%dma_start3A_215 : memref<128xi32, #tpu.memory_space<hbm>>) target(%dma_start3A_212 : memref<128xi32, #tpu.memory_space<vmem>>) target_semaphore(%arg16 : memref<!tpu.dma_semaphore, #tpu.memory_space<semaphore_mem>>)
        %add3A_216 = arith.constant 2 : i32
        %add3A_217 = arith.addi %add3A_107, %add3A_216 : i32
        %dma_start3A_218 = arith.constant 3 : i32
        %dma_start3A_219 = arith.constant 0 : i32
        %dma_start3A_220 = tpu.memref_slice %arg7[%dma_start3A_218, %dma_start3A_219] : memref<4x128xi32, #tpu.memory_space<vmem>> -> memref<1x128xi32, #tpu.memory_space<vmem>>
        %dma_start3A_221 = tpu.memref_squeeze %dma_start3A_220 : memref<1x128xi32, #tpu.memory_space<vmem>> -> memref<128xi32, #tpu.memory_space<vmem>>
        %dma_start3A_222 = arith.constant 0 : i32
        %dma_start3A_223 = tpu.memref_slice %arg3[%arg1, %add3A_217, %dma_start3A_222] : memref<16x160x128xi32, #tpu.memory_space<hbm>> -> memref<1x1x128xi32, #tpu.memory_space<hbm>>
        %dma_start3A_224 = tpu.memref_squeeze %dma_start3A_223 : memref<1x1x128xi32, #tpu.memory_space<hbm>> -> memref<128xi32, #tpu.memory_space<hbm>>
        %dma_start3A_225 = arith.constant 0 : i32
        %dma_start3A_226 = tpu.memref_slice %arg7[%dma_start3A_218, %dma_start3A_225] : memref<4x128xi32, #tpu.memory_space<vmem>> -> memref<1x128xi32, #tpu.memory_space<vmem>>
        %dma_start3A_227 = tpu.memref_squeeze %dma_start3A_226 : memref<1x128xi32, #tpu.memory_space<vmem>> -> memref<128xi32, #tpu.memory_space<vmem>>
        %dma_start3A_228 = arith.constant 0 : i32
        %dma_start3A_229 = tpu.memref_slice %arg3[%arg1, %add3A_217, %dma_start3A_228] : memref<16x160x128xi32, #tpu.memory_space<hbm>> -> memref<1x1x128xi32, #tpu.memory_space<hbm>>
        %dma_start3A_230 = tpu.memref_squeeze %dma_start3A_229 : memref<1x1x128xi32, #tpu.memory_space<hbm>> -> memref<128xi32, #tpu.memory_space<hbm>>
        tpu.enqueue_dma source(%dma_start3A_230 : memref<128xi32, #tpu.memory_space<hbm>>) target(%dma_start3A_227 : memref<128xi32, #tpu.memory_space<vmem>>) target_semaphore(%arg20 : memref<!tpu.dma_semaphore, #tpu.memory_space<semaphore_mem>>)
      } else {
      }
      %mul3A_136 = arith.constant 4 : i32
      %mul3A_137 = arith.muli %mul3A_136, %scan3A_74 : i32
      %add3A_138 = arith.constant 2 : i32
      %add3A_139 = arith.addi %mul3A_137, %add3A_138 : i32
      %add3A_140 = arith.constant 1 : i32
      %add3A_141 = arith.addi %add3A_139, %add3A_140 : i32
      %lt3A_142 = arith.constant 160 : i32
      %lt3A_143 = arith.cmpi slt, %add3A_141, %lt3A_142 : i32
      %convert_element_type3A_144 = arith.extui %lt3A_143 : i1 to i32
      %cond3A_145 = arith.constant 0 : i32
      %cond3A_146 = arith.cmpi ne, %convert_element_type3A_144, %cond3A_145 : i32
      scf.if %cond3A_146 {
        %add3A_201 = arith.constant 1 : i32
        %add3A_202 = arith.addi %add3A_139, %add3A_201 : i32
        %dma_wait3A_203 = arith.constant 1 : i32
        %dma_wait3A_204 = arith.constant 0 : i32
        %dma_wait3A_205 = tpu.memref_slice %arg6[%dma_wait3A_203, %dma_wait3A_204] : memref<2x128xi32, #tpu.memory_space<vmem>> -> memref<1x128xi32, #tpu.memory_space<vmem>>
        %dma_wait3A_206 = tpu.memref_squeeze %dma_wait3A_205 : memref<1x128xi32, #tpu.memory_space<vmem>> -> memref<128xi32, #tpu.memory_space<vmem>>
        %dma_wait3A_207 = arith.constant 0 : i32
        %dma_wait3A_208 = tpu.memref_slice %arg2[%arg0, %arg1, %add3A_202, %dma_wait3A_207] : memref<2x16x160x128xi32, #tpu.memory_space<hbm>> -> memref<1x1x1x128xi32, #tpu.memory_space<hbm>>
        %dma_wait3A_209 = tpu.memref_squeeze %dma_wait3A_208 : memref<1x1x1x128xi32, #tpu.memory_space<hbm>> -> memref<128xi32, #tpu.memory_space<hbm>>
        %dma_wait3A_210 = arith.constant 0 : i32
        %dma_wait3A_211 = tpu.memref_slice %arg6[%dma_wait3A_203, %dma_wait3A_210] : memref<2x128xi32, #tpu.memory_space<vmem>> -> memref<1x128xi32, #tpu.memory_space<vmem>>
        %dma_wait3A_212 = tpu.memref_squeeze %dma_wait3A_211 : memref<1x128xi32, #tpu.memory_space<vmem>> -> memref<128xi32, #tpu.memory_space<vmem>>
        %dma_wait3A_213 = arith.constant 0 : i32
        %dma_wait3A_214 = tpu.memref_slice %arg2[%arg0, %arg1, %add3A_202, %dma_wait3A_213] : memref<2x16x160x128xi32, #tpu.memory_space<hbm>> -> memref<1x1x1x128xi32, #tpu.memory_space<hbm>>
        %dma_wait3A_215 = tpu.memref_squeeze %dma_wait3A_214 : memref<1x1x1x128xi32, #tpu.memory_space<hbm>> -> memref<128xi32, #tpu.memory_space<hbm>>
        tpu.wait_dma2 semaphore(%arg16 : memref<!tpu.dma_semaphore, #tpu.memory_space<semaphore_mem>>) src(%dma_wait3A_215 : memref<128xi32, #tpu.memory_space<hbm>>) dst(%dma_wait3A_212 : memref<128xi32, #tpu.memory_space<vmem>>)
        %add3A_216 = arith.constant 1 : i32
        %add3A_217 = arith.addi %add3A_139, %add3A_216 : i32
        %dma_wait3A_218 = arith.constant 3 : i32
        %dma_wait3A_219 = arith.constant 0 : i32
        %dma_wait3A_220 = tpu.memref_slice %arg7[%dma_wait3A_218, %dma_wait3A_219] : memref<4x128xi32, #tpu.memory_space<vmem>> -> memref<1x128xi32, #tpu.memory_space<vmem>>
        %dma_wait3A_221 = tpu.memref_squeeze %dma_wait3A_220 : memref<1x128xi32, #tpu.memory_space<vmem>> -> memref<128xi32, #tpu.memory_space<vmem>>
        %dma_wait3A_222 = arith.constant 0 : i32
        %dma_wait3A_223 = tpu.memref_slice %arg3[%arg1, %add3A_217, %dma_wait3A_222] : memref<16x160x128xi32, #tpu.memory_space<hbm>> -> memref<1x1x128xi32, #tpu.memory_space<hbm>>
        %dma_wait3A_224 = tpu.memref_squeeze %dma_wait3A_223 : memref<1x1x128xi32, #tpu.memory_space<hbm>> -> memref<128xi32, #tpu.memory_space<hbm>>
        %dma_wait3A_225 = arith.constant 0 : i32
        %dma_wait3A_226 = tpu.memref_slice %arg7[%dma_wait3A_218, %dma_wait3A_225] : memref<4x128xi32, #tpu.memory_space<vmem>> -> memref<1x128xi32, #tpu.memory_space<vmem>>
        %dma_wait3A_227 = tpu.memref_squeeze %dma_wait3A_226 : memref<1x128xi32, #tpu.memory_space<vmem>> -> memref<128xi32, #tpu.memory_space<vmem>>
        %dma_wait3A_228 = arith.constant 0 : i32
        %dma_wait3A_229 = tpu.memref_slice %arg3[%arg1, %add3A_217, %dma_wait3A_228] : memref<16x160x128xi32, #tpu.memory_space<hbm>> -> memref<1x1x128xi32, #tpu.memory_space<hbm>>
        %dma_wait3A_230 = tpu.memref_squeeze %dma_wait3A_229 : memref<1x1x128xi32, #tpu.memory_space<hbm>> -> memref<128xi32, #tpu.memory_space<hbm>>
        tpu.wait_dma2 semaphore(%arg20 : memref<!tpu.dma_semaphore, #tpu.memory_space<semaphore_mem>>) src(%dma_wait3A_230 : memref<128xi32, #tpu.memory_space<hbm>>) dst(%dma_wait3A_227 : memref<128xi32, #tpu.memory_space<vmem>>)
        %dma_wait3A_231 = arith.constant 1 : i32
        %dma_wait3A_232 = arith.constant 0 : i32
        %dma_wait3A_233 = tpu.memref_slice %arg7[%dma_wait3A_231, %dma_wait3A_232] : memref<4x128xi32, #tpu.memory_space<vmem>> -> memref<1x128xi32, #tpu.memory_space<vmem>>
        %dma_wait3A_234 = tpu.memref_squeeze %dma_wait3A_233 : memref<1x128xi32, #tpu.memory_space<vmem>> -> memref<128xi32, #tpu.memory_space<vmem>>
        %dma_wait3A_235 = arith.constant 0 : i32
        %dma_wait3A_236 = arith.constant 0 : i32
        %dma_wait3A_237 = tpu.memref_slice %arg10[%dma_wait3A_235, %dma_wait3A_236] : memref<10240x128xf32, #tpu.memory_space<vmem_shared>> -> memref<10240x128xf32, #tpu.memory_space<vmem_shared>>
        tpu.wait_indirect_dma semaphore(%arg14 : memref<!tpu.dma_semaphore, #tpu.memory_space<semaphore_mem>>) src(%arg9 : memref<128x128xf32, #tpu.memory_space<vmem>>) dst(%dma_wait3A_237 : memref<10240x128xf32, #tpu.memory_space<vmem_shared>>)
        %dma_start3A_238 = arith.constant 1 : i32
        %dma_start3A_239 = arith.constant 0 : i32
        %dma_start3A_240 = tpu.memref_slice %arg6[%dma_start3A_238, %dma_start3A_239] : memref<2x128xi32, #tpu.memory_space<vmem>> -> memref<1x128xi32, #tpu.memory_space<vmem>>
        %dma_start3A_241 = tpu.memref_squeeze %dma_start3A_240 : memref<1x128xi32, #tpu.memory_space<vmem>> -> memref<128xi32, #tpu.memory_space<vmem>>
        %dma_start3A_242 = arith.constant 0 : i32
        %dma_start3A_243 = arith.constant 0 : i32
        %dma_start3A_244 = tpu.memref_slice %arg4[%dma_start3A_242, %dma_start3A_243] : memref<20000x128xf32, #tpu.memory_space<hbm>> -> memref<20000x128xf32, #tpu.memory_space<hbm>>
        tpu.enqueue_indirect_dma source(%dma_start3A_244 : memref<20000x128xf32, #tpu.memory_space<hbm>>) target(%arg9 : memref<128x128xf32, #tpu.memory_space<vmem>>) offsets(%dma_start3A_241 : memref<128xi32, #tpu.memory_space<vmem>>) semaphore(%arg12 : memref<!tpu.dma_semaphore, #tpu.memory_space<semaphore_mem>>)
      } else {
      }
      %dma_wait3A_147 = arith.constant 0 : i32
      %dma_wait3A_148 = arith.constant 0 : i32
      %dma_wait3A_149 = tpu.memref_slice %arg6[%dma_wait3A_147, %dma_wait3A_148] : memref<2x128xi32, #tpu.memory_space<vmem>> -> memref<1x128xi32, #tpu.memory_space<vmem>>
      %dma_wait3A_150 = tpu.memref_squeeze %dma_wait3A_149 : memref<1x128xi32, #tpu.memory_space<vmem>> -> memref<128xi32, #tpu.memory_space<vmem>>
      %dma_wait3A_151 = arith.constant 0 : i32
      %dma_wait3A_152 = arith.constant 0 : i32
      %dma_wait3A_153 = tpu.memref_slice %arg4[%dma_wait3A_151, %dma_wait3A_152] : memref<20000x128xf32, #tpu.memory_space<hbm>> -> memref<20000x128xf32, #tpu.memory_space<hbm>>
      tpu.wait_indirect_dma semaphore(%arg11 : memref<!tpu.dma_semaphore, #tpu.memory_space<semaphore_mem>>) src(%dma_wait3A_153 : memref<20000x128xf32, #tpu.memory_space<hbm>>) dst(%arg8 : memref<128x128xf32, #tpu.memory_space<vmem>>)
      %dma_start3A_154 = arith.constant 2 : i32
      %dma_start3A_155 = arith.constant 0 : i32
      %dma_start3A_156 = tpu.memref_slice %arg7[%dma_start3A_154, %dma_start3A_155] : memref<4x128xi32, #tpu.memory_space<vmem>> -> memref<1x128xi32, #tpu.memory_space<vmem>>
      %dma_start3A_157 = tpu.memref_squeeze %dma_start3A_156 : memref<1x128xi32, #tpu.memory_space<vmem>> -> memref<128xi32, #tpu.memory_space<vmem>>
      %dma_start3A_158 = arith.constant 0 : i32
      %dma_start3A_159 = arith.constant 0 : i32
      %dma_start3A_160 = tpu.memref_slice %arg10[%dma_start3A_158, %dma_start3A_159] : memref<10240x128xf32, #tpu.memory_space<vmem_shared>> -> memref<10240x128xf32, #tpu.memory_space<vmem_shared>>
      tpu.enqueue_indirect_dma source(%arg8 : memref<128x128xf32, #tpu.memory_space<vmem>>) target(%dma_start3A_160 : memref<10240x128xf32, #tpu.memory_space<vmem_shared>>) offsets(%dma_start3A_157 : memref<128xi32, #tpu.memory_space<vmem>>) semaphore(%arg13 : memref<!tpu.dma_semaphore, #tpu.memory_space<semaphore_mem>>) {add = true}
      %add3A_161 = arith.constant 2 : i32
      %add3A_162 = arith.addi %add3A_139, %add3A_161 : i32
      %lt3A_163 = arith.constant 160 : i32
      %lt3A_164 = arith.cmpi slt, %add3A_162, %lt3A_163 : i32
      %convert_element_type3A_165 = arith.extui %lt3A_164 : i1 to i32
      %cond3A_166 = arith.constant 0 : i32
      %cond3A_167 = arith.cmpi ne, %convert_element_type3A_165, %cond3A_166 : i32
      scf.if %cond3A_167 {
        %add3A_201 = arith.constant 2 : i32
        %add3A_202 = arith.addi %add3A_139, %add3A_201 : i32
        %dma_start3A_203 = arith.constant 0 : i32
        %dma_start3A_204 = arith.constant 0 : i32
        %dma_start3A_205 = tpu.memref_slice %arg6[%dma_start3A_203, %dma_start3A_204] : memref<2x128xi32, #tpu.memory_space<vmem>> -> memref<1x128xi32, #tpu.memory_space<vmem>>
        %dma_start3A_206 = tpu.memref_squeeze %dma_start3A_205 : memref<1x128xi32, #tpu.memory_space<vmem>> -> memref<128xi32, #tpu.memory_space<vmem>>
        %dma_start3A_207 = arith.constant 0 : i32
        %dma_start3A_208 = tpu.memref_slice %arg2[%arg0, %arg1, %add3A_202, %dma_start3A_207] : memref<2x16x160x128xi32, #tpu.memory_space<hbm>> -> memref<1x1x1x128xi32, #tpu.memory_space<hbm>>
        %dma_start3A_209 = tpu.memref_squeeze %dma_start3A_208 : memref<1x1x1x128xi32, #tpu.memory_space<hbm>> -> memref<128xi32, #tpu.memory_space<hbm>>
        %dma_start3A_210 = arith.constant 0 : i32
        %dma_start3A_211 = tpu.memref_slice %arg6[%dma_start3A_203, %dma_start3A_210] : memref<2x128xi32, #tpu.memory_space<vmem>> -> memref<1x128xi32, #tpu.memory_space<vmem>>
        %dma_start3A_212 = tpu.memref_squeeze %dma_start3A_211 : memref<1x128xi32, #tpu.memory_space<vmem>> -> memref<128xi32, #tpu.memory_space<vmem>>
        %dma_start3A_213 = arith.constant 0 : i32
        %dma_start3A_214 = tpu.memref_slice %arg2[%arg0, %arg1, %add3A_202, %dma_start3A_213] : memref<2x16x160x128xi32, #tpu.memory_space<hbm>> -> memref<1x1x1x128xi32, #tpu.memory_space<hbm>>
        %dma_start3A_215 = tpu.memref_squeeze %dma_start3A_214 : memref<1x1x1x128xi32, #tpu.memory_space<hbm>> -> memref<128xi32, #tpu.memory_space<hbm>>
        tpu.enqueue_dma source(%dma_start3A_215 : memref<128xi32, #tpu.memory_space<hbm>>) target(%dma_start3A_212 : memref<128xi32, #tpu.memory_space<vmem>>) target_semaphore(%arg15 : memref<!tpu.dma_semaphore, #tpu.memory_space<semaphore_mem>>)
        %add3A_216 = arith.constant 2 : i32
        %add3A_217 = arith.addi %add3A_139, %add3A_216 : i32
        %dma_start3A_218 = arith.constant 0 : i32
        %dma_start3A_219 = arith.constant 0 : i32
        %dma_start3A_220 = tpu.memref_slice %arg7[%dma_start3A_218, %dma_start3A_219] : memref<4x128xi32, #tpu.memory_space<vmem>> -> memref<1x128xi32, #tpu.memory_space<vmem>>
        %dma_start3A_221 = tpu.memref_squeeze %dma_start3A_220 : memref<1x128xi32, #tpu.memory_space<vmem>> -> memref<128xi32, #tpu.memory_space<vmem>>
        %dma_start3A_222 = arith.constant 0 : i32
        %dma_start3A_223 = tpu.memref_slice %arg3[%arg1, %add3A_217, %dma_start3A_222] : memref<16x160x128xi32, #tpu.memory_space<hbm>> -> memref<1x1x128xi32, #tpu.memory_space<hbm>>
        %dma_start3A_224 = tpu.memref_squeeze %dma_start3A_223 : memref<1x1x128xi32, #tpu.memory_space<hbm>> -> memref<128xi32, #tpu.memory_space<hbm>>
        %dma_start3A_225 = arith.constant 0 : i32
        %dma_start3A_226 = tpu.memref_slice %arg7[%dma_start3A_218, %dma_start3A_225] : memref<4x128xi32, #tpu.memory_space<vmem>> -> memref<1x128xi32, #tpu.memory_space<vmem>>
        %dma_start3A_227 = tpu.memref_squeeze %dma_start3A_226 : memref<1x128xi32, #tpu.memory_space<vmem>> -> memref<128xi32, #tpu.memory_space<vmem>>
        %dma_start3A_228 = arith.constant 0 : i32
        %dma_start3A_229 = tpu.memref_slice %arg3[%arg1, %add3A_217, %dma_start3A_228] : memref<16x160x128xi32, #tpu.memory_space<hbm>> -> memref<1x1x128xi32, #tpu.memory_space<hbm>>
        %dma_start3A_230 = tpu.memref_squeeze %dma_start3A_229 : memref<1x1x128xi32, #tpu.memory_space<hbm>> -> memref<128xi32, #tpu.memory_space<hbm>>
        tpu.enqueue_dma source(%dma_start3A_230 : memref<128xi32, #tpu.memory_space<hbm>>) target(%dma_start3A_227 : memref<128xi32, #tpu.memory_space<vmem>>) target_semaphore(%arg17 : memref<!tpu.dma_semaphore, #tpu.memory_space<semaphore_mem>>)
      } else {
      }
      %mul3A_168 = arith.constant 4 : i32
      %mul3A_169 = arith.muli %mul3A_168, %scan3A_74 : i32
      %add3A_170 = arith.constant 3 : i32
      %add3A_171 = arith.addi %mul3A_169, %add3A_170 : i32
      %add3A_172 = arith.constant 1 : i32
      %add3A_173 = arith.addi %add3A_171, %add3A_172 : i32
      %lt3A_174 = arith.constant 160 : i32
      %lt3A_175 = arith.cmpi slt, %add3A_173, %lt3A_174 : i32
      %convert_element_type3A_176 = arith.extui %lt3A_175 : i1 to i32
      %cond3A_177 = arith.constant 0 : i32
      %cond3A_178 = arith.cmpi ne, %convert_element_type3A_176, %cond3A_177 : i32
      scf.if %cond3A_178 {
        %add3A_201 = arith.constant 1 : i32
        %add3A_202 = arith.addi %add3A_171, %add3A_201 : i32
        %dma_wait3A_203 = arith.constant 0 : i32
        %dma_wait3A_204 = arith.constant 0 : i32
        %dma_wait3A_205 = tpu.memref_slice %arg6[%dma_wait3A_203, %dma_wait3A_204] : memref<2x128xi32, #tpu.memory_space<vmem>> -> memref<1x128xi32, #tpu.memory_space<vmem>>
        %dma_wait3A_206 = tpu.memref_squeeze %dma_wait3A_205 : memref<1x128xi32, #tpu.memory_space<vmem>> -> memref<128xi32, #tpu.memory_space<vmem>>
        %dma_wait3A_207 = arith.constant 0 : i32
        %dma_wait3A_208 = tpu.memref_slice %arg2[%arg0, %arg1, %add3A_202, %dma_wait3A_207] : memref<2x16x160x128xi32, #tpu.memory_space<hbm>> -> memref<1x1x1x128xi32, #tpu.memory_space<hbm>>
        %dma_wait3A_209 = tpu.memref_squeeze %dma_wait3A_208 : memref<1x1x1x128xi32, #tpu.memory_space<hbm>> -> memref<128xi32, #tpu.memory_space<hbm>>
        %dma_wait3A_210 = arith.constant 0 : i32
        %dma_wait3A_211 = tpu.memref_slice %arg6[%dma_wait3A_203, %dma_wait3A_210] : memref<2x128xi32, #tpu.memory_space<vmem>> -> memref<1x128xi32, #tpu.memory_space<vmem>>
        %dma_wait3A_212 = tpu.memref_squeeze %dma_wait3A_211 : memref<1x128xi32, #tpu.memory_space<vmem>> -> memref<128xi32, #tpu.memory_space<vmem>>
        %dma_wait3A_213 = arith.constant 0 : i32
        %dma_wait3A_214 = tpu.memref_slice %arg2[%arg0, %arg1, %add3A_202, %dma_wait3A_213] : memref<2x16x160x128xi32, #tpu.memory_space<hbm>> -> memref<1x1x1x128xi32, #tpu.memory_space<hbm>>
        %dma_wait3A_215 = tpu.memref_squeeze %dma_wait3A_214 : memref<1x1x1x128xi32, #tpu.memory_space<hbm>> -> memref<128xi32, #tpu.memory_space<hbm>>
        tpu.wait_dma2 semaphore(%arg15 : memref<!tpu.dma_semaphore, #tpu.memory_space<semaphore_mem>>) src(%dma_wait3A_215 : memref<128xi32, #tpu.memory_space<hbm>>) dst(%dma_wait3A_212 : memref<128xi32, #tpu.memory_space<vmem>>)
        %add3A_216 = arith.constant 1 : i32
        %add3A_217 = arith.addi %add3A_171, %add3A_216 : i32
        %dma_wait3A_218 = arith.constant 0 : i32
        %dma_wait3A_219 = arith.constant 0 : i32
        %dma_wait3A_220 = tpu.memref_slice %arg7[%dma_wait3A_218, %dma_wait3A_219] : memref<4x128xi32, #tpu.memory_space<vmem>> -> memref<1x128xi32, #tpu.memory_space<vmem>>
        %dma_wait3A_221 = tpu.memref_squeeze %dma_wait3A_220 : memref<1x128xi32, #tpu.memory_space<vmem>> -> memref<128xi32, #tpu.memory_space<vmem>>
        %dma_wait3A_222 = arith.constant 0 : i32
        %dma_wait3A_223 = tpu.memref_slice %arg3[%arg1, %add3A_217, %dma_wait3A_222] : memref<16x160x128xi32, #tpu.memory_space<hbm>> -> memref<1x1x128xi32, #tpu.memory_space<hbm>>
        %dma_wait3A_224 = tpu.memref_squeeze %dma_wait3A_223 : memref<1x1x128xi32, #tpu.memory_space<hbm>> -> memref<128xi32, #tpu.memory_space<hbm>>
        %dma_wait3A_225 = arith.constant 0 : i32
        %dma_wait3A_226 = tpu.memref_slice %arg7[%dma_wait3A_218, %dma_wait3A_225] : memref<4x128xi32, #tpu.memory_space<vmem>> -> memref<1x128xi32, #tpu.memory_space<vmem>>
        %dma_wait3A_227 = tpu.memref_squeeze %dma_wait3A_226 : memref<1x128xi32, #tpu.memory_space<vmem>> -> memref<128xi32, #tpu.memory_space<vmem>>
        %dma_wait3A_228 = arith.constant 0 : i32
        %dma_wait3A_229 = tpu.memref_slice %arg3[%arg1, %add3A_217, %dma_wait3A_228] : memref<16x160x128xi32, #tpu.memory_space<hbm>> -> memref<1x1x128xi32, #tpu.memory_space<hbm>>
        %dma_wait3A_230 = tpu.memref_squeeze %dma_wait3A_229 : memref<1x1x128xi32, #tpu.memory_space<hbm>> -> memref<128xi32, #tpu.memory_space<hbm>>
        tpu.wait_dma2 semaphore(%arg17 : memref<!tpu.dma_semaphore, #tpu.memory_space<semaphore_mem>>) src(%dma_wait3A_230 : memref<128xi32, #tpu.memory_space<hbm>>) dst(%dma_wait3A_227 : memref<128xi32, #tpu.memory_space<vmem>>)
        %dma_wait3A_231 = arith.constant 2 : i32
        %dma_wait3A_232 = arith.constant 0 : i32
        %dma_wait3A_233 = tpu.memref_slice %arg7[%dma_wait3A_231, %dma_wait3A_232] : memref<4x128xi32, #tpu.memory_space<vmem>> -> memref<1x128xi32, #tpu.memory_space<vmem>>
        %dma_wait3A_234 = tpu.memref_squeeze %dma_wait3A_233 : memref<1x128xi32, #tpu.memory_space<vmem>> -> memref<128xi32, #tpu.memory_space<vmem>>
        %dma_wait3A_235 = arith.constant 0 : i32
        %dma_wait3A_236 = arith.constant 0 : i32
        %dma_wait3A_237 = tpu.memref_slice %arg10[%dma_wait3A_235, %dma_wait3A_236] : memref<10240x128xf32, #tpu.memory_space<vmem_shared>> -> memref<10240x128xf32, #tpu.memory_space<vmem_shared>>
        tpu.wait_indirect_dma semaphore(%arg13 : memref<!tpu.dma_semaphore, #tpu.memory_space<semaphore_mem>>) src(%arg8 : memref<128x128xf32, #tpu.memory_space<vmem>>) dst(%dma_wait3A_237 : memref<10240x128xf32, #tpu.memory_space<vmem_shared>>)
        %dma_start3A_238 = arith.constant 0 : i32
        %dma_start3A_239 = arith.constant 0 : i32
        %dma_start3A_240 = tpu.memref_slice %arg6[%dma_start3A_238, %dma_start3A_239] : memref<2x128xi32, #tpu.memory_space<vmem>> -> memref<1x128xi32, #tpu.memory_space<vmem>>
        %dma_start3A_241 = tpu.memref_squeeze %dma_start3A_240 : memref<1x128xi32, #tpu.memory_space<vmem>> -> memref<128xi32, #tpu.memory_space<vmem>>
        %dma_start3A_242 = arith.constant 0 : i32
        %dma_start3A_243 = arith.constant 0 : i32
        %dma_start3A_244 = tpu.memref_slice %arg4[%dma_start3A_242, %dma_start3A_243] : memref<20000x128xf32, #tpu.memory_space<hbm>> -> memref<20000x128xf32, #tpu.memory_space<hbm>>
        tpu.enqueue_indirect_dma source(%dma_start3A_244 : memref<20000x128xf32, #tpu.memory_space<hbm>>) target(%arg8 : memref<128x128xf32, #tpu.memory_space<vmem>>) offsets(%dma_start3A_241 : memref<128xi32, #tpu.memory_space<vmem>>) semaphore(%arg11 : memref<!tpu.dma_semaphore, #tpu.memory_space<semaphore_mem>>)
      } else {
      }
      %dma_wait3A_179 = arith.constant 1 : i32
      %dma_wait3A_180 = arith.constant 0 : i32
      %dma_wait3A_181 = tpu.memref_slice %arg6[%dma_wait3A_179, %dma_wait3A_180] : memref<2x128xi32, #tpu.memory_space<vmem>> -> memref<1x128xi32, #tpu.memory_space<vmem>>
      %dma_wait3A_182 = tpu.memref_squeeze %dma_wait3A_181 : memref<1x128xi32, #tpu.memory_space<vmem>> -> memref<128xi32, #tpu.memory_space<vmem>>
      %dma_wait3A_183 = arith.constant 0 : i32
      %dma_wait3A_184 = arith.constant 0 : i32
      %dma_wait3A_185 = tpu.memref_slice %arg4[%dma_wait3A_183, %dma_wait3A_184] : memref<20000x128xf32, #tpu.memory_space<hbm>> -> memref<20000x128xf32, #tpu.memory_space<hbm>>
      tpu.wait_indirect_dma semaphore(%arg12 : memref<!tpu.dma_semaphore, #tpu.memory_space<semaphore_mem>>) src(%dma_wait3A_185 : memref<20000x128xf32, #tpu.memory_space<hbm>>) dst(%arg9 : memref<128x128xf32, #tpu.memory_space<vmem>>)
      %dma_start3A_186 = arith.constant 3 : i32
      %dma_start3A_187 = arith.constant 0 : i32
      %dma_start3A_188 = tpu.memref_slice %arg7[%dma_start3A_186, %dma_start3A_187] : memref<4x128xi32, #tpu.memory_space<vmem>> -> memref<1x128xi32, #tpu.memory_space<vmem>>
      %dma_start3A_189 = tpu.memref_squeeze %dma_start3A_188 : memref<1x128xi32, #tpu.memory_space<vmem>> -> memref<128xi32, #tpu.memory_space<vmem>>
      %dma_start3A_190 = arith.constant 0 : i32
      %dma_start3A_191 = arith.constant 0 : i32
      %dma_start3A_192 = tpu.memref_slice %arg10[%dma_start3A_190, %dma_start3A_191] : memref<10240x128xf32, #tpu.memory_space<vmem_shared>> -> memref<10240x128xf32, #tpu.memory_space<vmem_shared>>
      tpu.enqueue_indirect_dma source(%arg9 : memref<128x128xf32, #tpu.memory_space<vmem>>) target(%dma_start3A_192 : memref<10240x128xf32, #tpu.memory_space<vmem_shared>>) offsets(%dma_start3A_189 : memref<128xi32, #tpu.memory_space<vmem>>) semaphore(%arg14 : memref<!tpu.dma_semaphore, #tpu.memory_space<semaphore_mem>>) {add = true}
      %add3A_193 = arith.constant 2 : i32
      %add3A_194 = arith.addi %add3A_171, %add3A_193 : i32
      %lt3A_195 = arith.constant 160 : i32
      %lt3A_196 = arith.cmpi slt, %add3A_194, %lt3A_195 : i32
      %convert_element_type3A_197 = arith.extui %lt3A_196 : i1 to i32
      %cond3A_198 = arith.constant 0 : i32
      %cond3A_199 = arith.cmpi ne, %convert_element_type3A_197, %cond3A_198 : i32
      scf.if %cond3A_199 {
        %add3A_201 = arith.constant 2 : i32
        %add3A_202 = arith.addi %add3A_171, %add3A_201 : i32
        %dma_start3A_203 = arith.constant 1 : i32
        %dma_start3A_204 = arith.constant 0 : i32
        %dma_start3A_205 = tpu.memref_slice %arg6[%dma_start3A_203, %dma_start3A_204] : memref<2x128xi32, #tpu.memory_space<vmem>> -> memref<1x128xi32, #tpu.memory_space<vmem>>
        %dma_start3A_206 = tpu.memref_squeeze %dma_start3A_205 : memref<1x128xi32, #tpu.memory_space<vmem>> -> memref<128xi32, #tpu.memory_space<vmem>>
        %dma_start3A_207 = arith.constant 0 : i32
        %dma_start3A_208 = tpu.memref_slice %arg2[%arg0, %arg1, %add3A_202, %dma_start3A_207] : memref<2x16x160x128xi32, #tpu.memory_space<hbm>> -> memref<1x1x1x128xi32, #tpu.memory_space<hbm>>
        %dma_start3A_209 = tpu.memref_squeeze %dma_start3A_208 : memref<1x1x1x128xi32, #tpu.memory_space<hbm>> -> memref<128xi32, #tpu.memory_space<hbm>>
        %dma_start3A_210 = arith.constant 0 : i32
        %dma_start3A_211 = tpu.memref_slice %arg6[%dma_start3A_203, %dma_start3A_210] : memref<2x128xi32, #tpu.memory_space<vmem>> -> memref<1x128xi32, #tpu.memory_space<vmem>>
        %dma_start3A_212 = tpu.memref_squeeze %dma_start3A_211 : memref<1x128xi32, #tpu.memory_space<vmem>> -> memref<128xi32, #tpu.memory_space<vmem>>
        %dma_start3A_213 = arith.constant 0 : i32
        %dma_start3A_214 = tpu.memref_slice %arg2[%arg0, %arg1, %add3A_202, %dma_start3A_213] : memref<2x16x160x128xi32, #tpu.memory_space<hbm>> -> memref<1x1x1x128xi32, #tpu.memory_space<hbm>>
        %dma_start3A_215 = tpu.memref_squeeze %dma_start3A_214 : memref<1x1x1x128xi32, #tpu.memory_space<hbm>> -> memref<128xi32, #tpu.memory_space<hbm>>
        tpu.enqueue_dma source(%dma_start3A_215 : memref<128xi32, #tpu.memory_space<hbm>>) target(%dma_start3A_212 : memref<128xi32, #tpu.memory_space<vmem>>) target_semaphore(%arg16 : memref<!tpu.dma_semaphore, #tpu.memory_space<semaphore_mem>>)
        %add3A_216 = arith.constant 2 : i32
        %add3A_217 = arith.addi %add3A_171, %add3A_216 : i32
        %dma_start3A_218 = arith.constant 1 : i32
        %dma_start3A_219 = arith.constant 0 : i32
        %dma_start3A_220 = tpu.memref_slice %arg7[%dma_start3A_218, %dma_start3A_219] : memref<4x128xi32, #tpu.memory_space<vmem>> -> memref<1x128xi32, #tpu.memory_space<vmem>>
        %dma_start3A_221 = tpu.memref_squeeze %dma_start3A_220 : memref<1x128xi32, #tpu.memory_space<vmem>> -> memref<128xi32, #tpu.memory_space<vmem>>
        %dma_start3A_222 = arith.constant 0 : i32
        %dma_start3A_223 = tpu.memref_slice %arg3[%arg1, %add3A_217, %dma_start3A_222] : memref<16x160x128xi32, #tpu.memory_space<hbm>> -> memref<1x1x128xi32, #tpu.memory_space<hbm>>
        %dma_start3A_224 = tpu.memref_squeeze %dma_start3A_223 : memref<1x1x128xi32, #tpu.memory_space<hbm>> -> memref<128xi32, #tpu.memory_space<hbm>>
        %dma_start3A_225 = arith.constant 0 : i32
        %dma_start3A_226 = tpu.memref_slice %arg7[%dma_start3A_218, %dma_start3A_225] : memref<4x128xi32, #tpu.memory_space<vmem>> -> memref<1x128xi32, #tpu.memory_space<vmem>>
        %dma_start3A_227 = tpu.memref_squeeze %dma_start3A_226 : memref<1x128xi32, #tpu.memory_space<vmem>> -> memref<128xi32, #tpu.memory_space<vmem>>
        %dma_start3A_228 = arith.constant 0 : i32
        %dma_start3A_229 = tpu.memref_slice %arg3[%arg1, %add3A_217, %dma_start3A_228] : memref<16x160x128xi32, #tpu.memory_space<hbm>> -> memref<1x1x128xi32, #tpu.memory_space<hbm>>
        %dma_start3A_230 = tpu.memref_squeeze %dma_start3A_229 : memref<1x1x128xi32, #tpu.memory_space<hbm>> -> memref<128xi32, #tpu.memory_space<hbm>>
        tpu.enqueue_dma source(%dma_start3A_230 : memref<128xi32, #tpu.memory_space<hbm>>) target(%dma_start3A_227 : memref<128xi32, #tpu.memory_space<vmem>>) target_semaphore(%arg18 : memref<!tpu.dma_semaphore, #tpu.memory_space<semaphore_mem>>)
      } else {
      }
      %scan3A_200 = arith.constant 0 : i32
      scf.yield %scan3A_200 : i32
    }
    %scan3A_56 = arith.constant 40 : i32
    %dma_wait3A = arith.constant 2 : i32
    %dma_wait3A_57 = arith.constant 0 : i32
    %dma_wait3A_58 = tpu.memref_slice %arg7[%dma_wait3A, %dma_wait3A_57] : memref<4x128xi32, #tpu.memory_space<vmem>> -> memref<1x128xi32, #tpu.memory_space<vmem>>
    %dma_wait3A_59 = tpu.memref_squeeze %dma_wait3A_58 : memref<1x128xi32, #tpu.memory_space<vmem>> -> memref<128xi32, #tpu.memory_space<vmem>>
    %dma_wait3A_60 = arith.constant 0 : i32
    %dma_wait3A_61 = arith.constant 0 : i32
    %dma_wait3A_62 = tpu.memref_slice %arg10[%dma_wait3A_60, %dma_wait3A_61] : memref<10240x128xf32, #tpu.memory_space<vmem_shared>> -> memref<10240x128xf32, #tpu.memory_space<vmem_shared>>
    tpu.wait_indirect_dma semaphore(%arg13 : memref<!tpu.dma_semaphore, #tpu.memory_space<semaphore_mem>>) src(%arg8 : memref<128x128xf32, #tpu.memory_space<vmem>>) dst(%dma_wait3A_62 : memref<10240x128xf32, #tpu.memory_space<vmem_shared>>)
    %dma_wait3A_63 = arith.constant 3 : i32
    %dma_wait3A_64 = arith.constant 0 : i32
    %dma_wait3A_65 = tpu.memref_slice %arg7[%dma_wait3A_63, %dma_wait3A_64] : memref<4x128xi32, #tpu.memory_space<vmem>> -> memref<1x128xi32, #tpu.memory_space<vmem>>
    %dma_wait3A_66 = tpu.memref_squeeze %dma_wait3A_65 : memref<1x128xi32, #tpu.memory_space<vmem>> -> memref<128xi32, #tpu.memory_space<vmem>>
    %dma_wait3A_67 = arith.constant 0 : i32
    %dma_wait3A_68 = arith.constant 0 : i32
    %dma_wait3A_69 = tpu.memref_slice %arg10[%dma_wait3A_67, %dma_wait3A_68] : memref<10240x128xf32, #tpu.memory_space<vmem_shared>> -> memref<10240x128xf32, #tpu.memory_space<vmem_shared>>
    tpu.wait_indirect_dma semaphore(%arg14 : memref<!tpu.dma_semaphore, #tpu.memory_space<semaphore_mem>>) src(%arg9 : memref<128x128xf32, #tpu.memory_space<vmem>>) dst(%dma_wait3A_69 : memref<10240x128xf32, #tpu.memory_space<vmem_shared>>)
    %barrier3A_70 = arith.constant 0 : index
    tpu.barrier barrier_id(%barrier3A_70)
    %mul3A = arith.constant 640 : i32
    %mul3A_71 = arith.muli %arg1, %mul3A : i32
    %mul3A_72 = arith.constant 640 : i32
    %mul3A_73 = arith.muli %arg1, %mul3A_72 : i32
    "tpu.region"() ({
      %run_scoped3A_74 = tpu.sem_alloc : memref<!tpu.dma_semaphore, #tpu.memory_space<semaphore_mem>>
      %dma_start3A_75 = arith.constant 0 : i32
      %dma_start3A_76 = tpu.memref_slice %arg5[%arg0, %mul3A_73, %dma_start3A_75] : memref<2x10240x128xf32, #tpu.memory_space<hbm>> -> memref<1x640x128xf32, #tpu.memory_space<hbm>>
      %dma_start3A_77 = tpu.memref_squeeze %dma_start3A_76 : memref<1x640x128xf32, #tpu.memory_space<hbm>> -> memref<640x128xf32, #tpu.memory_space<hbm>>
      %dma_start3A_78 = arith.constant 0 : i32
      %dma_start3A_79 = tpu.memref_slice %arg10[%mul3A_71, %dma_start3A_78] : memref<10240x128xf32, #tpu.memory_space<vmem_shared>> -> memref<640x128xf32, #tpu.memory_space<vmem_shared>>
      tpu.enqueue_dma source(%dma_start3A_79 : memref<640x128xf32, #tpu.memory_space<vmem_shared>>) target(%dma_start3A_77 : memref<640x128xf32, #tpu.memory_space<hbm>>) target_semaphore(%run_scoped3A_74 : memref<!tpu.dma_semaphore, #tpu.memory_space<semaphore_mem>>)
      %dma_wait3A_80 = arith.constant 0 : i32
      %dma_wait3A_81 = tpu.memref_slice %arg5[%arg0, %mul3A_73, %dma_wait3A_80] : memref<2x10240x128xf32, #tpu.memory_space<hbm>> -> memref<1x640x128xf32, #tpu.memory_space<hbm>>
      %dma_wait3A_82 = tpu.memref_squeeze %dma_wait3A_81 : memref<1x640x128xf32, #tpu.memory_space<hbm>> -> memref<640x128xf32, #tpu.memory_space<hbm>>
      %dma_wait3A_83 = arith.constant 0 : i32
      %dma_wait3A_84 = tpu.memref_slice %arg10[%mul3A_71, %dma_wait3A_83] : memref<10240x128xf32, #tpu.memory_space<vmem_shared>> -> memref<640x128xf32, #tpu.memory_space<vmem_shared>>
      tpu.wait_dma2 semaphore(%run_scoped3A_74 : memref<!tpu.dma_semaphore, #tpu.memory_space<semaphore_mem>>) src(%dma_wait3A_84 : memref<640x128xf32, #tpu.memory_space<vmem_shared>>) dst(%dma_wait3A_82 : memref<640x128xf32, #tpu.memory_space<hbm>>)
      tpu.yield
    }) : () -> ()
    return
  }
}

#map = affine_map<(d0, d1) -> (0, 0, 0, 0)>
#map1 = affine_map<(d0, d1) -> (0, 0, 0)>
#map2 = affine_map<(d0, d1) -> (0, 0)>
module attributes {stable_mosaic.version = 14 : i64} {
  func.func @_msg_body(%arg0: i32, %arg1: i32, %arg2: memref<2x16x160x128xi32, #tpu.memory_space<hbm>>, %arg3: memref<16x160x128xi32, #tpu.memory_space<hbm>>, %arg4: memref<20000x128xf32, #tpu.memory_space<hbm>>, %arg5: memref<2x10240x128xf32, #tpu.memory_space<hbm>>, %arg6: memref<2x128xi32, #tpu.memory_space<vmem>>, %arg7: memref<4x128xi32, #tpu.memory_space<vmem>>, %arg8: memref<128x128xf32, #tpu.memory_space<vmem>>, %arg9: memref<128x128xf32, #tpu.memory_space<vmem>>, %arg10: memref<10240x128xf32, #tpu.memory_space<vmem_shared>>, %arg11: memref<!tpu.dma_semaphore, #tpu.memory_space<semaphore_mem>>, %arg12: memref<!tpu.dma_semaphore, #tpu.memory_space<semaphore_mem>>, %arg13: memref<!tpu.dma_semaphore, #tpu.memory_space<semaphore_mem>>, %arg14: memref<!tpu.dma_semaphore, #tpu.memory_space<semaphore_mem>>, %arg15: memref<!tpu.dma_semaphore, #tpu.memory_space<semaphore_mem>>, %arg16: memref<!tpu.dma_semaphore, #tpu.memory_space<semaphore_mem>>, %arg17: memref<!tpu.dma_semaphore, #tpu.memory_space<semaphore_mem>>, %arg18: memref<!tpu.dma_semaphore, #tpu.memory_space<semaphore_mem>>, %arg19: memref<!tpu.dma_semaphore, #tpu.memory_space<semaphore_mem>>, %arg20: memref<!tpu.dma_semaphore, #tpu.memory_space<semaphore_mem>>) attributes {dimension_semantics = [#tpu.dimension_semantics<core_parallel>, #tpu.dimension_semantics<subcore_parallel>], iteration_bounds = array<i64: 2, 16>, scalar_prefetch = 0 : i64, scratch_operands = 15 : i64, tpu.core_type = #tpu.core_type<sc_vector_subcore>, window_params = [{transform_indices = #map}, {transform_indices = #map1}, {transform_indices = #map2}, {transform_indices = #map1}]} {
    %scan3A = arith.constant 0 : i32
    %scan3A_0 = arith.constant 0 : i32
    %scan3A_1 = arith.constant 1024 : i32
    %scan3A_2 = arith.addi %scan3A_0, %scan3A_1 : i32
    %scan3A_3 = arith.constant 1 : i32
    %scan3A_4 = scf.for %scan3A_74 = %scan3A_0 to %scan3A_2 step %scan3A_3 iter_args(%scan3A_75 = %scan3A) -> (i32)  : i32 {
      %jit3A = arith.constant 8 : i32
      %div3A = arith.divsi %scan3A_74, %jit3A : i32
      %sign3A = arith.constant 0 : i32
      %sign3A_76 = arith.cmpi sgt, %scan3A_74, %sign3A : i32
      %sign3A_77 = arith.extui %sign3A_76 : i1 to i32
      %sign3A_78 = arith.constant 0 : i32
      %sign3A_79 = arith.cmpi slt, %scan3A_74, %sign3A_78 : i32
      %sign3A_80 = arith.extui %sign3A_79 : i1 to i32
      %sign3A_81 = arith.subi %sign3A_77, %sign3A_80 : i32
      %sign3A_82 = arith.constant 0 : i32
      %sign3A_83 = arith.cmpi sgt, %jit3A, %sign3A_82 : i32
      %sign3A_84 = arith.extui %sign3A_83 : i1 to i32
      %sign3A_85 = arith.constant 0 : i32
      %sign3A_86 = arith.cmpi slt, %jit3A, %sign3A_85 : i32
      %sign3A_87 = arith.extui %sign3A_86 : i1 to i32
      %sign3A_88 = arith.subi %sign3A_84, %sign3A_87 : i32
      %ne3A = arith.cmpi ne, %sign3A_81, %sign3A_88 : i32
      %rem3A = arith.remsi %scan3A_74, %jit3A : i32
      %ne3A_89 = arith.constant 0 : i32
      %ne3A_90 = arith.cmpi ne, %rem3A, %ne3A_89 : i32
      %and3A = arith.andi %ne3A, %ne3A_90 : i1
      %sub3A = arith.constant 1 : i32
      %sub3A_91 = arith.subi %div3A, %sub3A : i32
      %select_n3A = arith.select %and3A, %sub3A_91, %div3A : i32
      %jit3A_92 = arith.constant 8 : i32
      %eq3A = arith.constant 0 : i32
      %eq3A_93 = arith.cmpi eq, %jit3A_92, %eq3A : i32
      %jit3A_94 = arith.constant 1 : i32
      %select_n3A_95 = arith.select %eq3A_93, %jit3A_94, %jit3A_92 : i32
      %rem3A_96 = arith.remsi %scan3A_74, %select_n3A_95 : i32
      %ne3A_97 = arith.constant 0 : i32
      %ne3A_98 = arith.cmpi ne, %rem3A_96, %ne3A_97 : i32
      %lt3A = arith.constant 0 : i32
      %lt3A_99 = arith.cmpi slt, %rem3A_96, %lt3A : i32
      %lt3A_100 = arith.constant 0 : i32
      %lt3A_101 = arith.cmpi slt, %select_n3A_95, %lt3A_100 : i32
      %ne3A_102 = arith.xori %lt3A_99, %lt3A_101 : i1
      %and3A_103 = arith.andi %ne3A_102, %ne3A_98 : i1
      %add3A = arith.addi %rem3A_96, %select_n3A_95 : i32
      %select_n3A_104 = arith.select %and3A_103, %add3A, %rem3A_96 : i32
      %broadcast_in_dim3A = arith.constant 0.000000e+00 : f32
      %broadcast_in_dim3A_105 = vector.broadcast %broadcast_in_dim3A : f32 to vector<16xf32>
      %mul3A_106 = arith.constant 16 : i32
      %mul3A_107 = arith.muli %select_n3A_104, %mul3A_106 : i32
      %swap3A = arith.index_cast %select_n3A : i32 to index
      %swap3A_108 = arith.index_cast %mul3A_107 : i32 to index
      %swap3A_109 = tpu.vector_load %arg8[%swap3A, %swap3A_108] {strides = array<i32>} : memref<128x128xf32, #tpu.memory_space<vmem>>, vector<1x16xf32>,
      %swap3A_110 = vector.shape_cast %swap3A_109 : vector<1x16xf32> to vector<16xf32>
      %swap3A_111 = vector.shape_cast %broadcast_in_dim3A_105 : vector<16xf32> to vector<1x16xf32>
      tpu.vector_store %arg8[%swap3A, %swap3A_108], %swap3A_111 {strides = array<i32>} : memref<128x128xf32, #tpu.memory_space<vmem>>, vector<1x16xf32>,
      %scan3A_112 = arith.constant 0 : i32
      scf.yield %scan3A_112 : i32
    }
    %scan3A_5 = arith.constant 1024 : i32
    %scan3A_6 = arith.constant 0 : i32
    %scan3A_7 = arith.constant 0 : i32
    %scan3A_8 = arith.constant 5 : i32
    %scan3A_9 = arith.addi %scan3A_7, %scan3A_8 : i32
    %scan3A_10 = arith.constant 1 : i32
    %scan3A_11 = scf.for %scan3A_74 = %scan3A_7 to %scan3A_9 step %scan3A_10 iter_args(%scan3A_75 = %scan3A_6) -> (i32)  : i32 {
      %mul3A_76 = arith.constant 640 : i32
      %mul3A_77 = arith.muli %arg1, %mul3A_76 : i32
      %mul3A_78 = arith.constant 128 : i32
      %mul3A_79 = arith.muli %scan3A_74, %mul3A_78 : i32
      %add3A = arith.addi %mul3A_77, %mul3A_79 : i32
      "tpu.region"() ({
        %run_scoped3A_81 = tpu.sem_alloc : memref<!tpu.dma_semaphore, #tpu.memory_space<semaphore_mem>>
        %dma_start3A_82 = arith.constant 0 : i32
        %dma_start3A_83 = tpu.memref_slice %arg10[%add3A, %dma_start3A_82] : memref<10240x128xf32, #tpu.memory_space<vmem_shared>> -> memref<128x128xf32, #tpu.memory_space<vmem_shared>>
        %dma_start3A_84 = arith.constant 0 : i32
        %dma_start3A_85 = tpu.memref_slice %arg10[%add3A, %dma_start3A_84] : memref<10240x128xf32, #tpu.memory_space<vmem_shared>> -> memref<128x128xf32, #tpu.memory_space<vmem_shared>>
        tpu.enqueue_dma source(%arg8 : memref<128x128xf32, #tpu.memory_space<vmem>>) target(%dma_start3A_85 : memref<128x128xf32, #tpu.memory_space<vmem_shared>>) target_semaphore(%run_scoped3A_81 : memref<!tpu.dma_semaphore, #tpu.memory_space<semaphore_mem>>)
        %dma_wait3A_86 = arith.constant 0 : i32
        %dma_wait3A_87 = tpu.memref_slice %arg10[%add3A, %dma_wait3A_86] : memref<10240x128xf32, #tpu.memory_space<vmem_shared>> -> memref<128x128xf32, #tpu.memory_space<vmem_shared>>
        %dma_wait3A_88 = arith.constant 0 : i32
        %dma_wait3A_89 = tpu.memref_slice %arg10[%add3A, %dma_wait3A_88] : memref<10240x128xf32, #tpu.memory_space<vmem_shared>> -> memref<128x128xf32, #tpu.memory_space<vmem_shared>>
        tpu.wait_dma2 semaphore(%run_scoped3A_81 : memref<!tpu.dma_semaphore, #tpu.memory_space<semaphore_mem>>) src(%arg8 : memref<128x128xf32, #tpu.memory_space<vmem>>) dst(%dma_wait3A_89 : memref<128x128xf32, #tpu.memory_space<vmem_shared>>)
        tpu.yield
      }) : () -> ()
      %scan3A_80 = arith.constant 0 : i32
      scf.yield %scan3A_80 : i32
    }
    %scan3A_12 = arith.constant 5 : i32
    %barrier3A = arith.constant 0 : index
    tpu.barrier barrier_id(%barrier3A)
    %run_scoped3A = arith.constant 0 : i32
    %run_scoped3A_13 = arith.constant 0 : i32
    "tpu.region"() ({
      %run_scoped3A_74 = tpu.sem_alloc : memref<!tpu.dma_semaphore, #tpu.memory_space<semaphore_mem>>
      %dma_start3A_75 = arith.constant 0 : i32
      %dma_start3A_76 = tpu.memref_slice %arg6[%run_scoped3A_13, %dma_start3A_75] : memref<2x128xi32, #tpu.memory_space<vmem>> -> memref<1x128xi32, #tpu.memory_space<vmem>>
      %dma_start3A_77 = tpu.memref_squeeze %dma_start3A_76 : memref<1x128xi32, #tpu.memory_space<vmem>> -> memref<128xi32, #tpu.memory_space<vmem>>
      %dma_start3A_78 = arith.constant 0 : i32
      %dma_start3A_79 = tpu.memref_slice %arg2[%arg0, %arg1, %run_scoped3A, %dma_start3A_78] : memref<2x16x160x128xi32, #tpu.memory_space<hbm>> -> memref<1x1x1x128xi32, #tpu.memory_space<hbm>>
      %dma_start3A_80 = tpu.memref_squeeze %dma_start3A_79 : memref<1x1x1x128xi32, #tpu.memory_space<hbm>> -> memref<128xi32, #tpu.memory_space<hbm>>
      %dma_start3A_81 = arith.constant 0 : i32
      %dma_start3A_82 = tpu.memref_slice %arg6[%run_scoped3A_13, %dma_start3A_81] : memref<2x128xi32, #tpu.memory_space<vmem>> -> memref<1x128xi32, #tpu.memory_space<vmem>>
      %dma_start3A_83 = tpu.memref_squeeze %dma_start3A_82 : memref<1x128xi32, #tpu.memory_space<vmem>> -> memref<128xi32, #tpu.memory_space<vmem>>
      %dma_start3A_84 = arith.constant 0 : i32
      %dma_start3A_85 = tpu.memref_slice %arg2[%arg0, %arg1, %run_scoped3A, %dma_start3A_84] : memref<2x16x160x128xi32, #tpu.memory_space<hbm>> -> memref<1x1x1x128xi32, #tpu.memory_space<hbm>>
      %dma_start3A_86 = tpu.memref_squeeze %dma_start3A_85 : memref<1x1x1x128xi32, #tpu.memory_space<hbm>> -> memref<128xi32, #tpu.memory_space<hbm>>
      tpu.enqueue_dma source(%dma_start3A_86 : memref<128xi32, #tpu.memory_space<hbm>>) target(%dma_start3A_83 : memref<128xi32, #tpu.memory_space<vmem>>) target_semaphore(%run_scoped3A_74 : memref<!tpu.dma_semaphore, #tpu.memory_space<semaphore_mem>>)
      %dma_wait3A_87 = arith.constant 0 : i32
      %dma_wait3A_88 = tpu.memref_slice %arg6[%run_scoped3A_13, %dma_wait3A_87] : memref<2x128xi32, #tpu.memory_space<vmem>> -> memref<1x128xi32, #tpu.memory_space<vmem>>
      %dma_wait3A_89 = tpu.memref_squeeze %dma_wait3A_88 : memref<1x128xi32, #tpu.memory_space<vmem>> -> memref<128xi32, #tpu.memory_space<vmem>>
      %dma_wait3A_90 = arith.constant 0 : i32
      %dma_wait3A_91 = tpu.memref_slice %arg2[%arg0, %arg1, %run_scoped3A, %dma_wait3A_90] : memref<2x16x160x128xi32, #tpu.memory_space<hbm>> -> memref<1x1x1x128xi32, #tpu.memory_space<hbm>>
      %dma_wait3A_92 = tpu.memref_squeeze %dma_wait3A_91 : memref<1x1x1x128xi32, #tpu.memory_space<hbm>> -> memref<128xi32, #tpu.memory_space<hbm>>
      %dma_wait3A_93 = arith.constant 0 : i32
      %dma_wait3A_94 = tpu.memref_slice %arg6[%run_scoped3A_13, %dma_wait3A_93] : memref<2x128xi32, #tpu.memory_space<vmem>> -> memref<1x128xi32, #tpu.memory_space<vmem>>
      %dma_wait3A_95 = tpu.memref_squeeze %dma_wait3A_94 : memref<1x128xi32, #tpu.memory_space<vmem>> -> memref<128xi32, #tpu.memory_space<vmem>>
      %dma_wait3A_96 = arith.constant 0 : i32
      %dma_wait3A_97 = tpu.memref_slice %arg2[%arg0, %arg1, %run_scoped3A, %dma_wait3A_96] : memref<2x16x160x128xi32, #tpu.memory_space<hbm>> -> memref<1x1x1x128xi32, #tpu.memory_space<hbm>>
      %dma_wait3A_98 = tpu.memref_squeeze %dma_wait3A_97 : memref<1x1x1x128xi32, #tpu.memory_space<hbm>> -> memref<128xi32, #tpu.memory_space<hbm>>
      tpu.wait_dma2 semaphore(%run_scoped3A_74 : memref<!tpu.dma_semaphore, #tpu.memory_space<semaphore_mem>>) src(%dma_wait3A_98 : memref<128xi32, #tpu.memory_space<hbm>>) dst(%dma_wait3A_95 : memref<128xi32, #tpu.memory_space<vmem>>)
      tpu.yield
    }) : () -> ()
    %run_scoped3A_14 = arith.constant 0 : i32
    %run_scoped3A_15 = arith.constant 0 : i32
    "tpu.region"() ({
      %run_scoped3A_74 = tpu.sem_alloc : memref<!tpu.dma_semaphore, #tpu.memory_space<semaphore_mem>>
      %dma_start3A_75 = arith.constant 0 : i32
      %dma_start3A_76 = tpu.memref_slice %arg7[%run_scoped3A_15, %dma_start3A_75] : memref<4x128xi32, #tpu.memory_space<vmem>> -> memref<1x128xi32, #tpu.memory_space<vmem>>
      %dma_start3A_77 = tpu.memref_squeeze %dma_start3A_76 : memref<1x128xi32, #tpu.memory_space<vmem>> -> memref<128xi32, #tpu.memory_space<vmem>>
      %dma_start3A_78 = arith.constant 0 : i32
      %dma_start3A_79 = tpu.memref_slice %arg3[%arg1, %run_scoped3A_14, %dma_start3A_78] : memref<16x160x128xi32, #tpu.memory_space<hbm>> -> memref<1x1x128xi32, #tpu.memory_space<hbm>>
      %dma_start3A_80 = tpu.memref_squeeze %dma_start3A_79 : memref<1x1x128xi32, #tpu.memory_space<hbm>> -> memref<128xi32, #tpu.memory_space<hbm>>
      %dma_start3A_81 = arith.constant 0 : i32
      %dma_start3A_82 = tpu.memref_slice %arg7[%run_scoped3A_15, %dma_start3A_81] : memref<4x128xi32, #tpu.memory_space<vmem>> -> memref<1x128xi32, #tpu.memory_space<vmem>>
      %dma_start3A_83 = tpu.memref_squeeze %dma_start3A_82 : memref<1x128xi32, #tpu.memory_space<vmem>> -> memref<128xi32, #tpu.memory_space<vmem>>
      %dma_start3A_84 = arith.constant 0 : i32
      %dma_start3A_85 = tpu.memref_slice %arg3[%arg1, %run_scoped3A_14, %dma_start3A_84] : memref<16x160x128xi32, #tpu.memory_space<hbm>> -> memref<1x1x128xi32, #tpu.memory_space<hbm>>
      %dma_start3A_86 = tpu.memref_squeeze %dma_start3A_85 : memref<1x1x128xi32, #tpu.memory_space<hbm>> -> memref<128xi32, #tpu.memory_space<hbm>>
      tpu.enqueue_dma source(%dma_start3A_86 : memref<128xi32, #tpu.memory_space<hbm>>) target(%dma_start3A_83 : memref<128xi32, #tpu.memory_space<vmem>>) target_semaphore(%run_scoped3A_74 : memref<!tpu.dma_semaphore, #tpu.memory_space<semaphore_mem>>)
      %dma_wait3A_87 = arith.constant 0 : i32
      %dma_wait3A_88 = tpu.memref_slice %arg7[%run_scoped3A_15, %dma_wait3A_87] : memref<4x128xi32, #tpu.memory_space<vmem>> -> memref<1x128xi32, #tpu.memory_space<vmem>>
      %dma_wait3A_89 = tpu.memref_squeeze %dma_wait3A_88 : memref<1x128xi32, #tpu.memory_space<vmem>> -> memref<128xi32, #tpu.memory_space<vmem>>
      %dma_wait3A_90 = arith.constant 0 : i32
      %dma_wait3A_91 = tpu.memref_slice %arg3[%arg1, %run_scoped3A_14, %dma_wait3A_90] : memref<16x160x128xi32, #tpu.memory_space<hbm>> -> memref<1x1x128xi32, #tpu.memory_space<hbm>>
      %dma_wait3A_92 = tpu.memref_squeeze %dma_wait3A_91 : memref<1x1x128xi32, #tpu.memory_space<hbm>> -> memref<128xi32, #tpu.memory_space<hbm>>
      %dma_wait3A_93 = arith.constant 0 : i32
      %dma_wait3A_94 = tpu.memref_slice %arg7[%run_scoped3A_15, %dma_wait3A_93] : memref<4x128xi32, #tpu.memory_space<vmem>> -> memref<1x128xi32, #tpu.memory_space<vmem>>
      %dma_wait3A_95 = tpu.memref_squeeze %dma_wait3A_94 : memref<1x128xi32, #tpu.memory_space<vmem>> -> memref<128xi32, #tpu.memory_space<vmem>>
      %dma_wait3A_96 = arith.constant 0 : i32
      %dma_wait3A_97 = tpu.memref_slice %arg3[%arg1, %run_scoped3A_14, %dma_wait3A_96] : memref<16x160x128xi32, #tpu.memory_space<hbm>> -> memref<1x1x128xi32, #tpu.memory_space<hbm>>
      %dma_wait3A_98 = tpu.memref_squeeze %dma_wait3A_97 : memref<1x1x128xi32, #tpu.memory_space<hbm>> -> memref<128xi32, #tpu.memory_space<hbm>>
      tpu.wait_dma2 semaphore(%run_scoped3A_74 : memref<!tpu.dma_semaphore, #tpu.memory_space<semaphore_mem>>) src(%dma_wait3A_98 : memref<128xi32, #tpu.memory_space<hbm>>) dst(%dma_wait3A_95 : memref<128xi32, #tpu.memory_space<vmem>>)
      tpu.yield
    }) : () -> ()
    %dma_start3A = arith.constant 0 : i32
    %dma_start3A_16 = arith.constant 0 : i32
    %dma_start3A_17 = tpu.memref_slice %arg6[%dma_start3A, %dma_start3A_16] : memref<2x128xi32, #tpu.memory_space<vmem>> -> memref<1x128xi32, #tpu.memory_space<vmem>>
    %dma_start3A_18 = tpu.memref_squeeze %dma_start3A_17 : memref<1x128xi32, #tpu.memory_space<vmem>> -> memref<128xi32, #tpu.memory_space<vmem>>
    %dma_start3A_19 = arith.constant 0 : i32
    %dma_start3A_20 = arith.constant 0 : i32
    %dma_start3A_21 = tpu.memref_slice %arg4[%dma_start3A_19, %dma_start3A_20] : memref<20000x128xf32, #tpu.memory_space<hbm>> -> memref<20000x128xf32, #tpu.memory_space<hbm>>
    tpu.enqueue_indirect_dma source(%dma_start3A_21 : memref<20000x128xf32, #tpu.memory_space<hbm>>) target(%arg8 : memref<128x128xf32, #tpu.memory_space<vmem>>) offsets(%dma_start3A_18 : memref<128xi32, #tpu.memory_space<vmem>>) semaphore(%arg11 : memref<!tpu.dma_semaphore, #tpu.memory_space<semaphore_mem>>)
    %dma_start3A_22 = arith.constant 1 : i32
    %dma_start3A_23 = arith.constant 1 : i32
    %dma_start3A_24 = arith.constant 0 : i32
    %dma_start3A_25 = tpu.memref_slice %arg6[%dma_start3A_23, %dma_start3A_24] : memref<2x128xi32, #tpu.memory_space<vmem>> -> memref<1x128xi32, #tpu.memory_space<vmem>>
    %dma_start3A_26 = tpu.memref_squeeze %dma_start3A_25 : memref<1x128xi32, #tpu.memory_space<vmem>> -> memref<128xi32, #tpu.memory_space<vmem>>
    %dma_start3A_27 = arith.constant 0 : i32
    %dma_start3A_28 = tpu.memref_slice %arg2[%arg0, %arg1, %dma_start3A_22, %dma_start3A_27] : memref<2x16x160x128xi32, #tpu.memory_space<hbm>> -> memref<1x1x1x128xi32, #tpu.memory_space<hbm>>
    %dma_start3A_29 = tpu.memref_squeeze %dma_start3A_28 : memref<1x1x1x128xi32, #tpu.memory_space<hbm>> -> memref<128xi32, #tpu.memory_space<hbm>>
    %dma_start3A_30 = arith.constant 0 : i32
    %dma_start3A_31 = tpu.memref_slice %arg6[%dma_start3A_23, %dma_start3A_30] : memref<2x128xi32, #tpu.memory_space<vmem>> -> memref<1x128xi32, #tpu.memory_space<vmem>>
    %dma_start3A_32 = tpu.memref_squeeze %dma_start3A_31 : memref<1x128xi32, #tpu.memory_space<vmem>> -> memref<128xi32, #tpu.memory_space<vmem>>
    %dma_start3A_33 = arith.constant 0 : i32
    %dma_start3A_34 = tpu.memref_slice %arg2[%arg0, %arg1, %dma_start3A_22, %dma_start3A_33] : memref<2x16x160x128xi32, #tpu.memory_space<hbm>> -> memref<1x1x1x128xi32, #tpu.memory_space<hbm>>
    %dma_start3A_35 = tpu.memref_squeeze %dma_start3A_34 : memref<1x1x1x128xi32, #tpu.memory_space<hbm>> -> memref<128xi32, #tpu.memory_space<hbm>>
    tpu.enqueue_dma source(%dma_start3A_35 : memref<128xi32, #tpu.memory_space<hbm>>) target(%dma_start3A_32 : memref<128xi32, #tpu.memory_space<vmem>>) target_semaphore(%arg16 : memref<!tpu.dma_semaphore, #tpu.memory_space<semaphore_mem>>)
    %dma_start3A_36 = arith.constant 1 : i32
    %dma_start3A_37 = arith.constant 1 : i32
    %dma_start3A_38 = arith.constant 0 : i32
    %dma_start3A_39 = tpu.memref_slice %arg7[%dma_start3A_37, %dma_start3A_38] : memref<4x128xi32, #tpu.memory_space<vmem>> -> memref<1x128xi32, #tpu.memory_space<vmem>>
    %dma_start3A_40 = tpu.memref_squeeze %dma_start3A_39 : memref<1x128xi32, #tpu.memory_space<vmem>> -> memref<128xi32, #tpu.memory_space<vmem>>
    %dma_start3A_41 = arith.constant 0 : i32
    %dma_start3A_42 = tpu.memref_slice %arg3[%arg1, %dma_start3A_36, %dma_start3A_41] : memref<16x160x128xi32, #tpu.memory_space<hbm>> -> memref<1x1x128xi32, #tpu.memory_space<hbm>>
    %dma_start3A_43 = tpu.memref_squeeze %dma_start3A_42 : memref<1x1x128xi32, #tpu.memory_space<hbm>> -> memref<128xi32, #tpu.memory_space<hbm>>
    %dma_start3A_44 = arith.constant 0 : i32
    %dma_start3A_45 = tpu.memref_slice %arg7[%dma_start3A_37, %dma_start3A_44] : memref<4x128xi32, #tpu.memory_space<vmem>> -> memref<1x128xi32, #tpu.memory_space<vmem>>
    %dma_start3A_46 = tpu.memref_squeeze %dma_start3A_45 : memref<1x128xi32, #tpu.memory_space<vmem>> -> memref<128xi32, #tpu.memory_space<vmem>>
    %dma_start3A_47 = arith.constant 0 : i32
    %dma_start3A_48 = tpu.memref_slice %arg3[%arg1, %dma_start3A_36, %dma_start3A_47] : memref<16x160x128xi32, #tpu.memory_space<hbm>> -> memref<1x1x128xi32, #tpu.memory_space<hbm>>
    %dma_start3A_49 = tpu.memref_squeeze %dma_start3A_48 : memref<1x1x128xi32, #tpu.memory_space<hbm>> -> memref<128xi32, #tpu.memory_space<hbm>>
    tpu.enqueue_dma source(%dma_start3A_49 : memref<128xi32, #tpu.memory_space<hbm>>) target(%dma_start3A_46 : memref<128xi32, #tpu.memory_space<vmem>>) target_semaphore(%arg18 : memref<!tpu.dma_semaphore, #tpu.memory_space<semaphore_mem>>)
    %scan3A_50 = arith.constant 0 : i32
    %scan3A_51 = arith.constant 0 : i32
    %scan3A_52 = arith.constant 40 : i32
    %scan3A_53 = arith.addi %scan3A_51, %scan3A_52 : i32
    %scan3A_54 = arith.constant 1 : i32
    %scan3A_55 = scf.for %scan3A_74 = %scan3A_51 to %scan3A_53 step %scan3A_54 iter_args(%scan3A_75 = %scan3A_50) -> (i32)  : i32 {
      %mul3A_76 = arith.constant 4 : i32
      %mul3A_77 = arith.muli %mul3A_76, %scan3A_74 : i32
      %add3A = arith.constant 0 : i32
      %add3A_78 = arith.addi %mul3A_77, %add3A : i32
      %add3A_79 = arith.constant 1 : i32
      %add3A_80 = arith.addi %add3A_78, %add3A_79 : i32
      %lt3A = arith.constant 160 : i32
      %lt3A_81 = arith.cmpi slt, %add3A_80, %lt3A : i32
      %convert_element_type3A = arith.extui %lt3A_81 : i1 to i32
      %cond3A = arith.constant 0 : i32
      %cond3A_82 = arith.cmpi ne, %convert_element_type3A, %cond3A : i32
      scf.if %cond3A_82 {
        %add3A_201 = arith.constant 1 : i32
        %add3A_202 = arith.addi %add3A_78, %add3A_201 : i32
        %dma_wait3A_203 = arith.constant 1 : i32
        %dma_wait3A_204 = arith.constant 0 : i32
        %dma_wait3A_205 = tpu.memref_slice %arg6[%dma_wait3A_203, %dma_wait3A_204] : memref<2x128xi32, #tpu.memory_space<vmem>> -> memref<1x128xi32, #tpu.memory_space<vmem>>
        %dma_wait3A_206 = tpu.memref_squeeze %dma_wait3A_205 : memref<1x128xi32, #tpu.memory_space<vmem>> -> memref<128xi32, #tpu.memory_space<vmem>>
        %dma_wait3A_207 = arith.constant 0 : i32
        %dma_wait3A_208 = tpu.memref_slice %arg2[%arg0, %arg1, %add3A_202, %dma_wait3A_207] : memref<2x16x160x128xi32, #tpu.memory_space<hbm>> -> memref<1x1x1x128xi32, #tpu.memory_space<hbm>>
        %dma_wait3A_209 = tpu.memref_squeeze %dma_wait3A_208 : memref<1x1x1x128xi32, #tpu.memory_space<hbm>> -> memref<128xi32, #tpu.memory_space<hbm>>
        %dma_wait3A_210 = arith.constant 0 : i32
        %dma_wait3A_211 = tpu.memref_slice %arg6[%dma_wait3A_203, %dma_wait3A_210] : memref<2x128xi32, #tpu.memory_space<vmem>> -> memref<1x128xi32, #tpu.memory_space<vmem>>
        %dma_wait3A_212 = tpu.memref_squeeze %dma_wait3A_211 : memref<1x128xi32, #tpu.memory_space<vmem>> -> memref<128xi32, #tpu.memory_space<vmem>>
        %dma_wait3A_213 = arith.constant 0 : i32
        %dma_wait3A_214 = tpu.memref_slice %arg2[%arg0, %arg1, %add3A_202, %dma_wait3A_213] : memref<2x16x160x128xi32, #tpu.memory_space<hbm>> -> memref<1x1x1x128xi32, #tpu.memory_space<hbm>>
        %dma_wait3A_215 = tpu.memref_squeeze %dma_wait3A_214 : memref<1x1x1x128xi32, #tpu.memory_space<hbm>> -> memref<128xi32, #tpu.memory_space<hbm>>
        tpu.wait_dma2 semaphore(%arg16 : memref<!tpu.dma_semaphore, #tpu.memory_space<semaphore_mem>>) src(%dma_wait3A_215 : memref<128xi32, #tpu.memory_space<hbm>>) dst(%dma_wait3A_212 : memref<128xi32, #tpu.memory_space<vmem>>)
        %add3A_216 = arith.constant 1 : i32
        %add3A_217 = arith.addi %add3A_78, %add3A_216 : i32
        %dma_wait3A_218 = arith.constant 1 : i32
        %dma_wait3A_219 = arith.constant 0 : i32
        %dma_wait3A_220 = tpu.memref_slice %arg7[%dma_wait3A_218, %dma_wait3A_219] : memref<4x128xi32, #tpu.memory_space<vmem>> -> memref<1x128xi32, #tpu.memory_space<vmem>>
        %dma_wait3A_221 = tpu.memref_squeeze %dma_wait3A_220 : memref<1x128xi32, #tpu.memory_space<vmem>> -> memref<128xi32, #tpu.memory_space<vmem>>
        %dma_wait3A_222 = arith.constant 0 : i32
        %dma_wait3A_223 = tpu.memref_slice %arg3[%arg1, %add3A_217, %dma_wait3A_222] : memref<16x160x128xi32, #tpu.memory_space<hbm>> -> memref<1x1x128xi32, #tpu.memory_space<hbm>>
        %dma_wait3A_224 = tpu.memref_squeeze %dma_wait3A_223 : memref<1x1x128xi32, #tpu.memory_space<hbm>> -> memref<128xi32, #tpu.memory_space<hbm>>
        %dma_wait3A_225 = arith.constant 0 : i32
        %dma_wait3A_226 = tpu.memref_slice %arg7[%dma_wait3A_218, %dma_wait3A_225] : memref<4x128xi32, #tpu.memory_space<vmem>> -> memref<1x128xi32, #tpu.memory_space<vmem>>
        %dma_wait3A_227 = tpu.memref_squeeze %dma_wait3A_226 : memref<1x128xi32, #tpu.memory_space<vmem>> -> memref<128xi32, #tpu.memory_space<vmem>>
        %dma_wait3A_228 = arith.constant 0 : i32
        %dma_wait3A_229 = tpu.memref_slice %arg3[%arg1, %add3A_217, %dma_wait3A_228] : memref<16x160x128xi32, #tpu.memory_space<hbm>> -> memref<1x1x128xi32, #tpu.memory_space<hbm>>
        %dma_wait3A_230 = tpu.memref_squeeze %dma_wait3A_229 : memref<1x1x128xi32, #tpu.memory_space<hbm>> -> memref<128xi32, #tpu.memory_space<hbm>>
        tpu.wait_dma2 semaphore(%arg18 : memref<!tpu.dma_semaphore, #tpu.memory_space<semaphore_mem>>) src(%dma_wait3A_230 : memref<128xi32, #tpu.memory_space<hbm>>) dst(%dma_wait3A_227 : memref<128xi32, #tpu.memory_space<vmem>>)
        %ge3A = arith.constant 1 : i32
        %ge3A_231 = arith.cmpi sge, %add3A_78, %ge3A : i32
        %convert_element_type3A_232 = arith.extui %ge3A_231 : i1 to i32
        %cond3A_233 = arith.constant 0 : i32
        %cond3A_234 = arith.cmpi ne, %convert_element_type3A_232, %cond3A_233 : i32
        scf.if %cond3A_234 {
          %dma_wait3A_242 = arith.constant 3 : i32
          %dma_wait3A_243 = arith.constant 0 : i32
          %dma_wait3A_244 = tpu.memref_slice %arg7[%dma_wait3A_242, %dma_wait3A_243] : memref<4x128xi32, #tpu.memory_space<vmem>> -> memref<1x128xi32, #tpu.memory_space<vmem>>
          %dma_wait3A_245 = tpu.memref_squeeze %dma_wait3A_244 : memref<1x128xi32, #tpu.memory_space<vmem>> -> memref<128xi32, #tpu.memory_space<vmem>>
          %dma_wait3A_246 = arith.constant 0 : i32
          %dma_wait3A_247 = arith.constant 0 : i32
          %dma_wait3A_248 = tpu.memref_slice %arg10[%dma_wait3A_246, %dma_wait3A_247] : memref<10240x128xf32, #tpu.memory_space<vmem_shared>> -> memref<10240x128xf32, #tpu.memory_space<vmem_shared>>
          tpu.wait_indirect_dma semaphore(%arg14 : memref<!tpu.dma_semaphore, #tpu.memory_space<semaphore_mem>>) src(%arg9 : memref<128x128xf32, #tpu.memory_space<vmem>>) dst(%dma_wait3A_248 : memref<10240x128xf32, #tpu.memory_space<vmem_shared>>)
        } else {
        }
        %dma_start3A_235 = arith.constant 1 : i32
        %dma_start3A_236 = arith.constant 0 : i32
        %dma_start3A_237 = tpu.memref_slice %arg6[%dma_start3A_235, %dma_start3A_236] : memref<2x128xi32, #tpu.memory_space<vmem>> -> memref<1x128xi32, #tpu.memory_space<vmem>>
        %dma_start3A_238 = tpu.memref_squeeze %dma_start3A_237 : memref<1x128xi32, #tpu.memory_space<vmem>> -> memref<128xi32, #tpu.memory_space<vmem>>
        %dma_start3A_239 = arith.constant 0 : i32
        %dma_start3A_240 = arith.constant 0 : i32
        %dma_start3A_241 = tpu.memref_slice %arg4[%dma_start3A_239, %dma_start3A_240] : memref<20000x128xf32, #tpu.memory_space<hbm>> -> memref<20000x128xf32, #tpu.memory_space<hbm>>
        tpu.enqueue_indirect_dma source(%dma_start3A_241 : memref<20000x128xf32, #tpu.memory_space<hbm>>) target(%arg9 : memref<128x128xf32, #tpu.memory_space<vmem>>) offsets(%dma_start3A_238 : memref<128xi32, #tpu.memory_space<vmem>>) semaphore(%arg12 : memref<!tpu.dma_semaphore, #tpu.memory_space<semaphore_mem>>)
      } else {
      }
      %dma_wait3A_83 = arith.constant 0 : i32
      %dma_wait3A_84 = arith.constant 0 : i32
      %dma_wait3A_85 = tpu.memref_slice %arg6[%dma_wait3A_83, %dma_wait3A_84] : memref<2x128xi32, #tpu.memory_space<vmem>> -> memref<1x128xi32, #tpu.memory_space<vmem>>
      %dma_wait3A_86 = tpu.memref_squeeze %dma_wait3A_85 : memref<1x128xi32, #tpu.memory_space<vmem>> -> memref<128xi32, #tpu.memory_space<vmem>>
      %dma_wait3A_87 = arith.constant 0 : i32
      %dma_wait3A_88 = arith.constant 0 : i32
      %dma_wait3A_89 = tpu.memref_slice %arg4[%dma_wait3A_87, %dma_wait3A_88] : memref<20000x128xf32, #tpu.memory_space<hbm>> -> memref<20000x128xf32, #tpu.memory_space<hbm>>
      tpu.wait_indirect_dma semaphore(%arg11 : memref<!tpu.dma_semaphore, #tpu.memory_space<semaphore_mem>>) src(%dma_wait3A_89 : memref<20000x128xf32, #tpu.memory_space<hbm>>) dst(%arg8 : memref<128x128xf32, #tpu.memory_space<vmem>>)
      %dma_start3A_90 = arith.constant 0 : i32
      %dma_start3A_91 = arith.constant 0 : i32
      %dma_start3A_92 = tpu.memref_slice %arg7[%dma_start3A_90, %dma_start3A_91] : memref<4x128xi32, #tpu.memory_space<vmem>> -> memref<1x128xi32, #tpu.memory_space<vmem>>
      %dma_start3A_93 = tpu.memref_squeeze %dma_start3A_92 : memref<1x128xi32, #tpu.memory_space<vmem>> -> memref<128xi32, #tpu.memory_space<vmem>>
      %dma_start3A_94 = arith.constant 0 : i32
      %dma_start3A_95 = arith.constant 0 : i32
      %dma_start3A_96 = tpu.memref_slice %arg10[%dma_start3A_94, %dma_start3A_95] : memref<10240x128xf32, #tpu.memory_space<vmem_shared>> -> memref<10240x128xf32, #tpu.memory_space<vmem_shared>>
      tpu.enqueue_indirect_dma source(%arg8 : memref<128x128xf32, #tpu.memory_space<vmem>>) target(%dma_start3A_96 : memref<10240x128xf32, #tpu.memory_space<vmem_shared>>) offsets(%dma_start3A_93 : memref<128xi32, #tpu.memory_space<vmem>>) semaphore(%arg13 : memref<!tpu.dma_semaphore, #tpu.memory_space<semaphore_mem>>) {add = true}
      %add3A_97 = arith.constant 2 : i32
      %add3A_98 = arith.addi %add3A_78, %add3A_97 : i32
      %lt3A_99 = arith.constant 160 : i32
      %lt3A_100 = arith.cmpi slt, %add3A_98, %lt3A_99 : i32
      %convert_element_type3A_101 = arith.extui %lt3A_100 : i1 to i32
      %cond3A_102 = arith.constant 0 : i32
      %cond3A_103 = arith.cmpi ne, %convert_element_type3A_101, %cond3A_102 : i32
      scf.if %cond3A_103 {
        %add3A_201 = arith.constant 2 : i32
        %add3A_202 = arith.addi %add3A_78, %add3A_201 : i32
        %dma_start3A_203 = arith.constant 0 : i32
        %dma_start3A_204 = arith.constant 0 : i32
        %dma_start3A_205 = tpu.memref_slice %arg6[%dma_start3A_203, %dma_start3A_204] : memref<2x128xi32, #tpu.memory_space<vmem>> -> memref<1x128xi32, #tpu.memory_space<vmem>>
        %dma_start3A_206 = tpu.memref_squeeze %dma_start3A_205 : memref<1x128xi32, #tpu.memory_space<vmem>> -> memref<128xi32, #tpu.memory_space<vmem>>
        %dma_start3A_207 = arith.constant 0 : i32
        %dma_start3A_208 = tpu.memref_slice %arg2[%arg0, %arg1, %add3A_202, %dma_start3A_207] : memref<2x16x160x128xi32, #tpu.memory_space<hbm>> -> memref<1x1x1x128xi32, #tpu.memory_space<hbm>>
        %dma_start3A_209 = tpu.memref_squeeze %dma_start3A_208 : memref<1x1x1x128xi32, #tpu.memory_space<hbm>> -> memref<128xi32, #tpu.memory_space<hbm>>
        %dma_start3A_210 = arith.constant 0 : i32
        %dma_start3A_211 = tpu.memref_slice %arg6[%dma_start3A_203, %dma_start3A_210] : memref<2x128xi32, #tpu.memory_space<vmem>> -> memref<1x128xi32, #tpu.memory_space<vmem>>
        %dma_start3A_212 = tpu.memref_squeeze %dma_start3A_211 : memref<1x128xi32, #tpu.memory_space<vmem>> -> memref<128xi32, #tpu.memory_space<vmem>>
        %dma_start3A_213 = arith.constant 0 : i32
        %dma_start3A_214 = tpu.memref_slice %arg2[%arg0, %arg1, %add3A_202, %dma_start3A_213] : memref<2x16x160x128xi32, #tpu.memory_space<hbm>> -> memref<1x1x1x128xi32, #tpu.memory_space<hbm>>
        %dma_start3A_215 = tpu.memref_squeeze %dma_start3A_214 : memref<1x1x1x128xi32, #tpu.memory_space<hbm>> -> memref<128xi32, #tpu.memory_space<hbm>>
        tpu.enqueue_dma source(%dma_start3A_215 : memref<128xi32, #tpu.memory_space<hbm>>) target(%dma_start3A_212 : memref<128xi32, #tpu.memory_space<vmem>>) target_semaphore(%arg15 : memref<!tpu.dma_semaphore, #tpu.memory_space<semaphore_mem>>)
        %add3A_216 = arith.constant 2 : i32
        %add3A_217 = arith.addi %add3A_78, %add3A_216 : i32
        %dma_start3A_218 = arith.constant 2 : i32
        %dma_start3A_219 = arith.constant 0 : i32
        %dma_start3A_220 = tpu.memref_slice %arg7[%dma_start3A_218, %dma_start3A_219] : memref<4x128xi32, #tpu.memory_space<vmem>> -> memref<1x128xi32, #tpu.memory_space<vmem>>
        %dma_start3A_221 = tpu.memref_squeeze %dma_start3A_220 : memref<1x128xi32, #tpu.memory_space<vmem>> -> memref<128xi32, #tpu.memory_space<vmem>>
        %dma_start3A_222 = arith.constant 0 : i32
        %dma_start3A_223 = tpu.memref_slice %arg3[%arg1, %add3A_217, %dma_start3A_222] : memref<16x160x128xi32, #tpu.memory_space<hbm>> -> memref<1x1x128xi32, #tpu.memory_space<hbm>>
        %dma_start3A_224 = tpu.memref_squeeze %dma_start3A_223 : memref<1x1x128xi32, #tpu.memory_space<hbm>> -> memref<128xi32, #tpu.memory_space<hbm>>
        %dma_start3A_225 = arith.constant 0 : i32
        %dma_start3A_226 = tpu.memref_slice %arg7[%dma_start3A_218, %dma_start3A_225] : memref<4x128xi32, #tpu.memory_space<vmem>> -> memref<1x128xi32, #tpu.memory_space<vmem>>
        %dma_start3A_227 = tpu.memref_squeeze %dma_start3A_226 : memref<1x128xi32, #tpu.memory_space<vmem>> -> memref<128xi32, #tpu.memory_space<vmem>>
        %dma_start3A_228 = arith.constant 0 : i32
        %dma_start3A_229 = tpu.memref_slice %arg3[%arg1, %add3A_217, %dma_start3A_228] : memref<16x160x128xi32, #tpu.memory_space<hbm>> -> memref<1x1x128xi32, #tpu.memory_space<hbm>>
        %dma_start3A_230 = tpu.memref_squeeze %dma_start3A_229 : memref<1x1x128xi32, #tpu.memory_space<hbm>> -> memref<128xi32, #tpu.memory_space<hbm>>
        tpu.enqueue_dma source(%dma_start3A_230 : memref<128xi32, #tpu.memory_space<hbm>>) target(%dma_start3A_227 : memref<128xi32, #tpu.memory_space<vmem>>) target_semaphore(%arg19 : memref<!tpu.dma_semaphore, #tpu.memory_space<semaphore_mem>>)
      } else {
      }
      %mul3A_104 = arith.constant 4 : i32
      %mul3A_105 = arith.muli %mul3A_104, %scan3A_74 : i32
      %add3A_106 = arith.constant 1 : i32
      %add3A_107 = arith.addi %mul3A_105, %add3A_106 : i32
      %add3A_108 = arith.constant 1 : i32
      %add3A_109 = arith.addi %add3A_107, %add3A_108 : i32
      %lt3A_110 = arith.constant 160 : i32
      %lt3A_111 = arith.cmpi slt, %add3A_109, %lt3A_110 : i32
      %convert_element_type3A_112 = arith.extui %lt3A_111 : i1 to i32
      %cond3A_113 = arith.constant 0 : i32
      %cond3A_114 = arith.cmpi ne, %convert_element_type3A_112, %cond3A_113 : i32
      scf.if %cond3A_114 {
        %add3A_201 = arith.constant 1 : i32
        %add3A_202 = arith.addi %add3A_107, %add3A_201 : i32
        %dma_wait3A_203 = arith.constant 0 : i32
        %dma_wait3A_204 = arith.constant 0 : i32
        %dma_wait3A_205 = tpu.memref_slice %arg6[%dma_wait3A_203, %dma_wait3A_204] : memref<2x128xi32, #tpu.memory_space<vmem>> -> memref<1x128xi32, #tpu.memory_space<vmem>>
        %dma_wait3A_206 = tpu.memref_squeeze %dma_wait3A_205 : memref<1x128xi32, #tpu.memory_space<vmem>> -> memref<128xi32, #tpu.memory_space<vmem>>
        %dma_wait3A_207 = arith.constant 0 : i32
        %dma_wait3A_208 = tpu.memref_slice %arg2[%arg0, %arg1, %add3A_202, %dma_wait3A_207] : memref<2x16x160x128xi32, #tpu.memory_space<hbm>> -> memref<1x1x1x128xi32, #tpu.memory_space<hbm>>
        %dma_wait3A_209 = tpu.memref_squeeze %dma_wait3A_208 : memref<1x1x1x128xi32, #tpu.memory_space<hbm>> -> memref<128xi32, #tpu.memory_space<hbm>>
        %dma_wait3A_210 = arith.constant 0 : i32
        %dma_wait3A_211 = tpu.memref_slice %arg6[%dma_wait3A_203, %dma_wait3A_210] : memref<2x128xi32, #tpu.memory_space<vmem>> -> memref<1x128xi32, #tpu.memory_space<vmem>>
        %dma_wait3A_212 = tpu.memref_squeeze %dma_wait3A_211 : memref<1x128xi32, #tpu.memory_space<vmem>> -> memref<128xi32, #tpu.memory_space<vmem>>
        %dma_wait3A_213 = arith.constant 0 : i32
        %dma_wait3A_214 = tpu.memref_slice %arg2[%arg0, %arg1, %add3A_202, %dma_wait3A_213] : memref<2x16x160x128xi32, #tpu.memory_space<hbm>> -> memref<1x1x1x128xi32, #tpu.memory_space<hbm>>
        %dma_wait3A_215 = tpu.memref_squeeze %dma_wait3A_214 : memref<1x1x1x128xi32, #tpu.memory_space<hbm>> -> memref<128xi32, #tpu.memory_space<hbm>>
        tpu.wait_dma2 semaphore(%arg15 : memref<!tpu.dma_semaphore, #tpu.memory_space<semaphore_mem>>) src(%dma_wait3A_215 : memref<128xi32, #tpu.memory_space<hbm>>) dst(%dma_wait3A_212 : memref<128xi32, #tpu.memory_space<vmem>>)
        %add3A_216 = arith.constant 1 : i32
        %add3A_217 = arith.addi %add3A_107, %add3A_216 : i32
        %dma_wait3A_218 = arith.constant 2 : i32
        %dma_wait3A_219 = arith.constant 0 : i32
        %dma_wait3A_220 = tpu.memref_slice %arg7[%dma_wait3A_218, %dma_wait3A_219] : memref<4x128xi32, #tpu.memory_space<vmem>> -> memref<1x128xi32, #tpu.memory_space<vmem>>
        %dma_wait3A_221 = tpu.memref_squeeze %dma_wait3A_220 : memref<1x128xi32, #tpu.memory_space<vmem>> -> memref<128xi32, #tpu.memory_space<vmem>>
        %dma_wait3A_222 = arith.constant 0 : i32
        %dma_wait3A_223 = tpu.memref_slice %arg3[%arg1, %add3A_217, %dma_wait3A_222] : memref<16x160x128xi32, #tpu.memory_space<hbm>> -> memref<1x1x128xi32, #tpu.memory_space<hbm>>
        %dma_wait3A_224 = tpu.memref_squeeze %dma_wait3A_223 : memref<1x1x128xi32, #tpu.memory_space<hbm>> -> memref<128xi32, #tpu.memory_space<hbm>>
        %dma_wait3A_225 = arith.constant 0 : i32
        %dma_wait3A_226 = tpu.memref_slice %arg7[%dma_wait3A_218, %dma_wait3A_225] : memref<4x128xi32, #tpu.memory_space<vmem>> -> memref<1x128xi32, #tpu.memory_space<vmem>>
        %dma_wait3A_227 = tpu.memref_squeeze %dma_wait3A_226 : memref<1x128xi32, #tpu.memory_space<vmem>> -> memref<128xi32, #tpu.memory_space<vmem>>
        %dma_wait3A_228 = arith.constant 0 : i32
        %dma_wait3A_229 = tpu.memref_slice %arg3[%arg1, %add3A_217, %dma_wait3A_228] : memref<16x160x128xi32, #tpu.memory_space<hbm>> -> memref<1x1x128xi32, #tpu.memory_space<hbm>>
        %dma_wait3A_230 = tpu.memref_squeeze %dma_wait3A_229 : memref<1x1x128xi32, #tpu.memory_space<hbm>> -> memref<128xi32, #tpu.memory_space<hbm>>
        tpu.wait_dma2 semaphore(%arg19 : memref<!tpu.dma_semaphore, #tpu.memory_space<semaphore_mem>>) src(%dma_wait3A_230 : memref<128xi32, #tpu.memory_space<hbm>>) dst(%dma_wait3A_227 : memref<128xi32, #tpu.memory_space<vmem>>)
        %dma_wait3A_231 = arith.constant 0 : i32
        %dma_wait3A_232 = arith.constant 0 : i32
        %dma_wait3A_233 = tpu.memref_slice %arg7[%dma_wait3A_231, %dma_wait3A_232] : memref<4x128xi32, #tpu.memory_space<vmem>> -> memref<1x128xi32, #tpu.memory_space<vmem>>
        %dma_wait3A_234 = tpu.memref_squeeze %dma_wait3A_233 : memref<1x128xi32, #tpu.memory_space<vmem>> -> memref<128xi32, #tpu.memory_space<vmem>>
        %dma_wait3A_235 = arith.constant 0 : i32
        %dma_wait3A_236 = arith.constant 0 : i32
        %dma_wait3A_237 = tpu.memref_slice %arg10[%dma_wait3A_235, %dma_wait3A_236] : memref<10240x128xf32, #tpu.memory_space<vmem_shared>> -> memref<10240x128xf32, #tpu.memory_space<vmem_shared>>
        tpu.wait_indirect_dma semaphore(%arg13 : memref<!tpu.dma_semaphore, #tpu.memory_space<semaphore_mem>>) src(%arg8 : memref<128x128xf32, #tpu.memory_space<vmem>>) dst(%dma_wait3A_237 : memref<10240x128xf32, #tpu.memory_space<vmem_shared>>)
        %dma_start3A_238 = arith.constant 0 : i32
        %dma_start3A_239 = arith.constant 0 : i32
        %dma_start3A_240 = tpu.memref_slice %arg6[%dma_start3A_238, %dma_start3A_239] : memref<2x128xi32, #tpu.memory_space<vmem>> -> memref<1x128xi32, #tpu.memory_space<vmem>>
        %dma_start3A_241 = tpu.memref_squeeze %dma_start3A_240 : memref<1x128xi32, #tpu.memory_space<vmem>> -> memref<128xi32, #tpu.memory_space<vmem>>
        %dma_start3A_242 = arith.constant 0 : i32
        %dma_start3A_243 = arith.constant 0 : i32
        %dma_start3A_244 = tpu.memref_slice %arg4[%dma_start3A_242, %dma_start3A_243] : memref<20000x128xf32, #tpu.memory_space<hbm>> -> memref<20000x128xf32, #tpu.memory_space<hbm>>
        tpu.enqueue_indirect_dma source(%dma_start3A_244 : memref<20000x128xf32, #tpu.memory_space<hbm>>) target(%arg8 : memref<128x128xf32, #tpu.memory_space<vmem>>) offsets(%dma_start3A_241 : memref<128xi32, #tpu.memory_space<vmem>>) semaphore(%arg11 : memref<!tpu.dma_semaphore, #tpu.memory_space<semaphore_mem>>)
      } else {
      }
      %dma_wait3A_115 = arith.constant 1 : i32
      %dma_wait3A_116 = arith.constant 0 : i32
      %dma_wait3A_117 = tpu.memref_slice %arg6[%dma_wait3A_115, %dma_wait3A_116] : memref<2x128xi32, #tpu.memory_space<vmem>> -> memref<1x128xi32, #tpu.memory_space<vmem>>
      %dma_wait3A_118 = tpu.memref_squeeze %dma_wait3A_117 : memref<1x128xi32, #tpu.memory_space<vmem>> -> memref<128xi32, #tpu.memory_space<vmem>>
      %dma_wait3A_119 = arith.constant 0 : i32
      %dma_wait3A_120 = arith.constant 0 : i32
      %dma_wait3A_121 = tpu.memref_slice %arg4[%dma_wait3A_119, %dma_wait3A_120] : memref<20000x128xf32, #tpu.memory_space<hbm>> -> memref<20000x128xf32, #tpu.memory_space<hbm>>
      tpu.wait_indirect_dma semaphore(%arg12 : memref<!tpu.dma_semaphore, #tpu.memory_space<semaphore_mem>>) src(%dma_wait3A_121 : memref<20000x128xf32, #tpu.memory_space<hbm>>) dst(%arg9 : memref<128x128xf32, #tpu.memory_space<vmem>>)
      %dma_start3A_122 = arith.constant 1 : i32
      %dma_start3A_123 = arith.constant 0 : i32
      %dma_start3A_124 = tpu.memref_slice %arg7[%dma_start3A_122, %dma_start3A_123] : memref<4x128xi32, #tpu.memory_space<vmem>> -> memref<1x128xi32, #tpu.memory_space<vmem>>
      %dma_start3A_125 = tpu.memref_squeeze %dma_start3A_124 : memref<1x128xi32, #tpu.memory_space<vmem>> -> memref<128xi32, #tpu.memory_space<vmem>>
      %dma_start3A_126 = arith.constant 0 : i32
      %dma_start3A_127 = arith.constant 0 : i32
      %dma_start3A_128 = tpu.memref_slice %arg10[%dma_start3A_126, %dma_start3A_127] : memref<10240x128xf32, #tpu.memory_space<vmem_shared>> -> memref<10240x128xf32, #tpu.memory_space<vmem_shared>>
      tpu.enqueue_indirect_dma source(%arg9 : memref<128x128xf32, #tpu.memory_space<vmem>>) target(%dma_start3A_128 : memref<10240x128xf32, #tpu.memory_space<vmem_shared>>) offsets(%dma_start3A_125 : memref<128xi32, #tpu.memory_space<vmem>>) semaphore(%arg14 : memref<!tpu.dma_semaphore, #tpu.memory_space<semaphore_mem>>) {add = true}
      %add3A_129 = arith.constant 2 : i32
      %add3A_130 = arith.addi %add3A_107, %add3A_129 : i32
      %lt3A_131 = arith.constant 160 : i32
      %lt3A_132 = arith.cmpi slt, %add3A_130, %lt3A_131 : i32
      %convert_element_type3A_133 = arith.extui %lt3A_132 : i1 to i32
      %cond3A_134 = arith.constant 0 : i32
      %cond3A_135 = arith.cmpi ne, %convert_element_type3A_133, %cond3A_134 : i32
      scf.if %cond3A_135 {
        %add3A_201 = arith.constant 2 : i32
        %add3A_202 = arith.addi %add3A_107, %add3A_201 : i32
        %dma_start3A_203 = arith.constant 1 : i32
        %dma_start3A_204 = arith.constant 0 : i32
        %dma_start3A_205 = tpu.memref_slice %arg6[%dma_start3A_203, %dma_start3A_204] : memref<2x128xi32, #tpu.memory_space<vmem>> -> memref<1x128xi32, #tpu.memory_space<vmem>>
        %dma_start3A_206 = tpu.memref_squeeze %dma_start3A_205 : memref<1x128xi32, #tpu.memory_space<vmem>> -> memref<128xi32, #tpu.memory_space<vmem>>
        %dma_start3A_207 = arith.constant 0 : i32
        %dma_start3A_208 = tpu.memref_slice %arg2[%arg0, %arg1, %add3A_202, %dma_start3A_207] : memref<2x16x160x128xi32, #tpu.memory_space<hbm>> -> memref<1x1x1x128xi32, #tpu.memory_space<hbm>>
        %dma_start3A_209 = tpu.memref_squeeze %dma_start3A_208 : memref<1x1x1x128xi32, #tpu.memory_space<hbm>> -> memref<128xi32, #tpu.memory_space<hbm>>
        %dma_start3A_210 = arith.constant 0 : i32
        %dma_start3A_211 = tpu.memref_slice %arg6[%dma_start3A_203, %dma_start3A_210] : memref<2x128xi32, #tpu.memory_space<vmem>> -> memref<1x128xi32, #tpu.memory_space<vmem>>
        %dma_start3A_212 = tpu.memref_squeeze %dma_start3A_211 : memref<1x128xi32, #tpu.memory_space<vmem>> -> memref<128xi32, #tpu.memory_space<vmem>>
        %dma_start3A_213 = arith.constant 0 : i32
        %dma_start3A_214 = tpu.memref_slice %arg2[%arg0, %arg1, %add3A_202, %dma_start3A_213] : memref<2x16x160x128xi32, #tpu.memory_space<hbm>> -> memref<1x1x1x128xi32, #tpu.memory_space<hbm>>
        %dma_start3A_215 = tpu.memref_squeeze %dma_start3A_214 : memref<1x1x1x128xi32, #tpu.memory_space<hbm>> -> memref<128xi32, #tpu.memory_space<hbm>>
        tpu.enqueue_dma source(%dma_start3A_215 : memref<128xi32, #tpu.memory_space<hbm>>) target(%dma_start3A_212 : memref<128xi32, #tpu.memory_space<vmem>>) target_semaphore(%arg16 : memref<!tpu.dma_semaphore, #tpu.memory_space<semaphore_mem>>)
        %add3A_216 = arith.constant 2 : i32
        %add3A_217 = arith.addi %add3A_107, %add3A_216 : i32
        %dma_start3A_218 = arith.constant 3 : i32
        %dma_start3A_219 = arith.constant 0 : i32
        %dma_start3A_220 = tpu.memref_slice %arg7[%dma_start3A_218, %dma_start3A_219] : memref<4x128xi32, #tpu.memory_space<vmem>> -> memref<1x128xi32, #tpu.memory_space<vmem>>
        %dma_start3A_221 = tpu.memref_squeeze %dma_start3A_220 : memref<1x128xi32, #tpu.memory_space<vmem>> -> memref<128xi32, #tpu.memory_space<vmem>>
        %dma_start3A_222 = arith.constant 0 : i32
        %dma_start3A_223 = tpu.memref_slice %arg3[%arg1, %add3A_217, %dma_start3A_222] : memref<16x160x128xi32, #tpu.memory_space<hbm>> -> memref<1x1x128xi32, #tpu.memory_space<hbm>>
        %dma_start3A_224 = tpu.memref_squeeze %dma_start3A_223 : memref<1x1x128xi32, #tpu.memory_space<hbm>> -> memref<128xi32, #tpu.memory_space<hbm>>
        %dma_start3A_225 = arith.constant 0 : i32
        %dma_start3A_226 = tpu.memref_slice %arg7[%dma_start3A_218, %dma_start3A_225] : memref<4x128xi32, #tpu.memory_space<vmem>> -> memref<1x128xi32, #tpu.memory_space<vmem>>
        %dma_start3A_227 = tpu.memref_squeeze %dma_start3A_226 : memref<1x128xi32, #tpu.memory_space<vmem>> -> memref<128xi32, #tpu.memory_space<vmem>>
        %dma_start3A_228 = arith.constant 0 : i32
        %dma_start3A_229 = tpu.memref_slice %arg3[%arg1, %add3A_217, %dma_start3A_228] : memref<16x160x128xi32, #tpu.memory_space<hbm>> -> memref<1x1x128xi32, #tpu.memory_space<hbm>>
        %dma_start3A_230 = tpu.memref_squeeze %dma_start3A_229 : memref<1x1x128xi32, #tpu.memory_space<hbm>> -> memref<128xi32, #tpu.memory_space<hbm>>
        tpu.enqueue_dma source(%dma_start3A_230 : memref<128xi32, #tpu.memory_space<hbm>>) target(%dma_start3A_227 : memref<128xi32, #tpu.memory_space<vmem>>) target_semaphore(%arg20 : memref<!tpu.dma_semaphore, #tpu.memory_space<semaphore_mem>>)
      } else {
      }
      %mul3A_136 = arith.constant 4 : i32
      %mul3A_137 = arith.muli %mul3A_136, %scan3A_74 : i32
      %add3A_138 = arith.constant 2 : i32
      %add3A_139 = arith.addi %mul3A_137, %add3A_138 : i32
      %add3A_140 = arith.constant 1 : i32
      %add3A_141 = arith.addi %add3A_139, %add3A_140 : i32
      %lt3A_142 = arith.constant 160 : i32
      %lt3A_143 = arith.cmpi slt, %add3A_141, %lt3A_142 : i32
      %convert_element_type3A_144 = arith.extui %lt3A_143 : i1 to i32
      %cond3A_145 = arith.constant 0 : i32
      %cond3A_146 = arith.cmpi ne, %convert_element_type3A_144, %cond3A_145 : i32
      scf.if %cond3A_146 {
        %add3A_201 = arith.constant 1 : i32
        %add3A_202 = arith.addi %add3A_139, %add3A_201 : i32
        %dma_wait3A_203 = arith.constant 1 : i32
        %dma_wait3A_204 = arith.constant 0 : i32
        %dma_wait3A_205 = tpu.memref_slice %arg6[%dma_wait3A_203, %dma_wait3A_204] : memref<2x128xi32, #tpu.memory_space<vmem>> -> memref<1x128xi32, #tpu.memory_space<vmem>>
        %dma_wait3A_206 = tpu.memref_squeeze %dma_wait3A_205 : memref<1x128xi32, #tpu.memory_space<vmem>> -> memref<128xi32, #tpu.memory_space<vmem>>
        %dma_wait3A_207 = arith.constant 0 : i32
        %dma_wait3A_208 = tpu.memref_slice %arg2[%arg0, %arg1, %add3A_202, %dma_wait3A_207] : memref<2x16x160x128xi32, #tpu.memory_space<hbm>> -> memref<1x1x1x128xi32, #tpu.memory_space<hbm>>
        %dma_wait3A_209 = tpu.memref_squeeze %dma_wait3A_208 : memref<1x1x1x128xi32, #tpu.memory_space<hbm>> -> memref<128xi32, #tpu.memory_space<hbm>>
        %dma_wait3A_210 = arith.constant 0 : i32
        %dma_wait3A_211 = tpu.memref_slice %arg6[%dma_wait3A_203, %dma_wait3A_210] : memref<2x128xi32, #tpu.memory_space<vmem>> -> memref<1x128xi32, #tpu.memory_space<vmem>>
        %dma_wait3A_212 = tpu.memref_squeeze %dma_wait3A_211 : memref<1x128xi32, #tpu.memory_space<vmem>> -> memref<128xi32, #tpu.memory_space<vmem>>
        %dma_wait3A_213 = arith.constant 0 : i32
        %dma_wait3A_214 = tpu.memref_slice %arg2[%arg0, %arg1, %add3A_202, %dma_wait3A_213] : memref<2x16x160x128xi32, #tpu.memory_space<hbm>> -> memref<1x1x1x128xi32, #tpu.memory_space<hbm>>
        %dma_wait3A_215 = tpu.memref_squeeze %dma_wait3A_214 : memref<1x1x1x128xi32, #tpu.memory_space<hbm>> -> memref<128xi32, #tpu.memory_space<hbm>>
        tpu.wait_dma2 semaphore(%arg16 : memref<!tpu.dma_semaphore, #tpu.memory_space<semaphore_mem>>) src(%dma_wait3A_215 : memref<128xi32, #tpu.memory_space<hbm>>) dst(%dma_wait3A_212 : memref<128xi32, #tpu.memory_space<vmem>>)
        %add3A_216 = arith.constant 1 : i32
        %add3A_217 = arith.addi %add3A_139, %add3A_216 : i32
        %dma_wait3A_218 = arith.constant 3 : i32
        %dma_wait3A_219 = arith.constant 0 : i32
        %dma_wait3A_220 = tpu.memref_slice %arg7[%dma_wait3A_218, %dma_wait3A_219] : memref<4x128xi32, #tpu.memory_space<vmem>> -> memref<1x128xi32, #tpu.memory_space<vmem>>
        %dma_wait3A_221 = tpu.memref_squeeze %dma_wait3A_220 : memref<1x128xi32, #tpu.memory_space<vmem>> -> memref<128xi32, #tpu.memory_space<vmem>>
        %dma_wait3A_222 = arith.constant 0 : i32
        %dma_wait3A_223 = tpu.memref_slice %arg3[%arg1, %add3A_217, %dma_wait3A_222] : memref<16x160x128xi32, #tpu.memory_space<hbm>> -> memref<1x1x128xi32, #tpu.memory_space<hbm>>
        %dma_wait3A_224 = tpu.memref_squeeze %dma_wait3A_223 : memref<1x1x128xi32, #tpu.memory_space<hbm>> -> memref<128xi32, #tpu.memory_space<hbm>>
        %dma_wait3A_225 = arith.constant 0 : i32
        %dma_wait3A_226 = tpu.memref_slice %arg7[%dma_wait3A_218, %dma_wait3A_225] : memref<4x128xi32, #tpu.memory_space<vmem>> -> memref<1x128xi32, #tpu.memory_space<vmem>>
        %dma_wait3A_227 = tpu.memref_squeeze %dma_wait3A_226 : memref<1x128xi32, #tpu.memory_space<vmem>> -> memref<128xi32, #tpu.memory_space<vmem>>
        %dma_wait3A_228 = arith.constant 0 : i32
        %dma_wait3A_229 = tpu.memref_slice %arg3[%arg1, %add3A_217, %dma_wait3A_228] : memref<16x160x128xi32, #tpu.memory_space<hbm>> -> memref<1x1x128xi32, #tpu.memory_space<hbm>>
        %dma_wait3A_230 = tpu.memref_squeeze %dma_wait3A_229 : memref<1x1x128xi32, #tpu.memory_space<hbm>> -> memref<128xi32, #tpu.memory_space<hbm>>
        tpu.wait_dma2 semaphore(%arg20 : memref<!tpu.dma_semaphore, #tpu.memory_space<semaphore_mem>>) src(%dma_wait3A_230 : memref<128xi32, #tpu.memory_space<hbm>>) dst(%dma_wait3A_227 : memref<128xi32, #tpu.memory_space<vmem>>)
        %dma_wait3A_231 = arith.constant 1 : i32
        %dma_wait3A_232 = arith.constant 0 : i32
        %dma_wait3A_233 = tpu.memref_slice %arg7[%dma_wait3A_231, %dma_wait3A_232] : memref<4x128xi32, #tpu.memory_space<vmem>> -> memref<1x128xi32, #tpu.memory_space<vmem>>
        %dma_wait3A_234 = tpu.memref_squeeze %dma_wait3A_233 : memref<1x128xi32, #tpu.memory_space<vmem>> -> memref<128xi32, #tpu.memory_space<vmem>>
        %dma_wait3A_235 = arith.constant 0 : i32
        %dma_wait3A_236 = arith.constant 0 : i32
        %dma_wait3A_237 = tpu.memref_slice %arg10[%dma_wait3A_235, %dma_wait3A_236] : memref<10240x128xf32, #tpu.memory_space<vmem_shared>> -> memref<10240x128xf32, #tpu.memory_space<vmem_shared>>
        tpu.wait_indirect_dma semaphore(%arg14 : memref<!tpu.dma_semaphore, #tpu.memory_space<semaphore_mem>>) src(%arg9 : memref<128x128xf32, #tpu.memory_space<vmem>>) dst(%dma_wait3A_237 : memref<10240x128xf32, #tpu.memory_space<vmem_shared>>)
        %dma_start3A_238 = arith.constant 1 : i32
        %dma_start3A_239 = arith.constant 0 : i32
        %dma_start3A_240 = tpu.memref_slice %arg6[%dma_start3A_238, %dma_start3A_239] : memref<2x128xi32, #tpu.memory_space<vmem>> -> memref<1x128xi32, #tpu.memory_space<vmem>>
        %dma_start3A_241 = tpu.memref_squeeze %dma_start3A_240 : memref<1x128xi32, #tpu.memory_space<vmem>> -> memref<128xi32, #tpu.memory_space<vmem>>
        %dma_start3A_242 = arith.constant 0 : i32
        %dma_start3A_243 = arith.constant 0 : i32
        %dma_start3A_244 = tpu.memref_slice %arg4[%dma_start3A_242, %dma_start3A_243] : memref<20000x128xf32, #tpu.memory_space<hbm>> -> memref<20000x128xf32, #tpu.memory_space<hbm>>
        tpu.enqueue_indirect_dma source(%dma_start3A_244 : memref<20000x128xf32, #tpu.memory_space<hbm>>) target(%arg9 : memref<128x128xf32, #tpu.memory_space<vmem>>) offsets(%dma_start3A_241 : memref<128xi32, #tpu.memory_space<vmem>>) semaphore(%arg12 : memref<!tpu.dma_semaphore, #tpu.memory_space<semaphore_mem>>)
      } else {
      }
      %dma_wait3A_147 = arith.constant 0 : i32
      %dma_wait3A_148 = arith.constant 0 : i32
      %dma_wait3A_149 = tpu.memref_slice %arg6[%dma_wait3A_147, %dma_wait3A_148] : memref<2x128xi32, #tpu.memory_space<vmem>> -> memref<1x128xi32, #tpu.memory_space<vmem>>
      %dma_wait3A_150 = tpu.memref_squeeze %dma_wait3A_149 : memref<1x128xi32, #tpu.memory_space<vmem>> -> memref<128xi32, #tpu.memory_space<vmem>>
      %dma_wait3A_151 = arith.constant 0 : i32
      %dma_wait3A_152 = arith.constant 0 : i32
      %dma_wait3A_153 = tpu.memref_slice %arg4[%dma_wait3A_151, %dma_wait3A_152] : memref<20000x128xf32, #tpu.memory_space<hbm>> -> memref<20000x128xf32, #tpu.memory_space<hbm>>
      tpu.wait_indirect_dma semaphore(%arg11 : memref<!tpu.dma_semaphore, #tpu.memory_space<semaphore_mem>>) src(%dma_wait3A_153 : memref<20000x128xf32, #tpu.memory_space<hbm>>) dst(%arg8 : memref<128x128xf32, #tpu.memory_space<vmem>>)
      %dma_start3A_154 = arith.constant 2 : i32
      %dma_start3A_155 = arith.constant 0 : i32
      %dma_start3A_156 = tpu.memref_slice %arg7[%dma_start3A_154, %dma_start3A_155] : memref<4x128xi32, #tpu.memory_space<vmem>> -> memref<1x128xi32, #tpu.memory_space<vmem>>
      %dma_start3A_157 = tpu.memref_squeeze %dma_start3A_156 : memref<1x128xi32, #tpu.memory_space<vmem>> -> memref<128xi32, #tpu.memory_space<vmem>>
      %dma_start3A_158 = arith.constant 0 : i32
      %dma_start3A_159 = arith.constant 0 : i32
      %dma_start3A_160 = tpu.memref_slice %arg10[%dma_start3A_158, %dma_start3A_159] : memref<10240x128xf32, #tpu.memory_space<vmem_shared>> -> memref<10240x128xf32, #tpu.memory_space<vmem_shared>>
      tpu.enqueue_indirect_dma source(%arg8 : memref<128x128xf32, #tpu.memory_space<vmem>>) target(%dma_start3A_160 : memref<10240x128xf32, #tpu.memory_space<vmem_shared>>) offsets(%dma_start3A_157 : memref<128xi32, #tpu.memory_space<vmem>>) semaphore(%arg13 : memref<!tpu.dma_semaphore, #tpu.memory_space<semaphore_mem>>) {add = true}
      %add3A_161 = arith.constant 2 : i32
      %add3A_162 = arith.addi %add3A_139, %add3A_161 : i32
      %lt3A_163 = arith.constant 160 : i32
      %lt3A_164 = arith.cmpi slt, %add3A_162, %lt3A_163 : i32
      %convert_element_type3A_165 = arith.extui %lt3A_164 : i1 to i32
      %cond3A_166 = arith.constant 0 : i32
      %cond3A_167 = arith.cmpi ne, %convert_element_type3A_165, %cond3A_166 : i32
      scf.if %cond3A_167 {
        %add3A_201 = arith.constant 2 : i32
        %add3A_202 = arith.addi %add3A_139, %add3A_201 : i32
        %dma_start3A_203 = arith.constant 0 : i32
        %dma_start3A_204 = arith.constant 0 : i32
        %dma_start3A_205 = tpu.memref_slice %arg6[%dma_start3A_203, %dma_start3A_204] : memref<2x128xi32, #tpu.memory_space<vmem>> -> memref<1x128xi32, #tpu.memory_space<vmem>>
        %dma_start3A_206 = tpu.memref_squeeze %dma_start3A_205 : memref<1x128xi32, #tpu.memory_space<vmem>> -> memref<128xi32, #tpu.memory_space<vmem>>
        %dma_start3A_207 = arith.constant 0 : i32
        %dma_start3A_208 = tpu.memref_slice %arg2[%arg0, %arg1, %add3A_202, %dma_start3A_207] : memref<2x16x160x128xi32, #tpu.memory_space<hbm>> -> memref<1x1x1x128xi32, #tpu.memory_space<hbm>>
        %dma_start3A_209 = tpu.memref_squeeze %dma_start3A_208 : memref<1x1x1x128xi32, #tpu.memory_space<hbm>> -> memref<128xi32, #tpu.memory_space<hbm>>
        %dma_start3A_210 = arith.constant 0 : i32
        %dma_start3A_211 = tpu.memref_slice %arg6[%dma_start3A_203, %dma_start3A_210] : memref<2x128xi32, #tpu.memory_space<vmem>> -> memref<1x128xi32, #tpu.memory_space<vmem>>
        %dma_start3A_212 = tpu.memref_squeeze %dma_start3A_211 : memref<1x128xi32, #tpu.memory_space<vmem>> -> memref<128xi32, #tpu.memory_space<vmem>>
        %dma_start3A_213 = arith.constant 0 : i32
        %dma_start3A_214 = tpu.memref_slice %arg2[%arg0, %arg1, %add3A_202, %dma_start3A_213] : memref<2x16x160x128xi32, #tpu.memory_space<hbm>> -> memref<1x1x1x128xi32, #tpu.memory_space<hbm>>
        %dma_start3A_215 = tpu.memref_squeeze %dma_start3A_214 : memref<1x1x1x128xi32, #tpu.memory_space<hbm>> -> memref<128xi32, #tpu.memory_space<hbm>>
        tpu.enqueue_dma source(%dma_start3A_215 : memref<128xi32, #tpu.memory_space<hbm>>) target(%dma_start3A_212 : memref<128xi32, #tpu.memory_space<vmem>>) target_semaphore(%arg15 : memref<!tpu.dma_semaphore, #tpu.memory_space<semaphore_mem>>)
        %add3A_216 = arith.constant 2 : i32
        %add3A_217 = arith.addi %add3A_139, %add3A_216 : i32
        %dma_start3A_218 = arith.constant 0 : i32
        %dma_start3A_219 = arith.constant 0 : i32
        %dma_start3A_220 = tpu.memref_slice %arg7[%dma_start3A_218, %dma_start3A_219] : memref<4x128xi32, #tpu.memory_space<vmem>> -> memref<1x128xi32, #tpu.memory_space<vmem>>
        %dma_start3A_221 = tpu.memref_squeeze %dma_start3A_220 : memref<1x128xi32, #tpu.memory_space<vmem>> -> memref<128xi32, #tpu.memory_space<vmem>>
        %dma_start3A_222 = arith.constant 0 : i32
        %dma_start3A_223 = tpu.memref_slice %arg3[%arg1, %add3A_217, %dma_start3A_222] : memref<16x160x128xi32, #tpu.memory_space<hbm>> -> memref<1x1x128xi32, #tpu.memory_space<hbm>>
        %dma_start3A_224 = tpu.memref_squeeze %dma_start3A_223 : memref<1x1x128xi32, #tpu.memory_space<hbm>> -> memref<128xi32, #tpu.memory_space<hbm>>
        %dma_start3A_225 = arith.constant 0 : i32
        %dma_start3A_226 = tpu.memref_slice %arg7[%dma_start3A_218, %dma_start3A_225] : memref<4x128xi32, #tpu.memory_space<vmem>> -> memref<1x128xi32, #tpu.memory_space<vmem>>
        %dma_start3A_227 = tpu.memref_squeeze %dma_start3A_226 : memref<1x128xi32, #tpu.memory_space<vmem>> -> memref<128xi32, #tpu.memory_space<vmem>>
        %dma_start3A_228 = arith.constant 0 : i32
        %dma_start3A_229 = tpu.memref_slice %arg3[%arg1, %add3A_217, %dma_start3A_228] : memref<16x160x128xi32, #tpu.memory_space<hbm>> -> memref<1x1x128xi32, #tpu.memory_space<hbm>>
        %dma_start3A_230 = tpu.memref_squeeze %dma_start3A_229 : memref<1x1x128xi32, #tpu.memory_space<hbm>> -> memref<128xi32, #tpu.memory_space<hbm>>
        tpu.enqueue_dma source(%dma_start3A_230 : memref<128xi32, #tpu.memory_space<hbm>>) target(%dma_start3A_227 : memref<128xi32, #tpu.memory_space<vmem>>) target_semaphore(%arg17 : memref<!tpu.dma_semaphore, #tpu.memory_space<semaphore_mem>>)
      } else {
      }
      %mul3A_168 = arith.constant 4 : i32
      %mul3A_169 = arith.muli %mul3A_168, %scan3A_74 : i32
      %add3A_170 = arith.constant 3 : i32
      %add3A_171 = arith.addi %mul3A_169, %add3A_170 : i32
      %add3A_172 = arith.constant 1 : i32
      %add3A_173 = arith.addi %add3A_171, %add3A_172 : i32
      %lt3A_174 = arith.constant 160 : i32
      %lt3A_175 = arith.cmpi slt, %add3A_173, %lt3A_174 : i32
      %convert_element_type3A_176 = arith.extui %lt3A_175 : i1 to i32
      %cond3A_177 = arith.constant 0 : i32
      %cond3A_178 = arith.cmpi ne, %convert_element_type3A_176, %cond3A_177 : i32
      scf.if %cond3A_178 {
        %add3A_201 = arith.constant 1 : i32
        %add3A_202 = arith.addi %add3A_171, %add3A_201 : i32
        %dma_wait3A_203 = arith.constant 0 : i32
        %dma_wait3A_204 = arith.constant 0 : i32
        %dma_wait3A_205 = tpu.memref_slice %arg6[%dma_wait3A_203, %dma_wait3A_204] : memref<2x128xi32, #tpu.memory_space<vmem>> -> memref<1x128xi32, #tpu.memory_space<vmem>>
        %dma_wait3A_206 = tpu.memref_squeeze %dma_wait3A_205 : memref<1x128xi32, #tpu.memory_space<vmem>> -> memref<128xi32, #tpu.memory_space<vmem>>
        %dma_wait3A_207 = arith.constant 0 : i32
        %dma_wait3A_208 = tpu.memref_slice %arg2[%arg0, %arg1, %add3A_202, %dma_wait3A_207] : memref<2x16x160x128xi32, #tpu.memory_space<hbm>> -> memref<1x1x1x128xi32, #tpu.memory_space<hbm>>
        %dma_wait3A_209 = tpu.memref_squeeze %dma_wait3A_208 : memref<1x1x1x128xi32, #tpu.memory_space<hbm>> -> memref<128xi32, #tpu.memory_space<hbm>>
        %dma_wait3A_210 = arith.constant 0 : i32
        %dma_wait3A_211 = tpu.memref_slice %arg6[%dma_wait3A_203, %dma_wait3A_210] : memref<2x128xi32, #tpu.memory_space<vmem>> -> memref<1x128xi32, #tpu.memory_space<vmem>>
        %dma_wait3A_212 = tpu.memref_squeeze %dma_wait3A_211 : memref<1x128xi32, #tpu.memory_space<vmem>> -> memref<128xi32, #tpu.memory_space<vmem>>
        %dma_wait3A_213 = arith.constant 0 : i32
        %dma_wait3A_214 = tpu.memref_slice %arg2[%arg0, %arg1, %add3A_202, %dma_wait3A_213] : memref<2x16x160x128xi32, #tpu.memory_space<hbm>> -> memref<1x1x1x128xi32, #tpu.memory_space<hbm>>
        %dma_wait3A_215 = tpu.memref_squeeze %dma_wait3A_214 : memref<1x1x1x128xi32, #tpu.memory_space<hbm>> -> memref<128xi32, #tpu.memory_space<hbm>>
        tpu.wait_dma2 semaphore(%arg15 : memref<!tpu.dma_semaphore, #tpu.memory_space<semaphore_mem>>) src(%dma_wait3A_215 : memref<128xi32, #tpu.memory_space<hbm>>) dst(%dma_wait3A_212 : memref<128xi32, #tpu.memory_space<vmem>>)
        %add3A_216 = arith.constant 1 : i32
        %add3A_217 = arith.addi %add3A_171, %add3A_216 : i32
        %dma_wait3A_218 = arith.constant 0 : i32
        %dma_wait3A_219 = arith.constant 0 : i32
        %dma_wait3A_220 = tpu.memref_slice %arg7[%dma_wait3A_218, %dma_wait3A_219] : memref<4x128xi32, #tpu.memory_space<vmem>> -> memref<1x128xi32, #tpu.memory_space<vmem>>
        %dma_wait3A_221 = tpu.memref_squeeze %dma_wait3A_220 : memref<1x128xi32, #tpu.memory_space<vmem>> -> memref<128xi32, #tpu.memory_space<vmem>>
        %dma_wait3A_222 = arith.constant 0 : i32
        %dma_wait3A_223 = tpu.memref_slice %arg3[%arg1, %add3A_217, %dma_wait3A_222] : memref<16x160x128xi32, #tpu.memory_space<hbm>> -> memref<1x1x128xi32, #tpu.memory_space<hbm>>
        %dma_wait3A_224 = tpu.memref_squeeze %dma_wait3A_223 : memref<1x1x128xi32, #tpu.memory_space<hbm>> -> memref<128xi32, #tpu.memory_space<hbm>>
        %dma_wait3A_225 = arith.constant 0 : i32
        %dma_wait3A_226 = tpu.memref_slice %arg7[%dma_wait3A_218, %dma_wait3A_225] : memref<4x128xi32, #tpu.memory_space<vmem>> -> memref<1x128xi32, #tpu.memory_space<vmem>>
        %dma_wait3A_227 = tpu.memref_squeeze %dma_wait3A_226 : memref<1x128xi32, #tpu.memory_space<vmem>> -> memref<128xi32, #tpu.memory_space<vmem>>
        %dma_wait3A_228 = arith.constant 0 : i32
        %dma_wait3A_229 = tpu.memref_slice %arg3[%arg1, %add3A_217, %dma_wait3A_228] : memref<16x160x128xi32, #tpu.memory_space<hbm>> -> memref<1x1x128xi32, #tpu.memory_space<hbm>>
        %dma_wait3A_230 = tpu.memref_squeeze %dma_wait3A_229 : memref<1x1x128xi32, #tpu.memory_space<hbm>> -> memref<128xi32, #tpu.memory_space<hbm>>
        tpu.wait_dma2 semaphore(%arg17 : memref<!tpu.dma_semaphore, #tpu.memory_space<semaphore_mem>>) src(%dma_wait3A_230 : memref<128xi32, #tpu.memory_space<hbm>>) dst(%dma_wait3A_227 : memref<128xi32, #tpu.memory_space<vmem>>)
        %dma_wait3A_231 = arith.constant 2 : i32
        %dma_wait3A_232 = arith.constant 0 : i32
        %dma_wait3A_233 = tpu.memref_slice %arg7[%dma_wait3A_231, %dma_wait3A_232] : memref<4x128xi32, #tpu.memory_space<vmem>> -> memref<1x128xi32, #tpu.memory_space<vmem>>
        %dma_wait3A_234 = tpu.memref_squeeze %dma_wait3A_233 : memref<1x128xi32, #tpu.memory_space<vmem>> -> memref<128xi32, #tpu.memory_space<vmem>>
        %dma_wait3A_235 = arith.constant 0 : i32
        %dma_wait3A_236 = arith.constant 0 : i32
        %dma_wait3A_237 = tpu.memref_slice %arg10[%dma_wait3A_235, %dma_wait3A_236] : memref<10240x128xf32, #tpu.memory_space<vmem_shared>> -> memref<10240x128xf32, #tpu.memory_space<vmem_shared>>
        tpu.wait_indirect_dma semaphore(%arg13 : memref<!tpu.dma_semaphore, #tpu.memory_space<semaphore_mem>>) src(%arg8 : memref<128x128xf32, #tpu.memory_space<vmem>>) dst(%dma_wait3A_237 : memref<10240x128xf32, #tpu.memory_space<vmem_shared>>)
        %dma_start3A_238 = arith.constant 0 : i32
        %dma_start3A_239 = arith.constant 0 : i32
        %dma_start3A_240 = tpu.memref_slice %arg6[%dma_start3A_238, %dma_start3A_239] : memref<2x128xi32, #tpu.memory_space<vmem>> -> memref<1x128xi32, #tpu.memory_space<vmem>>
        %dma_start3A_241 = tpu.memref_squeeze %dma_start3A_240 : memref<1x128xi32, #tpu.memory_space<vmem>> -> memref<128xi32, #tpu.memory_space<vmem>>
        %dma_start3A_242 = arith.constant 0 : i32
        %dma_start3A_243 = arith.constant 0 : i32
        %dma_start3A_244 = tpu.memref_slice %arg4[%dma_start3A_242, %dma_start3A_243] : memref<20000x128xf32, #tpu.memory_space<hbm>> -> memref<20000x128xf32, #tpu.memory_space<hbm>>
        tpu.enqueue_indirect_dma source(%dma_start3A_244 : memref<20000x128xf32, #tpu.memory_space<hbm>>) target(%arg8 : memref<128x128xf32, #tpu.memory_space<vmem>>) offsets(%dma_start3A_241 : memref<128xi32, #tpu.memory_space<vmem>>) semaphore(%arg11 : memref<!tpu.dma_semaphore, #tpu.memory_space<semaphore_mem>>)
      } else {
      }
      %dma_wait3A_179 = arith.constant 1 : i32
      %dma_wait3A_180 = arith.constant 0 : i32
      %dma_wait3A_181 = tpu.memref_slice %arg6[%dma_wait3A_179, %dma_wait3A_180] : memref<2x128xi32, #tpu.memory_space<vmem>> -> memref<1x128xi32, #tpu.memory_space<vmem>>
      %dma_wait3A_182 = tpu.memref_squeeze %dma_wait3A_181 : memref<1x128xi32, #tpu.memory_space<vmem>> -> memref<128xi32, #tpu.memory_space<vmem>>
      %dma_wait3A_183 = arith.constant 0 : i32
      %dma_wait3A_184 = arith.constant 0 : i32
      %dma_wait3A_185 = tpu.memref_slice %arg4[%dma_wait3A_183, %dma_wait3A_184] : memref<20000x128xf32, #tpu.memory_space<hbm>> -> memref<20000x128xf32, #tpu.memory_space<hbm>>
      tpu.wait_indirect_dma semaphore(%arg12 : memref<!tpu.dma_semaphore, #tpu.memory_space<semaphore_mem>>) src(%dma_wait3A_185 : memref<20000x128xf32, #tpu.memory_space<hbm>>) dst(%arg9 : memref<128x128xf32, #tpu.memory_space<vmem>>)
      %dma_start3A_186 = arith.constant 3 : i32
      %dma_start3A_187 = arith.constant 0 : i32
      %dma_start3A_188 = tpu.memref_slice %arg7[%dma_start3A_186, %dma_start3A_187] : memref<4x128xi32, #tpu.memory_space<vmem>> -> memref<1x128xi32, #tpu.memory_space<vmem>>
      %dma_start3A_189 = tpu.memref_squeeze %dma_start3A_188 : memref<1x128xi32, #tpu.memory_space<vmem>> -> memref<128xi32, #tpu.memory_space<vmem>>
      %dma_start3A_190 = arith.constant 0 : i32
      %dma_start3A_191 = arith.constant 0 : i32
      %dma_start3A_192 = tpu.memref_slice %arg10[%dma_start3A_190, %dma_start3A_191] : memref<10240x128xf32, #tpu.memory_space<vmem_shared>> -> memref<10240x128xf32, #tpu.memory_space<vmem_shared>>
      tpu.enqueue_indirect_dma source(%arg9 : memref<128x128xf32, #tpu.memory_space<vmem>>) target(%dma_start3A_192 : memref<10240x128xf32, #tpu.memory_space<vmem_shared>>) offsets(%dma_start3A_189 : memref<128xi32, #tpu.memory_space<vmem>>) semaphore(%arg14 : memref<!tpu.dma_semaphore, #tpu.memory_space<semaphore_mem>>) {add = true}
      %add3A_193 = arith.constant 2 : i32
      %add3A_194 = arith.addi %add3A_171, %add3A_193 : i32
      %lt3A_195 = arith.constant 160 : i32
      %lt3A_196 = arith.cmpi slt, %add3A_194, %lt3A_195 : i32
      %convert_element_type3A_197 = arith.extui %lt3A_196 : i1 to i32
      %cond3A_198 = arith.constant 0 : i32
      %cond3A_199 = arith.cmpi ne, %convert_element_type3A_197, %cond3A_198 : i32
      scf.if %cond3A_199 {
        %add3A_201 = arith.constant 2 : i32
        %add3A_202 = arith.addi %add3A_171, %add3A_201 : i32
        %dma_start3A_203 = arith.constant 1 : i32
        %dma_start3A_204 = arith.constant 0 : i32
        %dma_start3A_205 = tpu.memref_slice %arg6[%dma_start3A_203, %dma_start3A_204] : memref<2x128xi32, #tpu.memory_space<vmem>> -> memref<1x128xi32, #tpu.memory_space<vmem>>
        %dma_start3A_206 = tpu.memref_squeeze %dma_start3A_205 : memref<1x128xi32, #tpu.memory_space<vmem>> -> memref<128xi32, #tpu.memory_space<vmem>>
        %dma_start3A_207 = arith.constant 0 : i32
        %dma_start3A_208 = tpu.memref_slice %arg2[%arg0, %arg1, %add3A_202, %dma_start3A_207] : memref<2x16x160x128xi32, #tpu.memory_space<hbm>> -> memref<1x1x1x128xi32, #tpu.memory_space<hbm>>
        %dma_start3A_209 = tpu.memref_squeeze %dma_start3A_208 : memref<1x1x1x128xi32, #tpu.memory_space<hbm>> -> memref<128xi32, #tpu.memory_space<hbm>>
        %dma_start3A_210 = arith.constant 0 : i32
        %dma_start3A_211 = tpu.memref_slice %arg6[%dma_start3A_203, %dma_start3A_210] : memref<2x128xi32, #tpu.memory_space<vmem>> -> memref<1x128xi32, #tpu.memory_space<vmem>>
        %dma_start3A_212 = tpu.memref_squeeze %dma_start3A_211 : memref<1x128xi32, #tpu.memory_space<vmem>> -> memref<128xi32, #tpu.memory_space<vmem>>
        %dma_start3A_213 = arith.constant 0 : i32
        %dma_start3A_214 = tpu.memref_slice %arg2[%arg0, %arg1, %add3A_202, %dma_start3A_213] : memref<2x16x160x128xi32, #tpu.memory_space<hbm>> -> memref<1x1x1x128xi32, #tpu.memory_space<hbm>>
        %dma_start3A_215 = tpu.memref_squeeze %dma_start3A_214 : memref<1x1x1x128xi32, #tpu.memory_space<hbm>> -> memref<128xi32, #tpu.memory_space<hbm>>
        tpu.enqueue_dma source(%dma_start3A_215 : memref<128xi32, #tpu.memory_space<hbm>>) target(%dma_start3A_212 : memref<128xi32, #tpu.memory_space<vmem>>) target_semaphore(%arg16 : memref<!tpu.dma_semaphore, #tpu.memory_space<semaphore_mem>>)
        %add3A_216 = arith.constant 2 : i32
        %add3A_217 = arith.addi %add3A_171, %add3A_216 : i32
        %dma_start3A_218 = arith.constant 1 : i32
        %dma_start3A_219 = arith.constant 0 : i32
        %dma_start3A_220 = tpu.memref_slice %arg7[%dma_start3A_218, %dma_start3A_219] : memref<4x128xi32, #tpu.memory_space<vmem>> -> memref<1x128xi32, #tpu.memory_space<vmem>>
        %dma_start3A_221 = tpu.memref_squeeze %dma_start3A_220 : memref<1x128xi32, #tpu.memory_space<vmem>> -> memref<128xi32, #tpu.memory_space<vmem>>
        %dma_start3A_222 = arith.constant 0 : i32
        %dma_start3A_223 = tpu.memref_slice %arg3[%arg1, %add3A_217, %dma_start3A_222] : memref<16x160x128xi32, #tpu.memory_space<hbm>> -> memref<1x1x128xi32, #tpu.memory_space<hbm>>
        %dma_start3A_224 = tpu.memref_squeeze %dma_start3A_223 : memref<1x1x128xi32, #tpu.memory_space<hbm>> -> memref<128xi32, #tpu.memory_space<hbm>>
        %dma_start3A_225 = arith.constant 0 : i32
        %dma_start3A_226 = tpu.memref_slice %arg7[%dma_start3A_218, %dma_start3A_225] : memref<4x128xi32, #tpu.memory_space<vmem>> -> memref<1x128xi32, #tpu.memory_space<vmem>>
        %dma_start3A_227 = tpu.memref_squeeze %dma_start3A_226 : memref<1x128xi32, #tpu.memory_space<vmem>> -> memref<128xi32, #tpu.memory_space<vmem>>
        %dma_start3A_228 = arith.constant 0 : i32
        %dma_start3A_229 = tpu.memref_slice %arg3[%arg1, %add3A_217, %dma_start3A_228] : memref<16x160x128xi32, #tpu.memory_space<hbm>> -> memref<1x1x128xi32, #tpu.memory_space<hbm>>
        %dma_start3A_230 = tpu.memref_squeeze %dma_start3A_229 : memref<1x1x128xi32, #tpu.memory_space<hbm>> -> memref<128xi32, #tpu.memory_space<hbm>>
        tpu.enqueue_dma source(%dma_start3A_230 : memref<128xi32, #tpu.memory_space<hbm>>) target(%dma_start3A_227 : memref<128xi32, #tpu.memory_space<vmem>>) target_semaphore(%arg18 : memref<!tpu.dma_semaphore, #tpu.memory_space<semaphore_mem>>)
      } else {
      }
      %scan3A_200 = arith.constant 0 : i32
      scf.yield %scan3A_200 : i32
    }
    %scan3A_56 = arith.constant 40 : i32
    %dma_wait3A = arith.constant 2 : i32
    %dma_wait3A_57 = arith.constant 0 : i32
    %dma_wait3A_58 = tpu.memref_slice %arg7[%dma_wait3A, %dma_wait3A_57] : memref<4x128xi32, #tpu.memory_space<vmem>> -> memref<1x128xi32, #tpu.memory_space<vmem>>
    %dma_wait3A_59 = tpu.memref_squeeze %dma_wait3A_58 : memref<1x128xi32, #tpu.memory_space<vmem>> -> memref<128xi32, #tpu.memory_space<vmem>>
    %dma_wait3A_60 = arith.constant 0 : i32
    %dma_wait3A_61 = arith.constant 0 : i32
    %dma_wait3A_62 = tpu.memref_slice %arg10[%dma_wait3A_60, %dma_wait3A_61] : memref<10240x128xf32, #tpu.memory_space<vmem_shared>> -> memref<10240x128xf32, #tpu.memory_space<vmem_shared>>
    tpu.wait_indirect_dma semaphore(%arg13 : memref<!tpu.dma_semaphore, #tpu.memory_space<semaphore_mem>>) src(%arg8 : memref<128x128xf32, #tpu.memory_space<vmem>>) dst(%dma_wait3A_62 : memref<10240x128xf32, #tpu.memory_space<vmem_shared>>)
    %dma_wait3A_63 = arith.constant 3 : i32
    %dma_wait3A_64 = arith.constant 0 : i32
    %dma_wait3A_65 = tpu.memref_slice %arg7[%dma_wait3A_63, %dma_wait3A_64] : memref<4x128xi32, #tpu.memory_space<vmem>> -> memref<1x128xi32, #tpu.memory_space<vmem>>
    %dma_wait3A_66 = tpu.memref_squeeze %dma_wait3A_65 : memref<1x128xi32, #tpu.memory_space<vmem>> -> memref<128xi32, #tpu.memory_space<vmem>>
    %dma_wait3A_67 = arith.constant 0 : i32
    %dma_wait3A_68 = arith.constant 0 : i32
    %dma_wait3A_69 = tpu.memref_slice %arg10[%dma_wait3A_67, %dma_wait3A_68] : memref<10240x128xf32, #tpu.memory_space<vmem_shared>> -> memref<10240x128xf32, #tpu.memory_space<vmem_shared>>
    tpu.wait_indirect_dma semaphore(%arg14 : memref<!tpu.dma_semaphore, #tpu.memory_space<semaphore_mem>>) src(%arg9 : memref<128x128xf32, #tpu.memory_space<vmem>>) dst(%dma_wait3A_69 : memref<10240x128xf32, #tpu.memory_space<vmem_shared>>)
    %barrier3A_70 = arith.constant 0 : index
    tpu.barrier barrier_id(%barrier3A_70)
    %mul3A = arith.constant 640 : i32
    %mul3A_71 = arith.muli %arg1, %mul3A : i32
    %mul3A_72 = arith.constant 640 : i32
    %mul3A_73 = arith.muli %arg1, %mul3A_72 : i32
    "tpu.region"() ({
      %run_scoped3A_74 = tpu.sem_alloc : memref<!tpu.dma_semaphore, #tpu.memory_space<semaphore_mem>>
      %dma_start3A_75 = arith.constant 0 : i32
      %dma_start3A_76 = tpu.memref_slice %arg5[%arg0, %mul3A_73, %dma_start3A_75] : memref<2x10240x128xf32, #tpu.memory_space<hbm>> -> memref<1x640x128xf32, #tpu.memory_space<hbm>>
      %dma_start3A_77 = tpu.memref_squeeze %dma_start3A_76 : memref<1x640x128xf32, #tpu.memory_space<hbm>> -> memref<640x128xf32, #tpu.memory_space<hbm>>
      %dma_start3A_78 = arith.constant 0 : i32
      %dma_start3A_79 = tpu.memref_slice %arg10[%mul3A_71, %dma_start3A_78] : memref<10240x128xf32, #tpu.memory_space<vmem_shared>> -> memref<640x128xf32, #tpu.memory_space<vmem_shared>>
      tpu.enqueue_dma source(%dma_start3A_79 : memref<640x128xf32, #tpu.memory_space<vmem_shared>>) target(%dma_start3A_77 : memref<640x128xf32, #tpu.memory_space<hbm>>) target_semaphore(%run_scoped3A_74 : memref<!tpu.dma_semaphore, #tpu.memory_space<semaphore_mem>>)
      %dma_wait3A_80 = arith.constant 0 : i32
      %dma_wait3A_81 = tpu.memref_slice %arg5[%arg0, %mul3A_73, %dma_wait3A_80] : memref<2x10240x128xf32, #tpu.memory_space<hbm>> -> memref<1x640x128xf32, #tpu.memory_space<hbm>>
      %dma_wait3A_82 = tpu.memref_squeeze %dma_wait3A_81 : memref<1x640x128xf32, #tpu.memory_space<hbm>> -> memref<640x128xf32, #tpu.memory_space<hbm>>
      %dma_wait3A_83 = arith.constant 0 : i32
      %dma_wait3A_84 = tpu.memref_slice %arg10[%mul3A_71, %dma_wait3A_83] : memref<10240x128xf32, #tpu.memory_space<vmem_shared>> -> memref<640x128xf32, #tpu.memory_space<vmem_shared>>
      tpu.wait_dma2 semaphore(%run_scoped3A_74 : memref<!tpu.dma_semaphore, #tpu.memory_space<semaphore_mem>>) src(%dma_wait3A_84 : memref<640x128xf32, #tpu.memory_space<vmem_shared>>) dst(%dma_wait3A_82 : memref<640x128xf32, #tpu.memory_space<hbm>>)
      tpu.yield
    }) : () -> ()
    return
  }
}

module attributes {stable_mosaic.version = 14 : i64} {
  func.func @_tcb_body(%arg0: i32, %arg1: memref<1000x256xf32, #tpu.memory_space<vmem>>, %arg2: memref<1x1000x128xf32, #tpu.memory_space<vmem>>, %arg3: memref<1x1000x128xf32, #tpu.memory_space<vmem>>, %arg4: memref<1x2x1000xf32, #tpu.memory_space<vmem>>, %arg5: memref<256x256xf32, #tpu.memory_space<vmem>>, %arg6: memref<1x256xf32, #tpu.memory_space<vmem>>, %arg7: memref<1x256xf32, #tpu.memory_space<vmem>>, %arg8: memref<1000x256xf32, #tpu.memory_space<vmem>>, %arg9: memref<2x1000x128xf32, #tpu.memory_space<vmem>>) attributes {dimension_semantics = [#tpu.dimension_semantics<arbitrary>], iteration_bounds = array<i64: 10>, scalar_prefetch = 0 : i64, scratch_operands = 0 : i64, tpu.core_type = #tpu.core_type<tc>, window_params = [{transform_indices = @transform_0, window_bounds = array<i64: 1000, 256>}, {transform_indices = @transform_1, window_bounds = array<i64: 1, 1000, 128>}, {transform_indices = @transform_2, window_bounds = array<i64: 1, 1000, 128>}, {transform_indices = @transform_3, window_bounds = array<i64: 1, 2, 1000>}, {pipeline_mode = #tpu.pipeline_mode<synchronous>, transform_indices = @transform_4, window_bounds = array<i64: 256, 256>}, {pipeline_mode = #tpu.pipeline_mode<synchronous>, transform_indices = @transform_5, window_bounds = array<i64: 1, 256>}, {pipeline_mode = #tpu.pipeline_mode<synchronous>, transform_indices = @transform_6, window_bounds = array<i64: 1, 256>}, {transform_indices = @transform_7, window_bounds = array<i64: 1000, 256>}, {transform_indices = @transform_8, window_bounds = array<i64: 2, 1000, 128>}]} {
    %get3A = arith.constant 0 : index
    %get3A_0 = arith.constant 1 : index
    %get3A_1 = arith.constant 0 : index
    %get3A_2 = vector.load %arg4[%get3A, %get3A_0, %get3A_1] : memref<1x2x1000xf32, #tpu.memory_space<vmem>>, vector<1x1x1000xf32>
    %get3A_3 = vector.shape_cast %get3A_2 : vector<1x1x1000xf32> to vector<1000xf32>
    %get3A_4 = arith.constant 0 : index
    %get3A_5 = arith.constant 0 : index
    %get3A_6 = arith.constant 0 : index
    %get3A_7 = vector.load %arg2[%get3A_4, %get3A_5, %get3A_6] : memref<1x1000x128xf32, #tpu.memory_space<vmem>>, vector<1x1000x128xf32>
    %get3A_8 = vector.shape_cast %get3A_7 : vector<1x1000x128xf32> to vector<1000x128xf32>
    %get3A_9 = arith.constant 0 : index
    %get3A_10 = arith.constant 0 : index
    %get3A_11 = arith.constant 0 : index
    %get3A_12 = vector.load %arg3[%get3A_9, %get3A_10, %get3A_11] : memref<1x1000x128xf32, #tpu.memory_space<vmem>>, vector<1x1000x128xf32>
    %get3A_13 = vector.shape_cast %get3A_12 : vector<1x1000x128xf32> to vector<1000x128xf32>
    %concatenate3A = tpu.concatenate %get3A_8, %get3A_13 in 1 : vector<1000x128xf32>, vector<1000x128xf32> -> vector<1000x256xf32>
    %broadcast_in_dim3A = vector.shape_cast %get3A_3 : vector<1000xf32> to vector<1000x1xf32>
    %mul3A = vector.broadcast %broadcast_in_dim3A : vector<1000x1xf32> to vector<1000x256xf32>
    %mul3A_14 = arith.mulf %concatenate3A, %mul3A : vector<1000x256xf32>
    %get3A_15 = arith.constant 0 : index
    %get3A_16 = arith.constant 0 : index
    %get3A_17 = vector.load %arg5[%get3A_15, %get3A_16] : memref<256x256xf32, #tpu.memory_space<vmem>>, vector<256x256xf32>
    %dot_general3A = arith.constant dense<0.000000e+00> : vector<1000x256xf32>
    %dot_general3A_18 = tpu.matmul %mul3A_14, %get3A_17, %dot_general3A {dimension_numbers = #tpu.dot_dimension_numbers<[1], [0], [0], [1], [0, 0, 1, 1], [], []>, transpose_lhs_hint = false} : vector<1000x256xf32>, vector<256x256xf32>, vector<1000x256xf32> -> vector<1000x256xf32>
    %get3A_19 = arith.constant 0 : index
    %get3A_20 = arith.constant 0 : index
    %get3A_21 = vector.load %arg6[%get3A_19, %get3A_20] : memref<1x256xf32, #tpu.memory_space<vmem>>, vector<1x256xf32>
    %add3A = vector.broadcast %get3A_21 : vector<1x256xf32> to vector<1000x256xf32>
    %add3A_22 = arith.addf %dot_general3A_18, %add3A : vector<1000x256xf32>
    %max3A = arith.constant 0.000000e+00 : f32
    %max3A_23 = vector.broadcast %max3A : f32 to vector<1000x256xf32>
    %max3A_24 = arith.maximumf %add3A_22, %max3A_23 : vector<1000x256xf32>
    %get3A_25 = arith.constant 0 : index
    %get3A_26 = arith.constant 0 : index
    %get3A_27 = vector.load %arg1[%get3A_25, %get3A_26] : memref<1000x256xf32, #tpu.memory_space<vmem>>, vector<1000x256xf32>
    %add3A_28 = arith.addf %get3A_27, %max3A_24 : vector<1000x256xf32>
    %reduce_sum3A = arith.constant dense<0.000000e+00> : vector<1000xf32>
    %reduce_sum3A_29 = vector.multi_reduction <add>, %add3A_28, %reduce_sum3A [1] : vector<1000x256xf32> to vector<1000xf32>
    %broadcast_in_dim3A_30 = vector.shape_cast %reduce_sum3A_29 : vector<1000xf32> to vector<1000x1xf32>
    %div3A = arith.constant 2.560000e+02 : f32
    %div3A_31 = vector.broadcast %div3A : f32 to vector<1000x1xf32>
    %div3A_32 = arith.divf %broadcast_in_dim3A_30, %div3A_31 : vector<1000x1xf32>
    %sub3A = vector.broadcast %div3A_32 : vector<1000x1xf32> to vector<1000x256xf32>
    %sub3A_33 = arith.subf %add3A_28, %sub3A : vector<1000x256xf32>
    %integer_pow3A = arith.mulf %sub3A_33, %sub3A_33 : vector<1000x256xf32>
    %reduce_sum3A_34 = arith.constant dense<0.000000e+00> : vector<1000xf32>
    %reduce_sum3A_35 = vector.multi_reduction <add>, %integer_pow3A, %reduce_sum3A_34 [1] : vector<1000x256xf32> to vector<1000xf32>
    %broadcast_in_dim3A_36 = vector.shape_cast %reduce_sum3A_35 : vector<1000xf32> to vector<1000x1xf32>
    %div3A_37 = arith.constant 2.560000e+02 : f32
    %div3A_38 = vector.broadcast %div3A_37 : f32 to vector<1000x1xf32>
    %div3A_39 = arith.divf %broadcast_in_dim3A_36, %div3A_38 : vector<1000x1xf32>
    %sub3A_40 = vector.broadcast %div3A_32 : vector<1000x1xf32> to vector<1000x256xf32>
    %sub3A_41 = arith.subf %add3A_28, %sub3A_40 : vector<1000x256xf32>
    %add3A_42 = arith.constant 1.000000e-03 : f32
    %add3A_43 = vector.broadcast %add3A_42 : f32 to vector<1000x1xf32>
    %add3A_44 = arith.addf %div3A_39, %add3A_43 : vector<1000x1xf32>
    %rsqrt3A = math.rsqrt %add3A_44 : vector<1000x1xf32>
    %mul3A_45 = vector.broadcast %rsqrt3A : vector<1000x1xf32> to vector<1000x256xf32>
    %mul3A_46 = arith.mulf %sub3A_41, %mul3A_45 : vector<1000x256xf32>
    %get3A_47 = arith.constant 0 : index
    %get3A_48 = arith.constant 0 : index
    %get3A_49 = vector.load %arg7[%get3A_47, %get3A_48] : memref<1x256xf32, #tpu.memory_space<vmem>>, vector<1x256xf32>
    %add3A_50 = vector.broadcast %get3A_49 : vector<1x256xf32> to vector<1000x256xf32>
    %add3A_51 = arith.addf %mul3A_46, %add3A_50 : vector<1000x256xf32>
    %swap3A = arith.constant 0 : index
    %swap3A_52 = arith.constant 0 : index
    %swap3A_53 = vector.load %arg8[%swap3A, %swap3A_52] : memref<1000x256xf32, #tpu.memory_space<vmem>>, vector<1000x256xf32>
    tpu.vector_store %arg8[%swap3A, %swap3A_52], %add3A_51 {strides = array<i32>} : memref<1000x256xf32, #tpu.memory_space<vmem>>, vector<1000x256xf32>,
    %get3A_54 = arith.constant 0 : index
    %get3A_55 = arith.constant 0 : index
    %get3A_56 = arith.constant 0 : index
    %get3A_57 = vector.load %arg4[%get3A_54, %get3A_55, %get3A_56] : memref<1x2x1000xf32, #tpu.memory_space<vmem>>, vector<1x1x1000xf32>
    %get3A_58 = vector.shape_cast %get3A_57 : vector<1x1x1000xf32> to vector<1000xf32>
    %broadcast_in_dim3A_59 = vector.shape_cast %get3A_58 : vector<1000xf32> to vector<1000x1xf32>
    %mul3A_60 = vector.broadcast %broadcast_in_dim3A_59 : vector<1000x1xf32> to vector<1000x256xf32>
    %mul3A_61 = arith.mulf %add3A_51, %mul3A_60 : vector<1000x256xf32>
    %slice3A = vector.extract_strided_slice %mul3A_61 {offsets = [0, 0], sizes = [1000, 128], strides = [1, 1]} : vector<1000x256xf32> to vector<1000x128xf32>
    %swap3A_62 = arith.constant 0 : index
    %swap3A_63 = arith.constant 0 : index
    %swap3A_64 = arith.constant 0 : index
    %swap3A_65 = vector.load %arg9[%swap3A_62, %swap3A_63, %swap3A_64] : memref<2x1000x128xf32, #tpu.memory_space<vmem>>, vector<1x1000x128xf32>
    %swap3A_66 = vector.shape_cast %swap3A_65 : vector<1x1000x128xf32> to vector<1000x128xf32>
    %swap3A_67 = vector.shape_cast %slice3A : vector<1000x128xf32> to vector<1x1000x128xf32>
    tpu.vector_store %arg9[%swap3A_62, %swap3A_63, %swap3A_64], %swap3A_67 {strides = array<i32>} : memref<2x1000x128xf32, #tpu.memory_space<vmem>>, vector<1x1000x128xf32>,
    %slice3A_68 = vector.extract_strided_slice %mul3A_61 {offsets = [0, 128], sizes = [1000, 128], strides = [1, 1]} : vector<1000x256xf32> to vector<1000x128xf32>
    %swap3A_69 = arith.constant 1 : index
    %swap3A_70 = arith.constant 0 : index
    %swap3A_71 = arith.constant 0 : index
    %swap3A_72 = vector.load %arg9[%swap3A_69, %swap3A_70, %swap3A_71] : memref<2x1000x128xf32, #tpu.memory_space<vmem>>, vector<1x1000x128xf32>
    %swap3A_73 = vector.shape_cast %swap3A_72 : vector<1x1000x128xf32> to vector<1000x128xf32>
    %swap3A_74 = vector.shape_cast %slice3A_68 : vector<1000x128xf32> to vector<1x1000x128xf32>
    tpu.vector_store %arg9[%swap3A_69, %swap3A_70, %swap3A_71], %swap3A_74 {strides = array<i32>} : memref<2x1000x128xf32, #tpu.memory_space<vmem>>, vector<1x1000x128xf32>,
    return
  }
  func.func @transform_0(%arg0: i32) -> (i32, i32) {
    %c0_i32 = arith.constant 0 : i32
    %c0_i32_0 = arith.constant 0 : i32
    return %arg0, %c0_i32 : i32, i32
  }
  func.func @transform_1(%arg0: i32) -> (i32, i32, i32) {
    %c0_i32 = arith.constant 0 : i32
    %c0_i32_0 = arith.constant 0 : i32
    %c0_i32_1 = arith.constant 0 : i32
    return %c0_i32, %arg0, %c0_i32_0 : i32, i32, i32
  }
  func.func @transform_2(%arg0: i32) -> (i32, i32, i32) {
    %c1_i32 = arith.constant 1 : i32
    %c0_i32 = arith.constant 0 : i32
    %c0_i32_0 = arith.constant 0 : i32
    return %c1_i32, %arg0, %c0_i32 : i32, i32, i32
  }
  func.func @transform_3(%arg0: i32) -> (i32, i32, i32) {
    %c0_i32 = arith.constant 0 : i32
    %c0_i32_0 = arith.constant 0 : i32
    %c0_i32_1 = arith.constant 0 : i32
    return %arg0, %c0_i32, %c0_i32_0 : i32, i32, i32
  }
  func.func @transform_4(%arg0: i32) -> (i32, i32) {
    %c0_i32 = arith.constant 0 : i32
    %c0_i32_0 = arith.constant 0 : i32
    %c0_i32_1 = arith.constant 0 : i32
    return %c0_i32, %c0_i32_0 : i32, i32
  }
  func.func @transform_5(%arg0: i32) -> (i32, i32) {
    %c0_i32 = arith.constant 0 : i32
    %c0_i32_0 = arith.constant 0 : i32
    %c0_i32_1 = arith.constant 0 : i32
    return %c0_i32, %c0_i32_0 : i32, i32
  }
  func.func @transform_6(%arg0: i32) -> (i32, i32) {
    %c0_i32 = arith.constant 0 : i32
    %c0_i32_0 = arith.constant 0 : i32
    %c0_i32_1 = arith.constant 0 : i32
    return %c0_i32, %c0_i32_0 : i32, i32
  }
  func.func @transform_7(%arg0: i32) -> (i32, i32) {
    %c0_i32 = arith.constant 0 : i32
    %c0_i32_0 = arith.constant 0 : i32
    return %arg0, %c0_i32 : i32, i32
  }
  func.func @transform_8(%arg0: i32) -> (i32, i32, i32) {
    %c0_i32 = arith.constant 0 : i32
    %c0_i32_0 = arith.constant 0 : i32
    %c0_i32_1 = arith.constant 0 : i32
    return %c0_i32, %arg0, %c0_i32_0 : i32, i32, i32
  }
}

module attributes {stable_mosaic.version = 14 : i64} {
  func.func @_tca_body(%arg0: i32, %arg1: memref<1000x128xf32, #tpu.memory_space<vmem>>, %arg2: memref<1x128xf32, #tpu.memory_space<vmem>>, %arg3: memref<1x2x1000xf32, #tpu.memory_space<vmem>>, %arg4: memref<1000x256xf32, #tpu.memory_space<vmem>>, %arg5: memref<2x1000x128xf32, #tpu.memory_space<vmem>>, %arg6: memref<1x2x1000xf32, #tpu.memory_space<vmem>>) attributes {dimension_semantics = [#tpu.dimension_semantics<arbitrary>], iteration_bounds = array<i64: 10>, scalar_prefetch = 0 : i64, scratch_operands = 0 : i64, tpu.core_type = #tpu.core_type<tc>, window_params = [{transform_indices = @transform_0, window_bounds = array<i64: 1000, 128>}, {pipeline_mode = #tpu.pipeline_mode<synchronous>, transform_indices = @transform_1, window_bounds = array<i64: 1, 128>}, {transform_indices = @transform_2, window_bounds = array<i64: 1, 2, 1000>}, {transform_indices = @transform_3, window_bounds = array<i64: 1000, 256>}, {transform_indices = @transform_4, window_bounds = array<i64: 2, 1000, 128>}, {transform_indices = @transform_5, window_bounds = array<i64: 1, 2, 1000>}]} {
    %get3A = arith.constant 0 : index
    %get3A_0 = arith.constant 0 : index
    %get3A_1 = arith.constant 0 : index
    %get3A_2 = vector.load %arg3[%get3A, %get3A_0, %get3A_1] : memref<1x2x1000xf32, #tpu.memory_space<vmem>>, vector<1x2x1000xf32>
    %get3A_3 = vector.shape_cast %get3A_2 : vector<1x2x1000xf32> to vector<2x1000xf32>
    %max3A = arith.constant 1.000000e+00 : f32
    %max3A_4 = vector.broadcast %max3A : f32 to vector<2x1000xf32>
    %max3A_5 = arith.maximumf %get3A_3, %max3A_4 : vector<2x1000xf32>
    %rsqrt3A = math.rsqrt %max3A_5 : vector<2x1000xf32>
    %swap3A = arith.constant 0 : index
    %swap3A_6 = arith.constant 0 : index
    %swap3A_7 = arith.constant 0 : index
    %swap3A_8 = vector.load %arg6[%swap3A, %swap3A_6, %swap3A_7] : memref<1x2x1000xf32, #tpu.memory_space<vmem>>, vector<1x2x1000xf32>
    %swap3A_9 = vector.shape_cast %swap3A_8 : vector<1x2x1000xf32> to vector<2x1000xf32>
    %swap3A_10 = vector.shape_cast %rsqrt3A : vector<2x1000xf32> to vector<1x2x1000xf32>
    tpu.vector_store %arg6[%swap3A, %swap3A_6, %swap3A_7], %swap3A_10 {strides = array<i32>} : memref<1x2x1000xf32, #tpu.memory_space<vmem>>, vector<1x2x1000xf32>,
    %slice3A = vector.extract_strided_slice %rsqrt3A {offsets = [0, 0], sizes = [1, 1000], strides = [1, 1]} : vector<2x1000xf32> to vector<1x1000xf32>
    %squeeze3A = vector.shape_cast %slice3A : vector<1x1000xf32> to vector<1000xf32>
    %get3A_11 = arith.constant 0 : index
    %get3A_12 = arith.constant 0 : index
    %get3A_13 = vector.load %arg1[%get3A_11, %get3A_12] : memref<1000x128xf32, #tpu.memory_space<vmem>>, vector<1000x128xf32>
    %get3A_14 = arith.constant 0 : index
    %get3A_15 = arith.constant 0 : index
    %get3A_16 = vector.load %arg2[%get3A_14, %get3A_15] : memref<1x128xf32, #tpu.memory_space<vmem>>, vector<1x128xf32>
    %broadcast_in_dim3A = vector.shape_cast %get3A_16 : vector<1x128xf32> to vector<1x128xf32>
    %broadcast_in_dim3A_17 = vector.broadcast %broadcast_in_dim3A : vector<1x128xf32> to vector<1000x128xf32>
    %concatenate3A = tpu.concatenate %get3A_13, %broadcast_in_dim3A_17 in 1 : vector<1000x128xf32>, vector<1000x128xf32> -> vector<1000x256xf32>
    %swap3A_18 = arith.constant 0 : index
    %swap3A_19 = arith.constant 0 : index
    %swap3A_20 = vector.load %arg4[%swap3A_18, %swap3A_19] : memref<1000x256xf32, #tpu.memory_space<vmem>>, vector<1000x256xf32>
    tpu.vector_store %arg4[%swap3A_18, %swap3A_19], %concatenate3A {strides = array<i32>} : memref<1000x256xf32, #tpu.memory_space<vmem>>, vector<1000x256xf32>,
    %broadcast_in_dim3A_21 = vector.shape_cast %squeeze3A : vector<1000xf32> to vector<1000x1xf32>
    %mul3A = vector.broadcast %broadcast_in_dim3A_21 : vector<1000x1xf32> to vector<1000x256xf32>
    %mul3A_22 = arith.mulf %concatenate3A, %mul3A : vector<1000x256xf32>
    %slice3A_23 = vector.extract_strided_slice %mul3A_22 {offsets = [0, 0], sizes = [1000, 128], strides = [1, 1]} : vector<1000x256xf32> to vector<1000x128xf32>
    %swap3A_24 = arith.constant 0 : index
    %swap3A_25 = arith.constant 0 : index
    %swap3A_26 = arith.constant 0 : index
    %swap3A_27 = vector.load %arg5[%swap3A_24, %swap3A_25, %swap3A_26] : memref<2x1000x128xf32, #tpu.memory_space<vmem>>, vector<1x1000x128xf32>
    %swap3A_28 = vector.shape_cast %swap3A_27 : vector<1x1000x128xf32> to vector<1000x128xf32>
    %swap3A_29 = vector.shape_cast %slice3A_23 : vector<1000x128xf32> to vector<1x1000x128xf32>
    tpu.vector_store %arg5[%swap3A_24, %swap3A_25, %swap3A_26], %swap3A_29 {strides = array<i32>} : memref<2x1000x128xf32, #tpu.memory_space<vmem>>, vector<1x1000x128xf32>,
    %slice3A_30 = vector.extract_strided_slice %mul3A_22 {offsets = [0, 128], sizes = [1000, 128], strides = [1, 1]} : vector<1000x256xf32> to vector<1000x128xf32>
    %swap3A_31 = arith.constant 1 : index
    %swap3A_32 = arith.constant 0 : index
    %swap3A_33 = arith.constant 0 : index
    %swap3A_34 = vector.load %arg5[%swap3A_31, %swap3A_32, %swap3A_33] : memref<2x1000x128xf32, #tpu.memory_space<vmem>>, vector<1x1000x128xf32>
    %swap3A_35 = vector.shape_cast %swap3A_34 : vector<1x1000x128xf32> to vector<1000x128xf32>
    %swap3A_36 = vector.shape_cast %slice3A_30 : vector<1000x128xf32> to vector<1x1000x128xf32>
    tpu.vector_store %arg5[%swap3A_31, %swap3A_32, %swap3A_33], %swap3A_36 {strides = array<i32>} : memref<2x1000x128xf32, #tpu.memory_space<vmem>>, vector<1x1000x128xf32>,
    return
  }
  func.func @transform_0(%arg0: i32) -> (i32, i32) {
    %c0_i32 = arith.constant 0 : i32
    %c0_i32_0 = arith.constant 0 : i32
    return %arg0, %c0_i32 : i32, i32
  }
  func.func @transform_1(%arg0: i32) -> (i32, i32) {
    %c0_i32 = arith.constant 0 : i32
    %c0_i32_0 = arith.constant 0 : i32
    %c0_i32_1 = arith.constant 0 : i32
    return %c0_i32, %c0_i32_0 : i32, i32
  }
  func.func @transform_2(%arg0: i32) -> (i32, i32, i32) {
    %c0_i32 = arith.constant 0 : i32
    %c0_i32_0 = arith.constant 0 : i32
    %c0_i32_1 = arith.constant 0 : i32
    return %arg0, %c0_i32, %c0_i32_0 : i32, i32, i32
  }
  func.func @transform_3(%arg0: i32) -> (i32, i32) {
    %c0_i32 = arith.constant 0 : i32
    %c0_i32_0 = arith.constant 0 : i32
    return %arg0, %c0_i32 : i32, i32
  }
  func.func @transform_4(%arg0: i32) -> (i32, i32, i32) {
    %c0_i32 = arith.constant 0 : i32
    %c0_i32_0 = arith.constant 0 : i32
    %c0_i32_1 = arith.constant 0 : i32
    return %c0_i32, %arg0, %c0_i32_0 : i32, i32, i32
  }
  func.func @transform_5(%arg0: i32) -> (i32, i32, i32) {
    %c0_i32 = arith.constant 0 : i32
    %c0_i32_0 = arith.constant 0 : i32
    %c0_i32_1 = arith.constant 0 : i32
    return %arg0, %c0_i32, %c0_i32_0 : i32, i32, i32
  }
}

module attributes {stable_mosaic.version = 14 : i64} {
  func.func @_tcb_body(%arg0: i32, %arg1: memref<1000x256xf32, #tpu.memory_space<vmem>>, %arg2: memref<1x1000x128xf32, #tpu.memory_space<vmem>>, %arg3: memref<1x1000x128xf32, #tpu.memory_space<vmem>>, %arg4: memref<1x2x1000xf32, #tpu.memory_space<vmem>>, %arg5: memref<256x256xf32, #tpu.memory_space<vmem>>, %arg6: memref<1x256xf32, #tpu.memory_space<vmem>>, %arg7: memref<1x256xf32, #tpu.memory_space<vmem>>, %arg8: memref<1000x256xf32, #tpu.memory_space<vmem>>) attributes {dimension_semantics = [#tpu.dimension_semantics<arbitrary>], iteration_bounds = array<i64: 10>, scalar_prefetch = 0 : i64, scratch_operands = 0 : i64, tpu.core_type = #tpu.core_type<tc>, window_params = [{transform_indices = @transform_0, window_bounds = array<i64: 1000, 256>}, {transform_indices = @transform_1, window_bounds = array<i64: 1, 1000, 128>}, {transform_indices = @transform_2, window_bounds = array<i64: 1, 1000, 128>}, {transform_indices = @transform_3, window_bounds = array<i64: 1, 2, 1000>}, {pipeline_mode = #tpu.pipeline_mode<synchronous>, transform_indices = @transform_4, window_bounds = array<i64: 256, 256>}, {pipeline_mode = #tpu.pipeline_mode<synchronous>, transform_indices = @transform_5, window_bounds = array<i64: 1, 256>}, {pipeline_mode = #tpu.pipeline_mode<synchronous>, transform_indices = @transform_6, window_bounds = array<i64: 1, 256>}, {transform_indices = @transform_7, window_bounds = array<i64: 1000, 256>}]} {
    %get3A = arith.constant 0 : index
    %get3A_0 = arith.constant 1 : index
    %get3A_1 = arith.constant 0 : index
    %get3A_2 = vector.load %arg4[%get3A, %get3A_0, %get3A_1] : memref<1x2x1000xf32, #tpu.memory_space<vmem>>, vector<1x1x1000xf32>
    %get3A_3 = vector.shape_cast %get3A_2 : vector<1x1x1000xf32> to vector<1000xf32>
    %get3A_4 = arith.constant 0 : index
    %get3A_5 = arith.constant 0 : index
    %get3A_6 = arith.constant 0 : index
    %get3A_7 = vector.load %arg2[%get3A_4, %get3A_5, %get3A_6] : memref<1x1000x128xf32, #tpu.memory_space<vmem>>, vector<1x1000x128xf32>
    %get3A_8 = vector.shape_cast %get3A_7 : vector<1x1000x128xf32> to vector<1000x128xf32>
    %get3A_9 = arith.constant 0 : index
    %get3A_10 = arith.constant 0 : index
    %get3A_11 = arith.constant 0 : index
    %get3A_12 = vector.load %arg3[%get3A_9, %get3A_10, %get3A_11] : memref<1x1000x128xf32, #tpu.memory_space<vmem>>, vector<1x1000x128xf32>
    %get3A_13 = vector.shape_cast %get3A_12 : vector<1x1000x128xf32> to vector<1000x128xf32>
    %concatenate3A = tpu.concatenate %get3A_8, %get3A_13 in 1 : vector<1000x128xf32>, vector<1000x128xf32> -> vector<1000x256xf32>
    %broadcast_in_dim3A = vector.shape_cast %get3A_3 : vector<1000xf32> to vector<1000x1xf32>
    %mul3A = vector.broadcast %broadcast_in_dim3A : vector<1000x1xf32> to vector<1000x256xf32>
    %mul3A_14 = arith.mulf %concatenate3A, %mul3A : vector<1000x256xf32>
    %get3A_15 = arith.constant 0 : index
    %get3A_16 = arith.constant 0 : index
    %get3A_17 = vector.load %arg5[%get3A_15, %get3A_16] : memref<256x256xf32, #tpu.memory_space<vmem>>, vector<256x256xf32>
    %dot_general3A = arith.constant dense<0.000000e+00> : vector<1000x256xf32>
    %dot_general3A_18 = tpu.matmul %mul3A_14, %get3A_17, %dot_general3A {dimension_numbers = #tpu.dot_dimension_numbers<[1], [0], [0], [1], [0, 0, 1, 1], [], []>, transpose_lhs_hint = false} : vector<1000x256xf32>, vector<256x256xf32>, vector<1000x256xf32> -> vector<1000x256xf32>
    %get3A_19 = arith.constant 0 : index
    %get3A_20 = arith.constant 0 : index
    %get3A_21 = vector.load %arg6[%get3A_19, %get3A_20] : memref<1x256xf32, #tpu.memory_space<vmem>>, vector<1x256xf32>
    %add3A = vector.broadcast %get3A_21 : vector<1x256xf32> to vector<1000x256xf32>
    %add3A_22 = arith.addf %dot_general3A_18, %add3A : vector<1000x256xf32>
    %max3A = arith.constant 0.000000e+00 : f32
    %max3A_23 = vector.broadcast %max3A : f32 to vector<1000x256xf32>
    %max3A_24 = arith.maximumf %add3A_22, %max3A_23 : vector<1000x256xf32>
    %get3A_25 = arith.constant 0 : index
    %get3A_26 = arith.constant 0 : index
    %get3A_27 = vector.load %arg1[%get3A_25, %get3A_26] : memref<1000x256xf32, #tpu.memory_space<vmem>>, vector<1000x256xf32>
    %add3A_28 = arith.addf %get3A_27, %max3A_24 : vector<1000x256xf32>
    %reduce_sum3A = arith.constant dense<0.000000e+00> : vector<1000xf32>
    %reduce_sum3A_29 = vector.multi_reduction <add>, %add3A_28, %reduce_sum3A [1] : vector<1000x256xf32> to vector<1000xf32>
    %broadcast_in_dim3A_30 = vector.shape_cast %reduce_sum3A_29 : vector<1000xf32> to vector<1000x1xf32>
    %div3A = arith.constant 2.560000e+02 : f32
    %div3A_31 = vector.broadcast %div3A : f32 to vector<1000x1xf32>
    %div3A_32 = arith.divf %broadcast_in_dim3A_30, %div3A_31 : vector<1000x1xf32>
    %sub3A = vector.broadcast %div3A_32 : vector<1000x1xf32> to vector<1000x256xf32>
    %sub3A_33 = arith.subf %add3A_28, %sub3A : vector<1000x256xf32>
    %integer_pow3A = arith.mulf %sub3A_33, %sub3A_33 : vector<1000x256xf32>
    %reduce_sum3A_34 = arith.constant dense<0.000000e+00> : vector<1000xf32>
    %reduce_sum3A_35 = vector.multi_reduction <add>, %integer_pow3A, %reduce_sum3A_34 [1] : vector<1000x256xf32> to vector<1000xf32>
    %broadcast_in_dim3A_36 = vector.shape_cast %reduce_sum3A_35 : vector<1000xf32> to vector<1000x1xf32>
    %div3A_37 = arith.constant 2.560000e+02 : f32
    %div3A_38 = vector.broadcast %div3A_37 : f32 to vector<1000x1xf32>
    %div3A_39 = arith.divf %broadcast_in_dim3A_36, %div3A_38 : vector<1000x1xf32>
    %sub3A_40 = vector.broadcast %div3A_32 : vector<1000x1xf32> to vector<1000x256xf32>
    %sub3A_41 = arith.subf %add3A_28, %sub3A_40 : vector<1000x256xf32>
    %add3A_42 = arith.constant 1.000000e-03 : f32
    %add3A_43 = vector.broadcast %add3A_42 : f32 to vector<1000x1xf32>
    %add3A_44 = arith.addf %div3A_39, %add3A_43 : vector<1000x1xf32>
    %rsqrt3A = math.rsqrt %add3A_44 : vector<1000x1xf32>
    %mul3A_45 = vector.broadcast %rsqrt3A : vector<1000x1xf32> to vector<1000x256xf32>
    %mul3A_46 = arith.mulf %sub3A_41, %mul3A_45 : vector<1000x256xf32>
    %get3A_47 = arith.constant 0 : index
    %get3A_48 = arith.constant 0 : index
    %get3A_49 = vector.load %arg7[%get3A_47, %get3A_48] : memref<1x256xf32, #tpu.memory_space<vmem>>, vector<1x256xf32>
    %add3A_50 = vector.broadcast %get3A_49 : vector<1x256xf32> to vector<1000x256xf32>
    %add3A_51 = arith.addf %mul3A_46, %add3A_50 : vector<1000x256xf32>
    %swap3A = arith.constant 0 : index
    %swap3A_52 = arith.constant 0 : index
    %swap3A_53 = vector.load %arg8[%swap3A, %swap3A_52] : memref<1000x256xf32, #tpu.memory_space<vmem>>, vector<1000x256xf32>
    tpu.vector_store %arg8[%swap3A, %swap3A_52], %add3A_51 {strides = array<i32>} : memref<1000x256xf32, #tpu.memory_space<vmem>>, vector<1000x256xf32>,
    return
  }
  func.func @transform_0(%arg0: i32) -> (i32, i32) {
    %c0_i32 = arith.constant 0 : i32
    %c0_i32_0 = arith.constant 0 : i32
    return %arg0, %c0_i32 : i32, i32
  }
  func.func @transform_1(%arg0: i32) -> (i32, i32, i32) {
    %c0_i32 = arith.constant 0 : i32
    %c0_i32_0 = arith.constant 0 : i32
    %c0_i32_1 = arith.constant 0 : i32
    return %c0_i32, %arg0, %c0_i32_0 : i32, i32, i32
  }
  func.func @transform_2(%arg0: i32) -> (i32, i32, i32) {
    %c1_i32 = arith.constant 1 : i32
    %c0_i32 = arith.constant 0 : i32
    %c0_i32_0 = arith.constant 0 : i32
    return %c1_i32, %arg0, %c0_i32 : i32, i32, i32
  }
  func.func @transform_3(%arg0: i32) -> (i32, i32, i32) {
    %c0_i32 = arith.constant 0 : i32
    %c0_i32_0 = arith.constant 0 : i32
    %c0_i32_1 = arith.constant 0 : i32
    return %arg0, %c0_i32, %c0_i32_0 : i32, i32, i32
  }
  func.func @transform_4(%arg0: i32) -> (i32, i32) {
    %c0_i32 = arith.constant 0 : i32
    %c0_i32_0 = arith.constant 0 : i32
    %c0_i32_1 = arith.constant 0 : i32
    return %c0_i32, %c0_i32_0 : i32, i32
  }
  func.func @transform_5(%arg0: i32) -> (i32, i32) {
    %c0_i32 = arith.constant 0 : i32
    %c0_i32_0 = arith.constant 0 : i32
    %c0_i32_1 = arith.constant 0 : i32
    return %c0_i32, %c0_i32_0 : i32, i32
  }
  func.func @transform_6(%arg0: i32) -> (i32, i32) {
    %c0_i32 = arith.constant 0 : i32
    %c0_i32_0 = arith.constant 0 : i32
    %c0_i32_1 = arith.constant 0 : i32
    return %c0_i32, %c0_i32_0 : i32, i32
  }
  func.func @transform_7(%arg0: i32) -> (i32, i32) {
    %c0_i32 = arith.constant 0 : i32
    %c0_i32_0 = arith.constant 0 : i32
    return %arg0, %c0_i32 : i32, i32
  }
}

</mosaic_0001>

<sc_bundles>
// kernel: kernel.11.cloned.1.call-start
scs
__scs_entry_jumppad:
0x0: {  	(pc) =	sbr.rel $0x88, $3  }
0x1: {  	(tag) =	ssettag $0x0;
	lr =	simm.s32 $0x1  }
0x2: {  	[smem:$0x3F98] =	sst lr;
	_ =	strace $0xD0000000  }
0x3: {  	_ = 	snop  }
0x4: {  	_ = 	snop  }
0x5: {  	_ = 	snop  }
0x6: {  	_ = 	snop  }
0x7: {  	_ = 	snop  }
__scs_overlays_trampoline_lowered:
0x8: {  	[smem:$0x3FA7] =	sst s0  }
0x9: {  	[smem:$0x3FA8] =	sst s1  }
0xa: {  	[smem:$0x3FA9] =	sst s2  }
0xb: {  	[smem:$0x3FAA] =	sst s3  }
0xc: {  	[smem:$0x3FAB] =	sst s4  }
0xd: {  	[smem:$0x3FAC] =	sst s5  }
0xe: {  	[smem:$0x3FAD] =	sst s6  }
0xf: {  	[smem:$0x3FAE] =	sst s7  }
0x10: {  	[smem:$0x3FAF] =	sst s8  }
0x11: {  	[smem:$0x3FB0] =	sst s9;
	s0 =	simm.s32 @!p0 $0x0  }
0x12: {  	s1 =	sld [smem:$0x3F96];
	s0 =	simm.s32 @p0 $0x1  }
0x13: {  	[smem:$0x3FB1] =	sst s0;
	s0 =	simm.s32 @!p1 $0x0  }
0x14: {  	s2 =	sld [smem:$0x3F95];
	s0 =	simm.s32 @p1 $0x1  }
0x15: {  	[smem:$0x3FB2] =	sst s0;
	s0 =	simm.s32 @!p2 $0x0  }
0x16: {  	s3 =	sld [smem:$0x3FDB];
	s0 =	simm.s32 @p2 $0x1  }
0x17: {  	s4 =	simm.s32 $0x1BF5;
	[smem:$0x3FB4] =	sst s0  }
0x18: {  	s0 =	sld [smem:$0x3F97];
	_ =	swait.ge [sflag:s4], $0x0  }
0x19: {  	s7 =	sld [smem:$0x3F98]  }
0x1a: {  	s8 =	sadd.s32 $0xFFFFE003, lr  }
0x1b: {  	s9 =	sadd.s32 $0xFFFFFEF7, lr;
	s5 =	simm.s32 $0xFFFFFFFF;
	p2 =	slt.u32 s8, $0xFFFFF086  }
0x1c: {  	p1 =	slt.u32 s9, $0xF7A;
	s5 =	simm.s32 @!p2 $0x0  }
0x1d: {  	s5 =	simm.s32 @p1 $0x1;
	p0 =	seq.s32 s7, s2  }
0x1e: {  	s7 =	smul.u32 @!p0 $0xF7A, s2;
	p2 =	seq.s32 @!p0 s5, $0x0  }
0x1f: {  	s9 =	smul.u32 $0xF7A, s1;
	s8 =	simm.s32 @!p0 $0x1BF5;
	p2 =	por !p2, p0  }
0x20: {  	[sflag:s8] =	ssyncset.s32 @!p0 $0xFFFFF086;
	s6 =	sadd.s32 @!p0 s3, s7;
	s7 =	simm.s32 @!p0 $0x108  }
0x21: {  	s3 =	sadd.s32 s3, s9;
	s6 =	sadd.s32 @!p0 $0x88, s6;
	s7 =	simm.s32 @p2 $0x1082  }
0x22: {  	[simem:s7], [sflag:s8] =	dma.local @!p0 [hbm:s6], $0xF7A  }
0x23: {  	s9 =	sor.u32 $0xD0000000, s2;
	s6 =	simm.s32 $0x108;
	_ =	swait.ge @!p0 [sflag:s8], $0x0  }
0x24: {  	s3 =	sadd.s32 $0x88, s3;
	s6 =	simm.s32 @!p1 $0x1082;
	[sflag:s4] =	ssyncset.s32 $0xFFFFF086  }
0x25: {  	[simem:s6], [sflag:s4] =	dma.local [hbm:s3], $0xF7A  }
0x26: {  	[smem:$0x3F98] =	sst s1;
	(tag) =	ssettag s2;
	_ =	strace s9  }
0x27: {  	s1 =	sld [smem:$0x3FA8]  }
0x28: {  	s2 =	sld [smem:$0x3FA9]  }
0x29: {  	s4 =	sld [smem:$0x3FAB]  }
0x2a: {  	p0 =	seq.s32 s5, $0x0;
	s5 =	sld [smem:$0x3FAC]  }
0x2b: {  	s6 =	sld [smem:$0x3FAD]  }
0x2c: {  	s7 =	sld [smem:$0x3FAE]  }
0x2d: {  	s3 =	simm.s32 $0x108;
	s8 =	sld [smem:$0x3FAF]  }
0x2e: {  	s3 =	simm.s32 @!p0 $0x1082;
	s9 =	sld [smem:$0x3FB0]  }
0x2f: {  	lr =	sadd.s32 s0, s3;
	s0 =	sld [smem:$0x3FA7]  }
0x30: {  	s3 =	sld [smem:$0x3FAA]  }
0x31: {  	[smem:$0x3FB3] =	sst s10  }
0x32: {  	s10 =	sld [smem:$0x3FB1];
	_ =	sdelay $0x3  }
0x33: {  	p0 =	seq.s32 s10, $0x1;
	s10 =	sld [smem:$0x3FB3];
	_ =	sdelay $0x3  }
0x34: {  	[smem:$0x3FB3] =	sst s10  }
0x35: {  	s10 =	sld [smem:$0x3FB2];
	_ =	sdelay $0x3  }
0x36: {  	p1 =	seq.s32 s10, $0x1;
	s10 =	sld [smem:$0x3FB3];
	_ =	sdelay $0x3  }
0x37: {  	[smem:$0x3FB3] =	sst s10  }
0x38: {  	s10 =	sld [smem:$0x3FB4]  }
0x39: {  	_ = 	snop;
	(pc) =	sbr.ind lr, $3  }
0x3a: {  	_ = 	snop  }
0x3b: {  	_ = 	snop  }
0x3c: {  	p2 =	seq.s32 s10, $0x1;
	s10 =	sld [smem:$0x3FB3]  }
0x3d: {  	_ =	shalt  }
0x3e: {  	_ =	shalt  }
0x3f: {  	_ =	shalt  }
0x40: {  	_ =	shalt  }
0x41: {  	_ =	shalt  }
0x42: {  	_ =	shalt  }
0x43: {  	_ =	shalt  }
0x44: {  	_ =	shalt  }
0x45: {  	_ =	shalt  }
0x46: {  	_ =	shalt  }
0x47: {  	_ =	shalt  }
0x48: {  	_ =	shalt  }
0x49: {  	_ =	shalt  }
0x4a: {  	_ =	shalt  }
0x4b: {  	_ =	shalt  }
0x4c: {  	_ =	shalt  }
0x4d: {  	_ =	shalt  }
0x4e: {  	_ =	shalt  }
0x4f: {  	_ =	shalt  }
0x50: {  	_ =	shalt  }
0x51: {  	_ =	shalt  }
0x52: {  	_ =	shalt  }
0x53: {  	_ =	shalt  }
0x54: {  	_ =	shalt  }
0x55: {  	_ =	shalt  }
0x56: {  	_ =	shalt  }
0x57: {  	_ =	shalt  }
0x58: {  	_ =	shalt  }
0x59: {  	_ =	shalt  }
0x5a: {  	_ =	shalt  }
0x5b: {  	_ =	shalt  }
0x5c: {  	_ =	shalt  }
0x5d: {  	_ =	shalt  }
0x5e: {  	_ =	shalt  }
0x5f: {  	_ =	shalt  }
0x60: {  	_ =	shalt  }
0x61: {  	_ =	shalt  }
0x62: {  	_ =	shalt  }
0x63: {  	_ =	shalt  }
0x64: {  	_ =	shalt  }
0x65: {  	_ =	shalt  }
0x66: {  	_ =	shalt  }
0x67: {  	_ =	shalt  }
0x68: {  	_ =	shalt  }
0x69: {  	_ =	shalt  }
0x6a: {  	_ =	shalt  }
0x6b: {  	_ =	shalt  }
0x6c: {  	_ =	shalt  }
0x6d: {  	_ =	shalt  }
0x6e: {  	_ =	shalt  }
0x6f: {  	_ =	shalt  }
0x70: {  	_ =	shalt  }
0x71: {  	_ =	shalt  }
0x72: {  	_ =	shalt  }
0x73: {  	_ =	shalt  }
0x74: {  	_ =	shalt  }
0x75: {  	_ =	shalt  }
0x76: {  	_ =	shalt  }
0x77: {  	_ =	shalt  }
0x78: {  	_ =	shalt  }
0x79: {  	_ =	shalt  }
0x7a: {  	_ =	shalt  }
0x7b: {  	_ =	shalt  }
0x7c: {  	_ =	shalt  }
0x7d: {  	_ =	shalt  }
0x7e: {  	_ =	shalt  }
0x7f: {  	_ =	shalt  }
0x80: {  	_ =	shalt  }
0x81: {  	_ =	shalt  }
0x82: {  	_ =	shalt  }
0x83: {  	_ =	shalt  }
0x84: {  	_ =	shalt  }
0x85: {  	_ =	shalt  }
0x86: {  	_ =	shalt  }
0x87: {  	_ =	shalt  }
.Lfunc_end0:
.L_simem_size_0:
called_computation.1_lowered:
.L_overlay_start_0:
0x88: {  	s2 =	sld [smem:$0x3FD9]  }
0x89: {  	s3 =	sld [smem:$0x3FFE];
	_ =	sdelay $0x1  }
0x8a: {  	s1 =	srdreg.scid  }
0x8b: {  	s0 =	sand.u32 $0x1, s1  }
0x8c: {  	s17 =	sshll.u32 s0, $0xA;
	s2 =	sadd.s32 s3, s2  }
0x8d: {  	s2 =	sadd.s32 s2, s17  }
0x8e: {  	[smem:$0x3FBF] =	sst s2  }
0x8f: {  	_ = 	snop  }
0x90: {  	s2 =	sld [smem:$0x3FD0];
	(tm) =	ssettm $0x1  }
0x91: {  	s18 =	sld [smem:$0x3FFB];
	_ =	sdelay $0x3  }
0x92: {  	_ =	strace s18  }
0x93: {  	s3 =	sld [smem:$0x3FFC];
	_ =	sdelay $0x3  }
0x94: {  	_ =	strace s3  }
0x95: {  	s3 =	sld [smem:$0x3FFD];
	_ =	sdelay $0x3  }
0x96: {  	_ =	strace s3  }
0x97: {  	_ =	strace $0x8FFFFFFF  }
0x98: {  	s19 =	sld [smem:$0x3FDB];
	_ =	sdelay $0x1  }
0x99: {  	s4 =	simm.s32 $_scs_section_size  }
0x9a: {  	s5 =	simm.s32 $_size__tile_overlayer_lowered;
	s6 =	simm.s32 $_tile_overlayer_lowered  }
0x9b: {  	s22 =	simm.s32 $0x1BFF;
	s21 =	sshll.u32 s6, $0x1;
	s3 =	sadd.s32 s4, s19  }
0x9c: {  	s7 =	simm.s32 $0x0;
	s20 =	sshll.u32 s5, $0x1;
	s5 =	sadd.s32 s21, s3  }
0x9d: {  	[timem:s7], [sflag:s22] =	dma.local [hbm:s5], s20  }
0x9e: {  	_ =	swait.ge [sflag:s22], s20  }
0x9f: {  	s4 =	ssub.s32 $0x0, s20;
	[sflag:s22] =	ssyncset.done $0x0  }
0xa0: {  	[sflag:s22] =	ssyncadd.s32 s4;
	_ =	sdelay $0x1  }
0xa1: {  	s23 =	simm.s32 $0x1B8B  }
0xa2: {  	_ =	swait.ge [sflag:s23], $0x1  }
0xa3: {  	[sflag:s23] =	ssyncset.done $0x0  }
0xa4: {  	s25 =	simm.s32 $0x1B8E;
	s24 =	sld [smem:$0x3FFE];
	[sflag:s23] =	ssyncadd.s32 $0xFFFFFFFF  }
0xa5: {  	s26 =	simm.s32 $execute0_lowered;
	[smem:$0x3FD2] =	sst s25  }
0xa6: {  	s5 =	sshll.u32 s26, $0x1;
	_ =	strace $0x80000049;
	[dreg:$0x1] =	wrdreg $0xFFFFFFFF  }
0xa7: {  	s28 =	simm.s32 $_size_execute0_lowered;
	s3 =	sadd.s32 s3, s5;
	[dreg:$0x0] =	wrdreg $0x0  }
0xa8: {  	s5 =	sshll.u32 s28, $0x1;
	[dreg:$0x2] =	wrdreg s3  }
0xa9: {  	[dreg:$0x3] =	wrdreg s5  }
0xaa: {  	[dreg:$0x4] =	wrdreg $0xC0  }
0xab: {  	_ =	task [dreg:s7], $0x5FFFF  }
0xac: {  	[dreg:$0x1] =	wrdreg $0xFFFFFFFF  }
0xad: {  	[dreg:$0x0] =	wrdreg $0x60  }
0xae: {  	[dreg:$0x2] =	wrdreg s24  }
0xaf: {  	[dreg:$0x3] =	wrdreg s2  }
0xb0: {  	[dreg:$0x4] =	wrdreg $0x83000  }
0xb1: {  	[dreg:$0x5] =	wrdreg $0x9  }
0xb2: {  	_ =	task.clear_ibuf [dreg:s7], $0x6FFFF;
	_ =	strace $0x90000049  }
0xb3: {  	s29 =	simm.s32 $0x9;
	_ =	strace $0x8000004B  }
0xb4: {  	_ =	swait.ge [sflag:s29], $0x1  }
0xb5: {  	[sflag:s29] =	ssyncadd.s32 $0xFFFFFFFF  }
0xb6: {  	_ =	strace $0x9000004B  }
0xb7: {  	_ =	sfence  }
0xb8: {  	s30 =	sld [smem:$0x0];
	_ =	sdelay $0x2  }
0xb9: {  	s31 =	sshll.u32 s1, $0xD;
	s1 =	sshrl.u32 s1, $0x2  }
0xba: {  	s3 =	sand.u32 $0x4000, s31;
	s1 =	sadd.s32 s1, s30  }
0xbb: {  	s0 =	sor.u32 s3, s0;
	s1 =	sshll.u32 s1, $0x11  }
0xbc: {  	s0 =	sor.u32 s1, s0  }
0xbd: {  	s0 =	sadd.s32 $0x8F2B, s0  }
0xbe: {  	[sflag:s0] =	ssyncadd.remote.s32 $0x1  }
0xbf: {  	_ =	sfence.sel $0xFFFF  }
0xc0: {  	[dreg:$0x0] =	wrdreg $0xFFFFFFFF;
	(pc) =	sbr.abs _section_cstart, $3  }
0xc1: {  	[dreg:$0x1] =	wrdreg $0xFFFFFFFF  }
0xc2: {  	_ =	task.clear_ibuf [dreg:s7], $0x2FFFF;
	_ =	strace $0x9FFFFFFF  }
0xc3: {  	(tm) =	ssettm $0x7FFFFFFF  }
tec
execute0_lowered:
.L_overlay_start_1:
0x0: {  	(tag) =	ssettag $0x1  }
0x1: {  	s0 =	rddreg [dreg:$0x0]  }
0x2: {  	s1 =	rddreg [dreg:$0x1]  }
0x3: {  	s2 =	rddreg [dreg:$0x2];
	s4 =	simm.s32 $0x0;
	s3 =	srdreg.scid  }
0x4: {  	s11 =	stileid.u32;
	s28 =	simm.s32 $0x4300;
	s29 =	simm.s32 $0x1  }
0x5: {  	s30 =	simm.s32 $0x200;
	s31 =	simm.s32 $0x5;
	s12 =	simm.s32 $0x2  }
0x6: {  	s13 =	simm.s32 $0x280;
	s3 =	sand.u32 $0x1, s3;
	s8 =	smul.u32 $0x14000, s11  }
0x7: {  	s14 =	simm.s32 $0xA;
	[smem:$0x7FF] =	sst s4;
	s7 =	smul.u32 $0x140000, s3  }
0x8: {  	s5 =	sadd.s32 $0xD200, s0;
	s6 =	sadd.s32 $0x2800, s0;
	s9 =	smul.u32 $0x50000, s3  }
0x9: {  	s3 =	ssub.s32 $0x2, s3;
	s8 =	sadd.s32 s8, s7;
	s7 =	smul.u32 $0x5000, s11  }
0xa: {  	_ =	strace $0x8000004A;
	s10 =	sshrl.u32 s3, $0x1;
	s11 =	smul.u32 $0x50000, s11  }
0xb: {  	s3 =	ssub.s32 s3, s10;
	s10 =	simm.s32 $0x0;
	s8 =	sshrl.u32 s8, $0x3  }
0xc: {  	s22 =	smax.u32 s3, $0x1;
	s0 =	sadd.s32 s8, s0;
	s18 =	sshrl.u32 s7, $0x3  }
0xd: {  	s8 =	sadd.s32 s7, s9;
	[dreg:$0xa] =	wrdreg s22;
	s20 =	sadd.s32 s6, s18  }
0xe: {  	s15 =	sshrl.u32 s11, $0x2;
	s0 =	sadd.s32 $0x6F400, s0;
	[dreg:$0x6] =	wrdreg s20  }
0xf: {  	s16 =	sshrl.u32 s8, $0x3;
	s17 =	sadd.s32 s15, s2;
	[dreg:$0x9] =	wrdreg s0  }
0x10: {  	s3 =	simm.s32 $0x3;
	s19 =	sadd.s32 s5, s16;
	[dreg:$0x4] =	wrdreg s17  }
0x11: {  	s22 =	simm.s32 $0x100;
	s21 =	sadd.s32 $0x10, s20;
	[dreg:$0x5] =	wrdreg s19  }
0x12: {  	s15 =	simm.s32 $0x4;
	s23 =	sadd.s32 $0x4000, s17;
	[dreg:$0x8] =	wrdreg s21  }
0x13: {  	s24 =	sadd.s32 $0x8000, s17;
	s25 =	sadd.s32 $0xC000, s17;
	[dreg:$0xb] =	wrdreg s23  }
.Ltmp0:
0x14: {  	s26 =	sadd.s32 $0x10000, s17;
	[dreg:$0xc] =	wrdreg s24;
	(pc) =	sbr.rel .LBB2_1-.Ltmp0, $4  }
0x15: {  	s20 =	simm.s32 $0x300;
	s0 =	simm.s32 $0x9;
	[dreg:$0xd] =	wrdreg s25  }
0x16: {  	s16 =	simm.s32 $0x7;
	s9 =	sadd.s32 $0x10, s19;
	[dreg:$0xe] =	wrdreg s26  }
0x17: {  	s21 =	simm.s32 $0xB;
	s23 =	simm.s32 $0x80;
	s24 =	simm.s32 $0x180  }
0x18: {  	v0 =	vimm.f32 $0.0e+00;
	s25 =	simm.s32 $0x6;
	s26 =	simm.s32 $0x8;
	[dreg:$0x7] =	wrdreg s9  }
.LBB2_6:
0x19: {  	_ =	swait.ge [sflag:s12], $0x4000  }
0x1a: {  	[sflag:s12] =	ssyncset.done $0x0  }
0x1b: {  	[sflag:s12] =	ssyncadd.s32 $0xFFFFC000  }
0x1c: {  	[spmem:s2] =	stream.indirect.scatter.add.f32 [tilespmem:s28], [sflag:$0x4], $0x80, s13, s23, $0xb8;
	[tilespmem:$0x1C300] =	vst v63  }
0x1d: {  	_ =	swait.ge [sflag:s3], $0x4000  }
0x1e: {  	[sflag:s3] =	ssyncset.done $0x0  }
0x1f: {  	[sflag:s3] =	ssyncadd.s32 $0xFFFFC000  }
0x20: {  	_ =	swait.ge [sflag:s15], $0x4000  }
0x21: {  	[sflag:s15] =	ssyncset.done $0x0  }
0x22: {  	[sflag:s15] =	ssyncadd.s32 $0xFFFFC000  }
0x23: {  	s9 =	stileid.u32;
	[bflag:$0x0] =	sbarrier.arrive $0xFFFF  }
0x24: {  	s9 =	sshll.u32 s9, $0x6;
	s17 =	rddreg [dreg:$0x4]  }
0x25: {  	s9 =	sor.u32 $0x1C0B, s9;
	s11 =	rddreg [dreg:$0x9];
	s10 =	sshrl.u32 s17, $0x3  }
0x26: {  	[hbm:s11], [sflag:s9] =	dma.local [spmem:s10], $0x2800  }
0x27: {  	_ =	swait.ge [sflag:s21], $0x2800  }
0x28: {  	s18 =	rddreg [dreg:$0xf]  }
0x29: {  	s19 =	rddreg [dreg:$0xa];
	s10 =	sadd.s32 $0x1, s18  }
0x2a: {  	p0 =	sne.s32 s10, s19  }
.Ltmp1:
0x2b: {  	_ = 	snop;
	(pc) =	sbr.rel @!p0 .LBB2_7-.Ltmp1, $3  }
0x2c: {  	_ =	sdelay $0x1  }
0x2d: {  	[sflag:s21] =	ssyncset.done $0x0  }
0x2e: {  	[sflag:s21] =	ssyncadd.s32 $0xFFFFD800  }
.LBB2_1:
0x2f: {  	s19 =	sand.u32 $0xFE00, s4  }
0x30: {  	[dreg:$0xf] =	wrdreg s10;
	s11 =	sand.u32 $0x70, s4;
	s18 =	sshrl.u32 s19, $0x2  }
0x31: {  	s10 =	simm.s32 $0x40;
	s11 =	sor.u32 s11, s18;
	s18 =	simm.s32 $0x0  }
.LBB2_2:
0x32: {  	p0 =	sne.s32 s10, $0xFFC0  }
0x33: {  	[tilespmem:s11+$0x300] =	vst v0;
	s18 =	sadd.s32 $0x10, s18;
	s11 =	smov.u32 s10;
	s10 =	sadd.s32 $0x40, s10  }
.Ltmp2:
0x34: {  	(pc) =	sbr.rel @p0 .LBB2_2-.Ltmp2, $4  }
0x35: {  	_ = 	snop  }
0x36: {  	s11 =	sand.u32 $0xFE00, s11  }
0x37: {  	s19 =	sand.u32 $0x70, s18;
	s11 =	sshrl.u32 s11, $0x2  }
0x38: {  	s11 =	sor.u32 s19, s11  }
0x39: {  	[tilespmem:s11+$0x300] =	vst v0  }
0x3a: {  	[spmem:s17] =	stream.linear.scatter [tilespmem:s20], [sflag:$0xB], $0x4000, $0x38;
	[tilespmem:$0x1C300] =	vst v63  }
0x3b: {  	_ =	swait.ge [sflag:s21], $0x4000  }
0x3c: {  	[sflag:s21] =	ssyncset.done $0x0  }
0x3d: {  	s9 =	rddreg [dreg:$0xb];
	[sflag:s21] =	ssyncadd.s32 $0xFFFFC000  }
0x3e: {  	[spmem:s9] =	stream.linear.scatter [tilespmem:s20], [sflag:$0xB], $0x4000, $0x38;
	[tilespmem:$0x1C300] =	vst v63  }
0x3f: {  	_ =	swait.ge [sflag:s21], $0x4000  }
0x40: {  	[sflag:s21] =	ssyncset.done $0x0  }
0x41: {  	s18 =	rddreg [dreg:$0xc];
	[sflag:s21] =	ssyncadd.s32 $0xFFFFC000  }
0x42: {  	[spmem:s18] =	stream.linear.scatter [tilespmem:s20], [sflag:$0xB], $0x4000, $0x38;
	[tilespmem:$0x1C300] =	vst v63  }
0x43: {  	_ =	swait.ge [sflag:s21], $0x4000  }
0x44: {  	[sflag:s21] =	ssyncset.done $0x0  }
0x45: {  	s19 =	rddreg [dreg:$0xd];
	[sflag:s21] =	ssyncadd.s32 $0xFFFFC000  }
0x46: {  	[spmem:s19] =	stream.linear.scatter [tilespmem:s20], [sflag:$0xB], $0x4000, $0x38;
	[tilespmem:$0x1C300] =	vst v63  }
0x47: {  	_ =	swait.ge [sflag:s21], $0x4000  }
0x48: {  	[sflag:s21] =	ssyncset.done $0x0  }
0x49: {  	s10 =	rddreg [dreg:$0xe];
	[sflag:s21] =	ssyncadd.s32 $0xFFFFC000  }
0x4a: {  	[spmem:s10] =	stream.linear.scatter [tilespmem:s20], [sflag:$0xB], $0x4000, $0x38;
	[tilespmem:$0x1C300] =	vst v63  }
0x4b: {  	_ =	swait.ge [sflag:s21], $0x4000  }
0x4c: {  	[sflag:s21] =	ssyncset.done $0x0  }
0x4d: {  	[sflag:s21] =	ssyncadd.s32 $0xFFFFC000  }
0x4e: {  	[bflag:$0x0] =	sbarrier.arrive $0xFFFF  }
0x4f: {  	s10 =	simm.s32 $0x0;
	s11 =	rddreg [dreg:$0x5]  }
0x50: {  	[tilespmem:s10], [sflag:$0xB] =	stream.linear.gather [hbm4b:s11+s10], $0x80, $0x38;
	[tilespmem:$0x1C300] =	vst v63  }
0x51: {  	_ =	swait.ge [sflag:s21], $0x80  }
0x52: {  	[sflag:s21] =	ssyncset.done $0x0  }
0x53: {  	s17 =	rddreg [dreg:$0x6];
	[sflag:s21] =	ssyncadd.s32 $0xFFFFFF80  }
0x54: {  	[tilespmem:s22], [sflag:$0xB] =	stream.linear.gather [hbm4b:s17+s10], $0x80, $0x38;
	[tilespmem:$0x1C300] =	vst v63  }
0x55: {  	_ =	swait.ge [sflag:s21], $0x80  }
0x56: {  	[sflag:s21] =	ssyncset.done $0x0  }
0x57: {  	[sflag:s21] =	ssyncadd.s32 $0xFFFFFF80  }
0x58: {  	[tilespmem:s20], [sflag:$0x1] =	stream.indirect.gather [hbm4b:s1+s23], $0x80, s10, s23, $0xb8;
	[tilespmem:$0x1C300] =	vst v63  }
0x59: {  	s18 =	rddreg [dreg:$0x7]  }
0x5a: {  	[tilespmem:s23], [sflag:$0x6] =	stream.linear.gather [hbm4b:s18+s10], $0x80, $0x38;
	[tilespmem:$0x1C300] =	vst v63  }
0x5b: {  	s19 =	rddreg [dreg:$0x8]  }
0x5c: {  	[tilespmem:s24], [sflag:$0x8] =	stream.linear.gather [hbm4b:s19+s10], $0x80, $0x38;
	[tilespmem:$0x1C300] =	vst v63  }
.LBB2_4:
0x5d: {  	_ =	swait.ge [sflag:s25], $0x80  }
0x5e: {  	[sflag:s25] =	ssyncset.done $0x0  }
0x5f: {  	[sflag:s25] =	ssyncadd.s32 $0xFFFFFF80  }
0x60: {  	_ =	swait.ge [sflag:s26], $0x80  }
0x61: {  	p0 =	seq.s32 s10, $0x0;
	[sflag:s26] =	ssyncset.done $0x0  }
0x62: {  	s11 =	simm.s32 @!p0 $0x4;
	[sflag:s26] =	ssyncadd.s32 $0xFFFFFF80  }
0x63: {  	_ =	swait.ge @!p0 [sflag:s11], $0x4000  }
0x64: {  	[sflag:s11] =	ssyncset.done @!p0 $0x0  }
0x65: {  	s18 =	sand.u32 $0x200, s10;
	[sflag:s11] =	ssyncadd.s32 @!p0 $0xFFFFC000;
	s11 =	sand.u32 $0x7C00, s10  }
0x66: {  	[tilespmem:s28], [sflag:$0x2] =	stream.indirect.gather [hbm4b:s1+s23], $0x80, s23, s23, $0xb8;
	[tilespmem:$0x1C300] =	vst v63  }
0x67: {  	s9 =	sor.u32 $0x100, s18;
	s19 =	sadd.s32 s8, s11;
	_ =	swait.ge [sflag:s29], $0x4000  }
0x68: {  	s11 =	sadd.s32 s7, s11;
	s17 =	sor.u32 s9, s19;
	[sflag:s29] =	ssyncset.done $0x0  }
0x69: {  	s9 =	sor.u32 s9, s11;
	s17 =	sshrl.u32 s17, $0x3;
	[sflag:s29] =	ssyncadd.s32 $0xFFFFC000  }
0x6a: {  	[spmem:s2] =	stream.indirect.scatter.add.f32 [tilespmem:s20], [sflag:$0x3], $0x80, s22, s23, $0xb8;
	[tilespmem:$0x1C300] =	vst v63  }
0x6b: {  	s9 =	sshrl.u32 s9, $0x3;
	s17 =	sadd.s32 s5, s17  }
0x6c: {  	[tilespmem:s4], [sflag:$0x5] =	stream.linear.gather [hbm4b:s17+s4], $0x80, $0x38;
	[tilespmem:$0x1C300] =	vst v63  }
0x6d: {  	s9 =	sadd.s32 s6, s9  }
0x6e: {  	[tilespmem:s30], [sflag:$0x9] =	stream.linear.gather [hbm4b:s9+s4], $0x80, $0x38;
	[tilespmem:$0x1C300] =	vst v63  }
0x6f: {  	_ =	swait.ge [sflag:s31], $0x80  }
0x70: {  	[sflag:s31] =	ssyncset.done $0x0  }
0x71: {  	[sflag:s31] =	ssyncadd.s32 $0xFFFFFF80  }
0x72: {  	_ =	swait.ge [sflag:s0], $0x80  }
0x73: {  	[sflag:s0] =	ssyncset.done $0x0  }
0x74: {  	[sflag:s0] =	ssyncadd.s32 $0xFFFFFF80  }
0x75: {  	_ =	swait.ge [sflag:s3], $0x4000  }
0x76: {  	[sflag:s3] =	ssyncset.done $0x0  }
0x77: {  	[sflag:s3] =	ssyncadd.s32 $0xFFFFC000  }
0x78: {  	[tilespmem:s20], [sflag:$0x1] =	stream.indirect.gather [hbm4b:s1+s23], $0x80, s4, s23, $0xb8;
	[tilespmem:$0x1C300] =	vst v63  }
0x79: {  	s18 =	sor.u32 $0x180, s18;
	_ =	swait.ge [sflag:s12], $0x4000  }
0x7a: {  	s19 =	sor.u32 s18, s19;
	[sflag:s12] =	ssyncset.done $0x0  }
0x7b: {  	s17 =	sshrl.u32 s19, $0x3;
	s9 =	sor.u32 s18, s11;
	[sflag:s12] =	ssyncadd.s32 $0xFFFFC000  }
0x7c: {  	[spmem:s2] =	stream.indirect.scatter.add.f32 [tilespmem:s28], [sflag:$0x4], $0x80, s24, s23, $0xb8;
	[tilespmem:$0x1C300] =	vst v63  }
0x7d: {  	s17 =	sadd.s32 s5, s17;
	s9 =	sshrl.u32 s9, $0x3  }
0x7e: {  	[tilespmem:s23], [sflag:$0x6] =	stream.linear.gather [hbm4b:s17+s4], $0x80, $0x38;
	[tilespmem:$0x1C300] =	vst v63  }
0x7f: {  	s9 =	sadd.s32 s6, s9  }
0x80: {  	[tilespmem:s13], [sflag:$0xA] =	stream.linear.gather [hbm4b:s9+s4], $0x80, $0x38;
	[tilespmem:$0x1C300] =	vst v63  }
0x81: {  	_ =	swait.ge [sflag:s25], $0x80  }
0x82: {  	[sflag:s25] =	ssyncset.done $0x0  }
0x83: {  	[sflag:s25] =	ssyncadd.s32 $0xFFFFFF80  }
0x84: {  	_ =	swait.ge [sflag:s14], $0x80  }
0x85: {  	[sflag:s14] =	ssyncset.done $0x0  }
0x86: {  	[sflag:s14] =	ssyncadd.s32 $0xFFFFFF80  }
0x87: {  	_ =	swait.ge [sflag:s15], $0x4000  }
0x88: {  	[sflag:s15] =	ssyncset.done $0x0  }
0x89: {  	p0 =	seq.s32 s10, $0x4E00;
	[sflag:s15] =	ssyncadd.s32 $0xFFFFC000  }
0x8a: {  	[tilespmem:s28], [sflag:$0x2] =	stream.indirect.gather [hbm4b:s1+s23], $0x80, s23, s23, $0xb8;
	[tilespmem:$0x1C300] =	vst v63  }
.Ltmp3:
0x8b: {  	_ = 	snop;
	(pc) =	sbr.rel @p0 .LBB2_6-.Ltmp3, $4  }
0x8c: {  	_ =	swait.ge [sflag:s29], $0x4000  }
0x8d: {  	[sflag:s29] =	ssyncset.done $0x0  }
0x8e: {  	[sflag:s29] =	ssyncadd.s32 $0xFFFFC000  }
0x8f: {  	[spmem:s2] =	stream.indirect.scatter.add.f32 [tilespmem:s20], [sflag:$0x3], $0x80, s30, s23, $0xb8;
	[tilespmem:$0x1C300] =	vst v63  }
0x90: {  	s9 =	sadd.s32 $0x200, s10  }
0x91: {  	s11 =	sand.u32 $0xFC00, s9  }
0x92: {  	s18 =	sand.u32 $0x200, s9;
	s17 =	sadd.s32 s8, s11  }
0x93: {  	s11 =	sadd.s32 s7, s11;
	s17 =	sor.u32 s18, s17  }
0x94: {  	s11 =	sor.u32 s18, s11;
	s17 =	sshrl.u32 s17, $0x3  }
0x95: {  	s11 =	sshrl.u32 s11, $0x3;
	s17 =	sadd.s32 s5, s17  }
0x96: {  	[tilespmem:s4], [sflag:$0x5] =	stream.linear.gather [hbm4b:s17+s4], $0x80, $0x38;
	[tilespmem:$0x1C300] =	vst v63  }
0x97: {  	s11 =	sadd.s32 s6, s11  }
0x98: {  	[tilespmem:s22], [sflag:$0x7] =	stream.linear.gather [hbm4b:s11+s4], $0x80, $0x38;
	[tilespmem:$0x1C300] =	vst v63  }
0x99: {  	_ =	swait.ge [sflag:s31], $0x80  }
0x9a: {  	[sflag:s31] =	ssyncset.done $0x0  }
0x9b: {  	[sflag:s31] =	ssyncadd.s32 $0xFFFFFF80  }
0x9c: {  	_ =	swait.ge [sflag:s16], $0x80  }
0x9d: {  	[sflag:s16] =	ssyncset.done $0x0  }
0x9e: {  	[sflag:s16] =	ssyncadd.s32 $0xFFFFFF80  }
0x9f: {  	_ =	swait.ge [sflag:s3], $0x4000  }
0xa0: {  	s17 =	sadd.s32 $0x280, s10;
	[sflag:s3] =	ssyncset.done $0x0  }
0xa1: {  	s18 =	sand.u32 $0xFC00, s17;
	[sflag:s3] =	ssyncadd.s32 $0xFFFFC000  }
0xa2: {  	[tilespmem:s20], [sflag:$0x1] =	stream.indirect.gather [hbm4b:s1+s23], $0x80, s4, s23, $0xb8;
	[tilespmem:$0x1C300] =	vst v63  }
0xa3: {  	s10 =	sand.u32 $0x280, s17;
	s19 =	sadd.s32 s8, s18;
	_ =	swait.ge [sflag:s12], $0x4000  }
0xa4: {  	s11 =	sadd.s32 s7, s18;
	s17 =	sor.u32 s10, s19;
	[sflag:s12] =	ssyncset.done $0x0  }
0xa5: {  	s10 =	sor.u32 s10, s11;
	s17 =	sshrl.u32 s17, $0x3;
	[sflag:s12] =	ssyncadd.s32 $0xFFFFC000  }
0xa6: {  	[spmem:s2] =	stream.indirect.scatter.add.f32 [tilespmem:s28], [sflag:$0x4], $0x80, s13, s23, $0xb8;
	[tilespmem:$0x1C300] =	vst v63  }
.Ltmp4:
0xa7: {  	s10 =	sshrl.u32 s10, $0x3;
	s17 =	sadd.s32 s5, s17;
	(pc) =	sbr.rel .LBB2_4-.Ltmp4, $4  }
0xa8: {  	[tilespmem:s23], [sflag:$0x6] =	stream.linear.gather [hbm4b:s17+s4], $0x80, $0x38;
	[tilespmem:$0x1C300] =	vst v63  }
0xa9: {  	s10 =	sadd.s32 s6, s10  }
0xaa: {  	[tilespmem:s24], [sflag:$0x8] =	stream.linear.gather [hbm4b:s10+s4], $0x80, $0x38;
	[tilespmem:$0x1C300] =	vst v63  }
0xab: {  	s10 =	smov.u32 s9  }
.LBB2_7:
0xac: {  	_ =	sfence.sel $0x180000  }
0xad: {  	[bflag:$0x0] =	sbarrier.arrive $0xFFFF  }
0xae: {  	_ =	strace $0x9000004A  }
0xaf: {  	s0 =	stileid.u32;
	[bflag:$0x2] =	sbarrier.arrive $0xFFFF  }
0xb0: {  	p0 =	sne.s32 s0, $0x0;
	s0 =	rddreg [dreg:$0x3]  }
0xb1: {  	s0 =	sadd.s32 @!p0 $0x100000, s0  }
0xb2: {  	[sflag:s0] =	ssyncadd.tile.s32 @!p0 $0x1;
	_ =	shalt  }
.Lfunc_end2:
_tile_overlayer_lowered:
.L_overlay_start_2:
0xb3: {  	(tag) =	ssettag $0x2  }
0xb4: {  	s0 =	rddreg [dreg:$0x0];
	s2 =	stileid.u32  }
0xb5: {  	s1 =	rddreg [dreg:$0x1];
	p0 =	sne.s32 s2, $0x0  }
0xb6: {  	s3 =	rddreg [dreg:$0x2];
	[bflag:$0x3] =	sbarrier.arrive $0xFFFF;
	s2 =	simm.s32 @!p0 $0x1C0B  }
0xb7: {  	[timem:s3], [sflag:s2] =	dma.local @!p0 [hbm:s0], s1  }
0xb8: {  	s0 =	simm.s32 @!p0 $0xB  }
0xb9: {  	_ =	swait.ge @!p0 [sflag:s0], s1  }
0xba: {  	s1 =	ssub.s32 @!p0 $0x0, s1;
	[sflag:s0] =	ssyncset.done @!p0 $0x0  }
0xbb: {  	[sflag:s0] =	ssyncadd.s32 @!p0 s1  }
0xbc: {  	[bflag:$0x3] =	sbarrier.arrive $0xFFFF  }
0xbd: {  	_ =	shalt  }

// kernel: kernel.14.cloned.1.call-start
scs
__scs_entry_jumppad:
0x0: {  	(pc) =	sbr.rel $0x88, $3  }
0x1: {  	(tag) =	ssettag $0x0;
	lr =	simm.s32 $0x1  }
0x2: {  	[smem:$0x3F98] =	sst lr;
	_ =	strace $0xD0000000  }
0x3: {  	_ = 	snop  }
0x4: {  	_ = 	snop  }
0x5: {  	_ = 	snop  }
0x6: {  	_ = 	snop  }
0x7: {  	_ = 	snop  }
__scs_overlays_trampoline_lowered:
0x8: {  	[smem:$0x3FA7] =	sst s0  }
0x9: {  	[smem:$0x3FA8] =	sst s1  }
0xa: {  	[smem:$0x3FA9] =	sst s2  }
0xb: {  	[smem:$0x3FAA] =	sst s3  }
0xc: {  	[smem:$0x3FAB] =	sst s4  }
0xd: {  	[smem:$0x3FAC] =	sst s5  }
0xe: {  	[smem:$0x3FAD] =	sst s6  }
0xf: {  	[smem:$0x3FAE] =	sst s7  }
0x10: {  	[smem:$0x3FAF] =	sst s8  }
0x11: {  	[smem:$0x3FB0] =	sst s9;
	s0 =	simm.s32 @!p0 $0x0  }
0x12: {  	s1 =	sld [smem:$0x3F96];
	s0 =	simm.s32 @p0 $0x1  }
0x13: {  	[smem:$0x3FB1] =	sst s0;
	s0 =	simm.s32 @!p1 $0x0  }
0x14: {  	s2 =	sld [smem:$0x3F95];
	s0 =	simm.s32 @p1 $0x1  }
0x15: {  	[smem:$0x3FB2] =	sst s0;
	s0 =	simm.s32 @!p2 $0x0  }
0x16: {  	s3 =	sld [smem:$0x3FDB];
	s0 =	simm.s32 @p2 $0x1  }
0x17: {  	s4 =	simm.s32 $0x1BF5;
	[smem:$0x3FB4] =	sst s0  }
0x18: {  	s0 =	sld [smem:$0x3F97];
	_ =	swait.ge [sflag:s4], $0x0  }
0x19: {  	s7 =	sld [smem:$0x3F98]  }
0x1a: {  	s8 =	sadd.s32 $0xFFFFE003, lr  }
0x1b: {  	s9 =	sadd.s32 $0xFFFFFEF7, lr;
	s5 =	simm.s32 $0xFFFFFFFF;
	p2 =	slt.u32 s8, $0xFFFFF086  }
0x1c: {  	p1 =	slt.u32 s9, $0xF7A;
	s5 =	simm.s32 @!p2 $0x0  }
0x1d: {  	s5 =	simm.s32 @p1 $0x1;
	p0 =	seq.s32 s7, s2  }
0x1e: {  	s7 =	smul.u32 @!p0 $0xF7A, s2;
	p2 =	seq.s32 @!p0 s5, $0x0  }
0x1f: {  	s9 =	smul.u32 $0xF7A, s1;
	s8 =	simm.s32 @!p0 $0x1BF5;
	p2 =	por !p2, p0  }
0x20: {  	[sflag:s8] =	ssyncset.s32 @!p0 $0xFFFFF086;
	s6 =	sadd.s32 @!p0 s3, s7;
	s7 =	simm.s32 @!p0 $0x108  }
0x21: {  	s3 =	sadd.s32 s3, s9;
	s6 =	sadd.s32 @!p0 $0x88, s6;
	s7 =	simm.s32 @p2 $0x1082  }
0x22: {  	[simem:s7], [sflag:s8] =	dma.local @!p0 [hbm:s6], $0xF7A  }
0x23: {  	s9 =	sor.u32 $0xD0000000, s2;
	s6 =	simm.s32 $0x108;
	_ =	swait.ge @!p0 [sflag:s8], $0x0  }
0x24: {  	s3 =	sadd.s32 $0x88, s3;
	s6 =	simm.s32 @!p1 $0x1082;
	[sflag:s4] =	ssyncset.s32 $0xFFFFF086  }
0x25: {  	[simem:s6], [sflag:s4] =	dma.local [hbm:s3], $0xF7A  }
0x26: {  	[smem:$0x3F98] =	sst s1;
	(tag) =	ssettag s2;
	_ =	strace s9  }
0x27: {  	s1 =	sld [smem:$0x3FA8]  }
0x28: {  	s2 =	sld [smem:$0x3FA9]  }
0x29: {  	s4 =	sld [smem:$0x3FAB]  }
0x2a: {  	p0 =	seq.s32 s5, $0x0;
	s5 =	sld [smem:$0x3FAC]  }
0x2b: {  	s6 =	sld [smem:$0x3FAD]  }
0x2c: {  	s7 =	sld [smem:$0x3FAE]  }
0x2d: {  	s3 =	simm.s32 $0x108;
	s8 =	sld [smem:$0x3FAF]  }
0x2e: {  	s3 =	simm.s32 @!p0 $0x1082;
	s9 =	sld [smem:$0x3FB0]  }
0x2f: {  	lr =	sadd.s32 s0, s3;
	s0 =	sld [smem:$0x3FA7]  }
0x30: {  	s3 =	sld [smem:$0x3FAA]  }
0x31: {  	[smem:$0x3FB3] =	sst s10  }
0x32: {  	s10 =	sld [smem:$0x3FB1];
	_ =	sdelay $0x3  }
0x33: {  	p0 =	seq.s32 s10, $0x1;
	s10 =	sld [smem:$0x3FB3];
	_ =	sdelay $0x3  }
0x34: {  	[smem:$0x3FB3] =	sst s10  }
0x35: {  	s10 =	sld [smem:$0x3FB2];
	_ =	sdelay $0x3  }
0x36: {  	p1 =	seq.s32 s10, $0x1;
	s10 =	sld [smem:$0x3FB3];
	_ =	sdelay $0x3  }
0x37: {  	[smem:$0x3FB3] =	sst s10  }
0x38: {  	s10 =	sld [smem:$0x3FB4]  }
0x39: {  	_ = 	snop;
	(pc) =	sbr.ind lr, $3  }
0x3a: {  	_ = 	snop  }
0x3b: {  	_ = 	snop  }
0x3c: {  	p2 =	seq.s32 s10, $0x1;
	s10 =	sld [smem:$0x3FB3]  }
0x3d: {  	_ =	shalt  }
0x3e: {  	_ =	shalt  }
0x3f: {  	_ =	shalt  }
0x40: {  	_ =	shalt  }
0x41: {  	_ =	shalt  }
0x42: {  	_ =	shalt  }
0x43: {  	_ =	shalt  }
0x44: {  	_ =	shalt  }
0x45: {  	_ =	shalt  }
0x46: {  	_ =	shalt  }
0x47: {  	_ =	shalt  }
0x48: {  	_ =	shalt  }
0x49: {  	_ =	shalt  }
0x4a: {  	_ =	shalt  }
0x4b: {  	_ =	shalt  }
0x4c: {  	_ =	shalt  }
0x4d: {  	_ =	shalt  }
0x4e: {  	_ =	shalt  }
0x4f: {  	_ =	shalt  }
0x50: {  	_ =	shalt  }
0x51: {  	_ =	shalt  }
0x52: {  	_ =	shalt  }
0x53: {  	_ =	shalt  }
0x54: {  	_ =	shalt  }
0x55: {  	_ =	shalt  }
0x56: {  	_ =	shalt  }
0x57: {  	_ =	shalt  }
0x58: {  	_ =	shalt  }
0x59: {  	_ =	shalt  }
0x5a: {  	_ =	shalt  }
0x5b: {  	_ =	shalt  }
0x5c: {  	_ =	shalt  }
0x5d: {  	_ =	shalt  }
0x5e: {  	_ =	shalt  }
0x5f: {  	_ =	shalt  }
0x60: {  	_ =	shalt  }
0x61: {  	_ =	shalt  }
0x62: {  	_ =	shalt  }
0x63: {  	_ =	shalt  }
0x64: {  	_ =	shalt  }
0x65: {  	_ =	shalt  }
0x66: {  	_ =	shalt  }
0x67: {  	_ =	shalt  }
0x68: {  	_ =	shalt  }
0x69: {  	_ =	shalt  }
0x6a: {  	_ =	shalt  }
0x6b: {  	_ =	shalt  }
0x6c: {  	_ =	shalt  }
0x6d: {  	_ =	shalt  }
0x6e: {  	_ =	shalt  }
0x6f: {  	_ =	shalt  }
0x70: {  	_ =	shalt  }
0x71: {  	_ =	shalt  }
0x72: {  	_ =	shalt  }
0x73: {  	_ =	shalt  }
0x74: {  	_ =	shalt  }
0x75: {  	_ =	shalt  }
0x76: {  	_ =	shalt  }
0x77: {  	_ =	shalt  }
0x78: {  	_ =	shalt  }
0x79: {  	_ =	shalt  }
0x7a: {  	_ =	shalt  }
0x7b: {  	_ =	shalt  }
0x7c: {  	_ =	shalt  }
0x7d: {  	_ =	shalt  }
0x7e: {  	_ =	shalt  }
0x7f: {  	_ =	shalt  }
0x80: {  	_ =	shalt  }
0x81: {  	_ =	shalt  }
0x82: {  	_ =	shalt  }
0x83: {  	_ =	shalt  }
0x84: {  	_ =	shalt  }
0x85: {  	_ =	shalt  }
0x86: {  	_ =	shalt  }
0x87: {  	_ =	shalt  }
.Lfunc_end0:
.L_simem_size_0:
called_computation.2_lowered:
.L_overlay_start_0:
0x88: {  	s2 =	sld [smem:$0x3FD9]  }
0x89: {  	s3 =	sld [smem:$0x3FFE];
	_ =	sdelay $0x1  }
0x8a: {  	s1 =	srdreg.scid  }
0x8b: {  	s0 =	sand.u32 $0x1, s1  }
0x8c: {  	s17 =	sshll.u32 s0, $0xA;
	s2 =	sadd.s32 s3, s2  }
0x8d: {  	s2 =	sadd.s32 s2, s17  }
0x8e: {  	[smem:$0x3FBF] =	sst s2  }
0x8f: {  	_ = 	snop  }
0x90: {  	s2 =	sld [smem:$0x3FD0];
	(tm) =	ssettm $0x1  }
0x91: {  	s18 =	sld [smem:$0x3FFB];
	_ =	sdelay $0x3  }
0x92: {  	_ =	strace s18  }
0x93: {  	s3 =	sld [smem:$0x3FFC];
	_ =	sdelay $0x3  }
0x94: {  	_ =	strace s3  }
0x95: {  	s3 =	sld [smem:$0x3FFD];
	_ =	sdelay $0x3  }
0x96: {  	_ =	strace s3  }
0x97: {  	_ =	strace $0x8FFFFFFF  }
0x98: {  	s19 =	sld [smem:$0x3FDB];
	_ =	sdelay $0x1  }
0x99: {  	s4 =	simm.s32 $_scs_section_size  }
0x9a: {  	s5 =	simm.s32 $_size__tile_overlayer_lowered;
	s6 =	simm.s32 $_tile_overlayer_lowered  }
0x9b: {  	s22 =	simm.s32 $0x1BFF;
	s21 =	sshll.u32 s6, $0x1;
	s3 =	sadd.s32 s4, s19  }
0x9c: {  	s7 =	simm.s32 $0x0;
	s20 =	sshll.u32 s5, $0x1;
	s5 =	sadd.s32 s21, s3  }
0x9d: {  	[timem:s7], [sflag:s22] =	dma.local [hbm:s5], s20  }
0x9e: {  	_ =	swait.ge [sflag:s22], s20  }
0x9f: {  	s4 =	ssub.s32 $0x0, s20;
	[sflag:s22] =	ssyncset.done $0x0  }
0xa0: {  	[sflag:s22] =	ssyncadd.s32 s4;
	_ =	sdelay $0x1  }
0xa1: {  	s23 =	simm.s32 $0x1B8B  }
0xa2: {  	_ =	swait.ge [sflag:s23], $0x1  }
0xa3: {  	[sflag:s23] =	ssyncset.done $0x0  }
0xa4: {  	s25 =	simm.s32 $0x1B8E;
	s24 =	sld [smem:$0x3FFE];
	[sflag:s23] =	ssyncadd.s32 $0xFFFFFFFF  }
0xa5: {  	s26 =	simm.s32 $execute0_lowered;
	[smem:$0x3FD2] =	sst s25  }
0xa6: {  	s5 =	sshll.u32 s26, $0x1;
	_ =	strace $0x8000004C;
	[dreg:$0x1] =	wrdreg $0xFFFFFFFF  }
0xa7: {  	s28 =	simm.s32 $_size_execute0_lowered;
	s3 =	sadd.s32 s3, s5;
	[dreg:$0x0] =	wrdreg $0x0  }
0xa8: {  	s5 =	sshll.u32 s28, $0x1;
	[dreg:$0x2] =	wrdreg s3  }
0xa9: {  	[dreg:$0x3] =	wrdreg s5  }
0xaa: {  	[dreg:$0x4] =	wrdreg $0xC0  }
0xab: {  	_ =	task [dreg:s7], $0x5FFFF  }
0xac: {  	[dreg:$0x1] =	wrdreg $0xFFFFFFFF  }
0xad: {  	[dreg:$0x0] =	wrdreg $0x60  }
0xae: {  	[dreg:$0x2] =	wrdreg s24  }
0xaf: {  	[dreg:$0x3] =	wrdreg s2  }
0xb0: {  	[dreg:$0x4] =	wrdreg $0x83000  }
0xb1: {  	[dreg:$0x5] =	wrdreg $0x9  }
0xb2: {  	_ =	task.clear_ibuf [dreg:s7], $0x6FFFF;
	_ =	strace $0x9000004C  }
0xb3: {  	s29 =	simm.s32 $0x9;
	_ =	strace $0x8000004E  }
0xb4: {  	_ =	swait.ge [sflag:s29], $0x1  }
0xb5: {  	[sflag:s29] =	ssyncadd.s32 $0xFFFFFFFF  }
0xb6: {  	_ =	strace $0x9000004E  }
0xb7: {  	_ =	sfence  }
0xb8: {  	s30 =	sld [smem:$0x0];
	_ =	sdelay $0x2  }
0xb9: {  	s31 =	sshll.u32 s1, $0xD;
	s1 =	sshrl.u32 s1, $0x2  }
0xba: {  	s3 =	sand.u32 $0x4000, s31;
	s1 =	sadd.s32 s1, s30  }
0xbb: {  	s0 =	sor.u32 s3, s0;
	s1 =	sshll.u32 s1, $0x11  }
0xbc: {  	s0 =	sor.u32 s1, s0  }
0xbd: {  	s0 =	sadd.s32 $0x8F2B, s0  }
0xbe: {  	[sflag:s0] =	ssyncadd.remote.s32 $0x1  }
0xbf: {  	_ =	sfence.sel $0xFFFF  }
0xc0: {  	[dreg:$0x0] =	wrdreg $0xFFFFFFFF;
	(pc) =	sbr.abs _section_cstart, $3  }
0xc1: {  	[dreg:$0x1] =	wrdreg $0xFFFFFFFF  }
0xc2: {  	_ =	task.clear_ibuf [dreg:s7], $0x2FFFF;
	_ =	strace $0x9FFFFFFF  }
0xc3: {  	(tm) =	ssettm $0x7FFFFFFF  }
tec
execute0_lowered:
.L_overlay_start_1:
0x0: {  	(tag) =	ssettag $0x1  }
0x1: {  	s0 =	rddreg [dreg:$0x0]  }
0x2: {  	s1 =	rddreg [dreg:$0x1]  }
0x3: {  	s2 =	rddreg [dreg:$0x2];
	s4 =	simm.s32 $0x0;
	s3 =	srdreg.scid  }
0x4: {  	s11 =	stileid.u32;
	s28 =	simm.s32 $0x4300;
	s29 =	simm.s32 $0x1  }
0x5: {  	s30 =	simm.s32 $0x200;
	s31 =	simm.s32 $0x5;
	s12 =	simm.s32 $0x2  }
0x6: {  	s13 =	simm.s32 $0x280;
	s3 =	sand.u32 $0x1, s3;
	s8 =	smul.u32 $0x14000, s11  }
0x7: {  	s14 =	simm.s32 $0xA;
	[smem:$0x7FF] =	sst s4;
	s7 =	smul.u32 $0x140000, s3  }
0x8: {  	s5 =	sadd.s32 $0xD200, s0;
	s6 =	sadd.s32 $0x2800, s0;
	s9 =	smul.u32 $0x50000, s3  }
0x9: {  	s3 =	ssub.s32 $0x2, s3;
	s8 =	sadd.s32 s8, s7;
	s7 =	smul.u32 $0x5000, s11  }
0xa: {  	_ =	strace $0x8000004D;
	s10 =	sshrl.u32 s3, $0x1;
	s11 =	smul.u32 $0x50000, s11  }
0xb: {  	s3 =	ssub.s32 s3, s10;
	s10 =	simm.s32 $0x0;
	s8 =	sshrl.u32 s8, $0x3  }
0xc: {  	s22 =	smax.u32 s3, $0x1;
	s0 =	sadd.s32 s8, s0;
	s18 =	sshrl.u32 s7, $0x3  }
0xd: {  	s8 =	sadd.s32 s7, s9;
	[dreg:$0xa] =	wrdreg s22;
	s20 =	sadd.s32 s6, s18  }
0xe: {  	s15 =	sshrl.u32 s11, $0x2;
	s0 =	sadd.s32 $0x21200, s0;
	[dreg:$0x6] =	wrdreg s20  }
0xf: {  	s16 =	sshrl.u32 s8, $0x3;
	s17 =	sadd.s32 s15, s2;
	[dreg:$0x9] =	wrdreg s0  }
0x10: {  	s3 =	simm.s32 $0x3;
	s19 =	sadd.s32 s5, s16;
	[dreg:$0x4] =	wrdreg s17  }
0x11: {  	s22 =	simm.s32 $0x100;
	s21 =	sadd.s32 $0x10, s20;
	[dreg:$0x5] =	wrdreg s19  }
0x12: {  	s15 =	simm.s32 $0x4;
	s23 =	sadd.s32 $0x4000, s17;
	[dreg:$0x8] =	wrdreg s21  }
0x13: {  	s24 =	sadd.s32 $0x8000, s17;
	s25 =	sadd.s32 $0xC000, s17;
	[dreg:$0xb] =	wrdreg s23  }
.Ltmp0:
0x14: {  	s26 =	sadd.s32 $0x10000, s17;
	[dreg:$0xc] =	wrdreg s24;
	(pc) =	sbr.rel .LBB2_1-.Ltmp0, $4  }
0x15: {  	s20 =	simm.s32 $0x300;
	s0 =	simm.s32 $0x9;
	[dreg:$0xd] =	wrdreg s25  }
0x16: {  	s16 =	simm.s32 $0x7;
	s9 =	sadd.s32 $0x10, s19;
	[dreg:$0xe] =	wrdreg s26  }
0x17: {  	s21 =	simm.s32 $0xB;
	s23 =	simm.s32 $0x80;
	s24 =	simm.s32 $0x180  }
0x18: {  	v0 =	vimm.f32 $0.0e+00;
	s25 =	simm.s32 $0x6;
	s26 =	simm.s32 $0x8;
	[dreg:$0x7] =	wrdreg s9  }
.LBB2_6:
0x19: {  	_ =	swait.ge [sflag:s12], $0x4000  }
0x1a: {  	[sflag:s12] =	ssyncset.done $0x0  }
0x1b: {  	[sflag:s12] =	ssyncadd.s32 $0xFFFFC000  }
0x1c: {  	[spmem:s2] =	stream.indirect.scatter.add.f32 [tilespmem:s28], [sflag:$0x4], $0x80, s13, s23, $0xb8;
	[tilespmem:$0x1C300] =	vst v63  }
0x1d: {  	_ =	swait.ge [sflag:s3], $0x4000  }
0x1e: {  	[sflag:s3] =	ssyncset.done $0x0  }
0x1f: {  	[sflag:s3] =	ssyncadd.s32 $0xFFFFC000  }
0x20: {  	_ =	swait.ge [sflag:s15], $0x4000  }
0x21: {  	[sflag:s15] =	ssyncset.done $0x0  }
0x22: {  	[sflag:s15] =	ssyncadd.s32 $0xFFFFC000  }
0x23: {  	s9 =	stileid.u32;
	[bflag:$0x0] =	sbarrier.arrive $0xFFFF  }
0x24: {  	s9 =	sshll.u32 s9, $0x6;
	s17 =	rddreg [dreg:$0x4]  }
0x25: {  	s9 =	sor.u32 $0x1C0B, s9;
	s11 =	rddreg [dreg:$0x9];
	s10 =	sshrl.u32 s17, $0x3  }
0x26: {  	[hbm:s11], [sflag:s9] =	dma.local [spmem:s10], $0x2800  }
0x27: {  	_ =	swait.ge [sflag:s21], $0x2800  }
0x28: {  	s18 =	rddreg [dreg:$0xf]  }
0x29: {  	s19 =	rddreg [dreg:$0xa];
	s10 =	sadd.s32 $0x1, s18  }
0x2a: {  	p0 =	sne.s32 s10, s19  }
.Ltmp1:
0x2b: {  	_ = 	snop;
	(pc) =	sbr.rel @!p0 .LBB2_7-.Ltmp1, $3  }
0x2c: {  	_ =	sdelay $0x1  }
0x2d: {  	[sflag:s21] =	ssyncset.done $0x0  }
0x2e: {  	[sflag:s21] =	ssyncadd.s32 $0xFFFFD800  }
.LBB2_1:
0x2f: {  	s19 =	sand.u32 $0xFE00, s4  }
0x30: {  	[dreg:$0xf] =	wrdreg s10;
	s11 =	sand.u32 $0x70, s4;
	s18 =	sshrl.u32 s19, $0x2  }
0x31: {  	s10 =	simm.s32 $0x40;
	s11 =	sor.u32 s11, s18;
	s18 =	simm.s32 $0x0  }
.LBB2_2:
0x32: {  	p0 =	sne.s32 s10, $0xFFC0  }
0x33: {  	[tilespmem:s11+$0x300] =	vst v0;
	s18 =	sadd.s32 $0x10, s18;
	s11 =	smov.u32 s10;
	s10 =	sadd.s32 $0x40, s10  }
.Ltmp2:
0x34: {  	(pc) =	sbr.rel @p0 .LBB2_2-.Ltmp2, $4  }
0x35: {  	_ = 	snop  }
0x36: {  	s11 =	sand.u32 $0xFE00, s11  }
0x37: {  	s19 =	sand.u32 $0x70, s18;
	s11 =	sshrl.u32 s11, $0x2  }
0x38: {  	s11 =	sor.u32 s19, s11  }
0x39: {  	[tilespmem:s11+$0x300] =	vst v0  }
0x3a: {  	[spmem:s17] =	stream.linear.scatter [tilespmem:s20], [sflag:$0xB], $0x4000, $0x38;
	[tilespmem:$0x1C300] =	vst v63  }
0x3b: {  	_ =	swait.ge [sflag:s21], $0x4000  }
0x3c: {  	[sflag:s21] =	ssyncset.done $0x0  }
0x3d: {  	s9 =	rddreg [dreg:$0xb];
	[sflag:s21] =	ssyncadd.s32 $0xFFFFC000  }
0x3e: {  	[spmem:s9] =	stream.linear.scatter [tilespmem:s20], [sflag:$0xB], $0x4000, $0x38;
	[tilespmem:$0x1C300] =	vst v63  }
0x3f: {  	_ =	swait.ge [sflag:s21], $0x4000  }
0x40: {  	[sflag:s21] =	ssyncset.done $0x0  }
0x41: {  	s18 =	rddreg [dreg:$0xc];
	[sflag:s21] =	ssyncadd.s32 $0xFFFFC000  }
0x42: {  	[spmem:s18] =	stream.linear.scatter [tilespmem:s20], [sflag:$0xB], $0x4000, $0x38;
	[tilespmem:$0x1C300] =	vst v63  }
0x43: {  	_ =	swait.ge [sflag:s21], $0x4000  }
0x44: {  	[sflag:s21] =	ssyncset.done $0x0  }
0x45: {  	s19 =	rddreg [dreg:$0xd];
	[sflag:s21] =	ssyncadd.s32 $0xFFFFC000  }
0x46: {  	[spmem:s19] =	stream.linear.scatter [tilespmem:s20], [sflag:$0xB], $0x4000, $0x38;
	[tilespmem:$0x1C300] =	vst v63  }
0x47: {  	_ =	swait.ge [sflag:s21], $0x4000  }
0x48: {  	[sflag:s21] =	ssyncset.done $0x0  }
0x49: {  	s10 =	rddreg [dreg:$0xe];
	[sflag:s21] =	ssyncadd.s32 $0xFFFFC000  }
0x4a: {  	[spmem:s10] =	stream.linear.scatter [tilespmem:s20], [sflag:$0xB], $0x4000, $0x38;
	[tilespmem:$0x1C300] =	vst v63  }
0x4b: {  	_ =	swait.ge [sflag:s21], $0x4000  }
0x4c: {  	[sflag:s21] =	ssyncset.done $0x0  }
0x4d: {  	[sflag:s21] =	ssyncadd.s32 $0xFFFFC000  }
0x4e: {  	[bflag:$0x0] =	sbarrier.arrive $0xFFFF  }
0x4f: {  	s10 =	simm.s32 $0x0;
	s11 =	rddreg [dreg:$0x5]  }
0x50: {  	[tilespmem:s10], [sflag:$0xB] =	stream.linear.gather [hbm4b:s11+s10], $0x80, $0x38;
	[tilespmem:$0x1C300] =	vst v63  }
0x51: {  	_ =	swait.ge [sflag:s21], $0x80  }
0x52: {  	[sflag:s21] =	ssyncset.done $0x0  }
0x53: {  	s17 =	rddreg [dreg:$0x6];
	[sflag:s21] =	ssyncadd.s32 $0xFFFFFF80  }
0x54: {  	[tilespmem:s22], [sflag:$0xB] =	stream.linear.gather [hbm4b:s17+s10], $0x80, $0x38;
	[tilespmem:$0x1C300] =	vst v63  }
0x55: {  	_ =	swait.ge [sflag:s21], $0x80  }
0x56: {  	[sflag:s21] =	ssyncset.done $0x0  }
0x57: {  	[sflag:s21] =	ssyncadd.s32 $0xFFFFFF80  }
0x58: {  	[tilespmem:s20], [sflag:$0x1] =	stream.indirect.gather [hbm4b:s1+s23], $0x80, s10, s23, $0xb8;
	[tilespmem:$0x1C300] =	vst v63  }
0x59: {  	s18 =	rddreg [dreg:$0x7]  }
0x5a: {  	[tilespmem:s23], [sflag:$0x6] =	stream.linear.gather [hbm4b:s18+s10], $0x80, $0x38;
	[tilespmem:$0x1C300] =	vst v63  }
0x5b: {  	s19 =	rddreg [dreg:$0x8]  }
0x5c: {  	[tilespmem:s24], [sflag:$0x8] =	stream.linear.gather [hbm4b:s19+s10], $0x80, $0x38;
	[tilespmem:$0x1C300] =	vst v63  }
.LBB2_4:
0x5d: {  	_ =	swait.ge [sflag:s25], $0x80  }
0x5e: {  	[sflag:s25] =	ssyncset.done $0x0  }
0x5f: {  	[sflag:s25] =	ssyncadd.s32 $0xFFFFFF80  }
0x60: {  	_ =	swait.ge [sflag:s26], $0x80  }
0x61: {  	p0 =	seq.s32 s10, $0x0;
	[sflag:s26] =	ssyncset.done $0x0  }
0x62: {  	s11 =	simm.s32 @!p0 $0x4;
	[sflag:s26] =	ssyncadd.s32 $0xFFFFFF80  }
0x63: {  	_ =	swait.ge @!p0 [sflag:s11], $0x4000  }
0x64: {  	[sflag:s11] =	ssyncset.done @!p0 $0x0  }
0x65: {  	s18 =	sand.u32 $0x200, s10;
	[sflag:s11] =	ssyncadd.s32 @!p0 $0xFFFFC000;
	s11 =	sand.u32 $0x7C00, s10  }
0x66: {  	[tilespmem:s28], [sflag:$0x2] =	stream.indirect.gather [hbm4b:s1+s23], $0x80, s23, s23, $0xb8;
	[tilespmem:$0x1C300] =	vst v63  }
0x67: {  	s9 =	sor.u32 $0x100, s18;
	s19 =	sadd.s32 s8, s11;
	_ =	swait.ge [sflag:s29], $0x4000  }
0x68: {  	s11 =	sadd.s32 s7, s11;
	s17 =	sor.u32 s9, s19;
	[sflag:s29] =	ssyncset.done $0x0  }
0x69: {  	s9 =	sor.u32 s9, s11;
	s17 =	sshrl.u32 s17, $0x3;
	[sflag:s29] =	ssyncadd.s32 $0xFFFFC000  }
0x6a: {  	[spmem:s2] =	stream.indirect.scatter.add.f32 [tilespmem:s20], [sflag:$0x3], $0x80, s22, s23, $0xb8;
	[tilespmem:$0x1C300] =	vst v63  }
0x6b: {  	s9 =	sshrl.u32 s9, $0x3;
	s17 =	sadd.s32 s5, s17  }
0x6c: {  	[tilespmem:s4], [sflag:$0x5] =	stream.linear.gather [hbm4b:s17+s4], $0x80, $0x38;
	[tilespmem:$0x1C300] =	vst v63  }
0x6d: {  	s9 =	sadd.s32 s6, s9  }
0x6e: {  	[tilespmem:s30], [sflag:$0x9] =	stream.linear.gather [hbm4b:s9+s4], $0x80, $0x38;
	[tilespmem:$0x1C300] =	vst v63  }
0x6f: {  	_ =	swait.ge [sflag:s31], $0x80  }
0x70: {  	[sflag:s31] =	ssyncset.done $0x0  }
0x71: {  	[sflag:s31] =	ssyncadd.s32 $0xFFFFFF80  }
0x72: {  	_ =	swait.ge [sflag:s0], $0x80  }
0x73: {  	[sflag:s0] =	ssyncset.done $0x0  }
0x74: {  	[sflag:s0] =	ssyncadd.s32 $0xFFFFFF80  }
0x75: {  	_ =	swait.ge [sflag:s3], $0x4000  }
0x76: {  	[sflag:s3] =	ssyncset.done $0x0  }
0x77: {  	[sflag:s3] =	ssyncadd.s32 $0xFFFFC000  }
0x78: {  	[tilespmem:s20], [sflag:$0x1] =	stream.indirect.gather [hbm4b:s1+s23], $0x80, s4, s23, $0xb8;
	[tilespmem:$0x1C300] =	vst v63  }
0x79: {  	s18 =	sor.u32 $0x180, s18;
	_ =	swait.ge [sflag:s12], $0x4000  }
0x7a: {  	s19 =	sor.u32 s18, s19;
	[sflag:s12] =	ssyncset.done $0x0  }
0x7b: {  	s17 =	sshrl.u32 s19, $0x3;
	s9 =	sor.u32 s18, s11;
	[sflag:s12] =	ssyncadd.s32 $0xFFFFC000  }
0x7c: {  	[spmem:s2] =	stream.indirect.scatter.add.f32 [tilespmem:s28], [sflag:$0x4], $0x80, s24, s23, $0xb8;
	[tilespmem:$0x1C300] =	vst v63  }
0x7d: {  	s17 =	sadd.s32 s5, s17;
	s9 =	sshrl.u32 s9, $0x3  }
0x7e: {  	[tilespmem:s23], [sflag:$0x6] =	stream.linear.gather [hbm4b:s17+s4], $0x80, $0x38;
	[tilespmem:$0x1C300] =	vst v63  }
0x7f: {  	s9 =	sadd.s32 s6, s9  }
0x80: {  	[tilespmem:s13], [sflag:$0xA] =	stream.linear.gather [hbm4b:s9+s4], $0x80, $0x38;
	[tilespmem:$0x1C300] =	vst v63  }
0x81: {  	_ =	swait.ge [sflag:s25], $0x80  }
0x82: {  	[sflag:s25] =	ssyncset.done $0x0  }
0x83: {  	[sflag:s25] =	ssyncadd.s32 $0xFFFFFF80  }
0x84: {  	_ =	swait.ge [sflag:s14], $0x80  }
0x85: {  	[sflag:s14] =	ssyncset.done $0x0  }
0x86: {  	[sflag:s14] =	ssyncadd.s32 $0xFFFFFF80  }
0x87: {  	_ =	swait.ge [sflag:s15], $0x4000  }
0x88: {  	[sflag:s15] =	ssyncset.done $0x0  }
0x89: {  	p0 =	seq.s32 s10, $0x4E00;
	[sflag:s15] =	ssyncadd.s32 $0xFFFFC000  }
0x8a: {  	[tilespmem:s28], [sflag:$0x2] =	stream.indirect.gather [hbm4b:s1+s23], $0x80, s23, s23, $0xb8;
	[tilespmem:$0x1C300] =	vst v63  }
.Ltmp3:
0x8b: {  	_ = 	snop;
	(pc) =	sbr.rel @p0 .LBB2_6-.Ltmp3, $4  }
0x8c: {  	_ =	swait.ge [sflag:s29], $0x4000  }
0x8d: {  	[sflag:s29] =	ssyncset.done $0x0  }
0x8e: {  	[sflag:s29] =	ssyncadd.s32 $0xFFFFC000  }
0x8f: {  	[spmem:s2] =	stream.indirect.scatter.add.f32 [tilespmem:s20], [sflag:$0x3], $0x80, s30, s23, $0xb8;
	[tilespmem:$0x1C300] =	vst v63  }
0x90: {  	s9 =	sadd.s32 $0x200, s10  }
0x91: {  	s11 =	sand.u32 $0xFC00, s9  }
0x92: {  	s18 =	sand.u32 $0x200, s9;
	s17 =	sadd.s32 s8, s11  }
0x93: {  	s11 =	sadd.s32 s7, s11;
	s17 =	sor.u32 s18, s17  }
0x94: {  	s11 =	sor.u32 s18, s11;
	s17 =	sshrl.u32 s17, $0x3  }
0x95: {  	s11 =	sshrl.u32 s11, $0x3;
	s17 =	sadd.s32 s5, s17  }
0x96: {  	[tilespmem:s4], [sflag:$0x5] =	stream.linear.gather [hbm4b:s17+s4], $0x80, $0x38;
	[tilespmem:$0x1C300] =	vst v63  }
0x97: {  	s11 =	sadd.s32 s6, s11  }
0x98: {  	[tilespmem:s22], [sflag:$0x7] =	stream.linear.gather [hbm4b:s11+s4], $0x80, $0x38;
	[tilespmem:$0x1C300] =	vst v63  }
0x99: {  	_ =	swait.ge [sflag:s31], $0x80  }
0x9a: {  	[sflag:s31] =	ssyncset.done $0x0  }
0x9b: {  	[sflag:s31] =	ssyncadd.s32 $0xFFFFFF80  }
0x9c: {  	_ =	swait.ge [sflag:s16], $0x80  }
0x9d: {  	[sflag:s16] =	ssyncset.done $0x0  }
0x9e: {  	[sflag:s16] =	ssyncadd.s32 $0xFFFFFF80  }
0x9f: {  	_ =	swait.ge [sflag:s3], $0x4000  }
0xa0: {  	s17 =	sadd.s32 $0x280, s10;
	[sflag:s3] =	ssyncset.done $0x0  }
0xa1: {  	s18 =	sand.u32 $0xFC00, s17;
	[sflag:s3] =	ssyncadd.s32 $0xFFFFC000  }
0xa2: {  	[tilespmem:s20], [sflag:$0x1] =	stream.indirect.gather [hbm4b:s1+s23], $0x80, s4, s23, $0xb8;
	[tilespmem:$0x1C300] =	vst v63  }
0xa3: {  	s10 =	sand.u32 $0x280, s17;
	s19 =	sadd.s32 s8, s18;
	_ =	swait.ge [sflag:s12], $0x4000  }
0xa4: {  	s11 =	sadd.s32 s7, s18;
	s17 =	sor.u32 s10, s19;
	[sflag:s12] =	ssyncset.done $0x0  }
0xa5: {  	s10 =	sor.u32 s10, s11;
	s17 =	sshrl.u32 s17, $0x3;
	[sflag:s12] =	ssyncadd.s32 $0xFFFFC000  }
0xa6: {  	[spmem:s2] =	stream.indirect.scatter.add.f32 [tilespmem:s28], [sflag:$0x4], $0x80, s13, s23, $0xb8;
	[tilespmem:$0x1C300] =	vst v63  }
.Ltmp4:
0xa7: {  	s10 =	sshrl.u32 s10, $0x3;
	s17 =	sadd.s32 s5, s17;
	(pc) =	sbr.rel .LBB2_4-.Ltmp4, $4  }
0xa8: {  	[tilespmem:s23], [sflag:$0x6] =	stream.linear.gather [hbm4b:s17+s4], $0x80, $0x38;
	[tilespmem:$0x1C300] =	vst v63  }
0xa9: {  	s10 =	sadd.s32 s6, s10  }
0xaa: {  	[tilespmem:s24], [sflag:$0x8] =	stream.linear.gather [hbm4b:s10+s4], $0x80, $0x38;
	[tilespmem:$0x1C300] =	vst v63  }
0xab: {  	s10 =	smov.u32 s9  }
.LBB2_7:
0xac: {  	_ =	sfence.sel $0x180000  }
0xad: {  	[bflag:$0x0] =	sbarrier.arrive $0xFFFF  }
0xae: {  	_ =	strace $0x9000004D  }
0xaf: {  	s0 =	stileid.u32;
	[bflag:$0x2] =	sbarrier.arrive $0xFFFF  }
0xb0: {  	p0 =	sne.s32 s0, $0x0;
	s0 =	rddreg [dreg:$0x3]  }
0xb1: {  	s0 =	sadd.s32 @!p0 $0x100000, s0  }
0xb2: {  	[sflag:s0] =	ssyncadd.tile.s32 @!p0 $0x1;
	_ =	shalt  }
.Lfunc_end2:
_tile_overlayer_lowered:
.L_overlay_start_2:
0xb3: {  	(tag) =	ssettag $0x2  }
0xb4: {  	s0 =	rddreg [dreg:$0x0];
	s2 =	stileid.u32  }
0xb5: {  	s1 =	rddreg [dreg:$0x1];
	p0 =	sne.s32 s2, $0x0  }
0xb6: {  	s3 =	rddreg [dreg:$0x2];
	[bflag:$0x3] =	sbarrier.arrive $0xFFFF;
	s2 =	simm.s32 @!p0 $0x1C0B  }
0xb7: {  	[timem:s3], [sflag:s2] =	dma.local @!p0 [hbm:s0], s1  }
0xb8: {  	s0 =	simm.s32 @!p0 $0xB  }
0xb9: {  	_ =	swait.ge @!p0 [sflag:s0], s1  }
0xba: {  	s1 =	ssub.s32 @!p0 $0x0, s1;
	[sflag:s0] =	ssyncset.done @!p0 $0x0  }
0xbb: {  	[sflag:s0] =	ssyncadd.s32 @!p0 s1  }
0xbc: {  	[bflag:$0x3] =	sbarrier.arrive $0xFFFF  }
0xbd: {  	_ =	shalt  }

// kernel: kernel.8.cloned.1.call-start
scs
__scs_entry_jumppad:
0x0: {  	(pc) =	sbr.rel $0x88, $3  }
0x1: {  	(tag) =	ssettag $0x0;
	lr =	simm.s32 $0x1  }
0x2: {  	[smem:$0x3F98] =	sst lr;
	_ =	strace $0xD0000000  }
0x3: {  	_ = 	snop  }
0x4: {  	_ = 	snop  }
0x5: {  	_ = 	snop  }
0x6: {  	_ = 	snop  }
0x7: {  	_ = 	snop  }
__scs_overlays_trampoline_lowered:
0x8: {  	[smem:$0x3FA7] =	sst s0  }
0x9: {  	[smem:$0x3FA8] =	sst s1  }
0xa: {  	[smem:$0x3FA9] =	sst s2  }
0xb: {  	[smem:$0x3FAA] =	sst s3  }
0xc: {  	[smem:$0x3FAB] =	sst s4  }
0xd: {  	[smem:$0x3FAC] =	sst s5  }
0xe: {  	[smem:$0x3FAD] =	sst s6  }
0xf: {  	[smem:$0x3FAE] =	sst s7  }
0x10: {  	[smem:$0x3FAF] =	sst s8  }
0x11: {  	[smem:$0x3FB0] =	sst s9;
	s0 =	simm.s32 @!p0 $0x0  }
0x12: {  	s1 =	sld [smem:$0x3F96];
	s0 =	simm.s32 @p0 $0x1  }
0x13: {  	[smem:$0x3FB1] =	sst s0;
	s0 =	simm.s32 @!p1 $0x0  }
0x14: {  	s2 =	sld [smem:$0x3F95];
	s0 =	simm.s32 @p1 $0x1  }
0x15: {  	[smem:$0x3FB2] =	sst s0;
	s0 =	simm.s32 @!p2 $0x0  }
0x16: {  	s3 =	sld [smem:$0x3FDB];
	s0 =	simm.s32 @p2 $0x1  }
0x17: {  	s4 =	simm.s32 $0x1BF5;
	[smem:$0x3FB4] =	sst s0  }
0x18: {  	s0 =	sld [smem:$0x3F97];
	_ =	swait.ge [sflag:s4], $0x0  }
0x19: {  	s7 =	sld [smem:$0x3F98]  }
0x1a: {  	s8 =	sadd.s32 $0xFFFFE003, lr  }
0x1b: {  	s9 =	sadd.s32 $0xFFFFFEF7, lr;
	s5 =	simm.s32 $0xFFFFFFFF;
	p2 =	slt.u32 s8, $0xFFFFF086  }
0x1c: {  	p1 =	slt.u32 s9, $0xF7A;
	s5 =	simm.s32 @!p2 $0x0  }
0x1d: {  	s5 =	simm.s32 @p1 $0x1;
	p0 =	seq.s32 s7, s2  }
0x1e: {  	s7 =	smul.u32 @!p0 $0xF7A, s2;
	p2 =	seq.s32 @!p0 s5, $0x0  }
0x1f: {  	s9 =	smul.u32 $0xF7A, s1;
	s8 =	simm.s32 @!p0 $0x1BF5;
	p2 =	por !p2, p0  }
0x20: {  	[sflag:s8] =	ssyncset.s32 @!p0 $0xFFFFF086;
	s6 =	sadd.s32 @!p0 s3, s7;
	s7 =	simm.s32 @!p0 $0x108  }
0x21: {  	s3 =	sadd.s32 s3, s9;
	s6 =	sadd.s32 @!p0 $0x88, s6;
	s7 =	simm.s32 @p2 $0x1082  }
0x22: {  	[simem:s7], [sflag:s8] =	dma.local @!p0 [hbm:s6], $0xF7A  }
0x23: {  	s9 =	sor.u32 $0xD0000000, s2;
	s6 =	simm.s32 $0x108;
	_ =	swait.ge @!p0 [sflag:s8], $0x0  }
0x24: {  	s3 =	sadd.s32 $0x88, s3;
	s6 =	simm.s32 @!p1 $0x1082;
	[sflag:s4] =	ssyncset.s32 $0xFFFFF086  }
0x25: {  	[simem:s6], [sflag:s4] =	dma.local [hbm:s3], $0xF7A  }
0x26: {  	[smem:$0x3F98] =	sst s1;
	(tag) =	ssettag s2;
	_ =	strace s9  }
0x27: {  	s1 =	sld [smem:$0x3FA8]  }
0x28: {  	s2 =	sld [smem:$0x3FA9]  }
0x29: {  	s4 =	sld [smem:$0x3FAB]  }
0x2a: {  	p0 =	seq.s32 s5, $0x0;
	s5 =	sld [smem:$0x3FAC]  }
0x2b: {  	s6 =	sld [smem:$0x3FAD]  }
0x2c: {  	s7 =	sld [smem:$0x3FAE]  }
0x2d: {  	s3 =	simm.s32 $0x108;
	s8 =	sld [smem:$0x3FAF]  }
0x2e: {  	s3 =	simm.s32 @!p0 $0x1082;
	s9 =	sld [smem:$0x3FB0]  }
0x2f: {  	lr =	sadd.s32 s0, s3;
	s0 =	sld [smem:$0x3FA7]  }
0x30: {  	s3 =	sld [smem:$0x3FAA]  }
0x31: {  	[smem:$0x3FB3] =	sst s10  }
0x32: {  	s10 =	sld [smem:$0x3FB1];
	_ =	sdelay $0x3  }
0x33: {  	p0 =	seq.s32 s10, $0x1;
	s10 =	sld [smem:$0x3FB3];
	_ =	sdelay $0x3  }
0x34: {  	[smem:$0x3FB3] =	sst s10  }
0x35: {  	s10 =	sld [smem:$0x3FB2];
	_ =	sdelay $0x3  }
0x36: {  	p1 =	seq.s32 s10, $0x1;
	s10 =	sld [smem:$0x3FB3];
	_ =	sdelay $0x3  }
0x37: {  	[smem:$0x3FB3] =	sst s10  }
0x38: {  	s10 =	sld [smem:$0x3FB4]  }
0x39: {  	_ = 	snop;
	(pc) =	sbr.ind lr, $3  }
0x3a: {  	_ = 	snop  }
0x3b: {  	_ = 	snop  }
0x3c: {  	p2 =	seq.s32 s10, $0x1;
	s10 =	sld [smem:$0x3FB3]  }
0x3d: {  	_ =	shalt  }
0x3e: {  	_ =	shalt  }
0x3f: {  	_ =	shalt  }
0x40: {  	_ =	shalt  }
0x41: {  	_ =	shalt  }
0x42: {  	_ =	shalt  }
0x43: {  	_ =	shalt  }
0x44: {  	_ =	shalt  }
0x45: {  	_ =	shalt  }
0x46: {  	_ =	shalt  }
0x47: {  	_ =	shalt  }
0x48: {  	_ =	shalt  }
0x49: {  	_ =	shalt  }
0x4a: {  	_ =	shalt  }
0x4b: {  	_ =	shalt  }
0x4c: {  	_ =	shalt  }
0x4d: {  	_ =	shalt  }
0x4e: {  	_ =	shalt  }
0x4f: {  	_ =	shalt  }
0x50: {  	_ =	shalt  }
0x51: {  	_ =	shalt  }
0x52: {  	_ =	shalt  }
0x53: {  	_ =	shalt  }
0x54: {  	_ =	shalt  }
0x55: {  	_ =	shalt  }
0x56: {  	_ =	shalt  }
0x57: {  	_ =	shalt  }
0x58: {  	_ =	shalt  }
0x59: {  	_ =	shalt  }
0x5a: {  	_ =	shalt  }
0x5b: {  	_ =	shalt  }
0x5c: {  	_ =	shalt  }
0x5d: {  	_ =	shalt  }
0x5e: {  	_ =	shalt  }
0x5f: {  	_ =	shalt  }
0x60: {  	_ =	shalt  }
0x61: {  	_ =	shalt  }
0x62: {  	_ =	shalt  }
0x63: {  	_ =	shalt  }
0x64: {  	_ =	shalt  }
0x65: {  	_ =	shalt  }
0x66: {  	_ =	shalt  }
0x67: {  	_ =	shalt  }
0x68: {  	_ =	shalt  }
0x69: {  	_ =	shalt  }
0x6a: {  	_ =	shalt  }
0x6b: {  	_ =	shalt  }
0x6c: {  	_ =	shalt  }
0x6d: {  	_ =	shalt  }
0x6e: {  	_ =	shalt  }
0x6f: {  	_ =	shalt  }
0x70: {  	_ =	shalt  }
0x71: {  	_ =	shalt  }
0x72: {  	_ =	shalt  }
0x73: {  	_ =	shalt  }
0x74: {  	_ =	shalt  }
0x75: {  	_ =	shalt  }
0x76: {  	_ =	shalt  }
0x77: {  	_ =	shalt  }
0x78: {  	_ =	shalt  }
0x79: {  	_ =	shalt  }
0x7a: {  	_ =	shalt  }
0x7b: {  	_ =	shalt  }
0x7c: {  	_ =	shalt  }
0x7d: {  	_ =	shalt  }
0x7e: {  	_ =	shalt  }
0x7f: {  	_ =	shalt  }
0x80: {  	_ =	shalt  }
0x81: {  	_ =	shalt  }
0x82: {  	_ =	shalt  }
0x83: {  	_ =	shalt  }
0x84: {  	_ =	shalt  }
0x85: {  	_ =	shalt  }
0x86: {  	_ =	shalt  }
0x87: {  	_ =	shalt  }
.Lfunc_end0:
.L_simem_size_0:
called_computation_lowered:
.L_overlay_start_0:
0x88: {  	s2 =	sld [smem:$0x3FD9]  }
0x89: {  	s3 =	sld [smem:$0x3FFE];
	_ =	sdelay $0x1  }
0x8a: {  	s1 =	srdreg.scid  }
0x8b: {  	s0 =	sand.u32 $0x1, s1  }
0x8c: {  	s17 =	sshll.u32 s0, $0xA;
	s2 =	sadd.s32 s3, s2  }
0x8d: {  	s2 =	sadd.s32 s2, s17  }
0x8e: {  	[smem:$0x3FBF] =	sst s2  }
0x8f: {  	_ = 	snop  }
0x90: {  	s2 =	sld [smem:$0x3FD0];
	(tm) =	ssettm $0x1  }
0x91: {  	s18 =	sld [smem:$0x3FFB];
	_ =	sdelay $0x3  }
0x92: {  	_ =	strace s18  }
0x93: {  	s3 =	sld [smem:$0x3FFC];
	_ =	sdelay $0x3  }
0x94: {  	_ =	strace s3  }
0x95: {  	s3 =	sld [smem:$0x3FFD];
	_ =	sdelay $0x3  }
0x96: {  	_ =	strace s3  }
0x97: {  	_ =	strace $0x8FFFFFFF  }
0x98: {  	s19 =	sld [smem:$0x3FDB];
	_ =	sdelay $0x1  }
0x99: {  	s4 =	simm.s32 $_scs_section_size  }
0x9a: {  	s5 =	simm.s32 $_size__tile_overlayer_lowered;
	s6 =	simm.s32 $_tile_overlayer_lowered  }
0x9b: {  	s22 =	simm.s32 $0x1BFF;
	s21 =	sshll.u32 s6, $0x1;
	s3 =	sadd.s32 s4, s19  }
0x9c: {  	s7 =	simm.s32 $0x0;
	s20 =	sshll.u32 s5, $0x1;
	s5 =	sadd.s32 s21, s3  }
0x9d: {  	[timem:s7], [sflag:s22] =	dma.local [hbm:s5], s20  }
0x9e: {  	_ =	swait.ge [sflag:s22], s20  }
0x9f: {  	s4 =	ssub.s32 $0x0, s20;
	[sflag:s22] =	ssyncset.done $0x0  }
0xa0: {  	[sflag:s22] =	ssyncadd.s32 s4;
	_ =	sdelay $0x1  }
0xa1: {  	s23 =	simm.s32 $0x1B8B  }
0xa2: {  	_ =	swait.ge [sflag:s23], $0x1  }
0xa3: {  	[sflag:s23] =	ssyncset.done $0x0  }
0xa4: {  	s25 =	simm.s32 $0x1B8E;
	s24 =	sld [smem:$0x3FFE];
	[sflag:s23] =	ssyncadd.s32 $0xFFFFFFFF  }
0xa5: {  	s26 =	simm.s32 $execute0_lowered;
	[smem:$0x3FD2] =	sst s25  }
0xa6: {  	s5 =	sshll.u32 s26, $0x1;
	_ =	strace $0x80000046;
	[dreg:$0x1] =	wrdreg $0xFFFFFFFF  }
0xa7: {  	s28 =	simm.s32 $_size_execute0_lowered;
	s3 =	sadd.s32 s3, s5;
	[dreg:$0x0] =	wrdreg $0x0  }
0xa8: {  	s5 =	sshll.u32 s28, $0x1;
	[dreg:$0x2] =	wrdreg s3  }
0xa9: {  	[dreg:$0x3] =	wrdreg s5  }
0xaa: {  	[dreg:$0x4] =	wrdreg $0xC0  }
0xab: {  	_ =	task [dreg:s7], $0x5FFFF  }
0xac: {  	[dreg:$0x1] =	wrdreg $0xFFFFFFFF  }
0xad: {  	[dreg:$0x0] =	wrdreg $0x60  }
0xae: {  	[dreg:$0x2] =	wrdreg s2  }
0xaf: {  	[dreg:$0x3] =	wrdreg s24  }
0xb0: {  	[dreg:$0x4] =	wrdreg $0x53000  }
0xb1: {  	[dreg:$0x5] =	wrdreg $0x9  }
0xb2: {  	_ =	task.clear_ibuf [dreg:s7], $0x6FFFF;
	_ =	strace $0x90000046  }
0xb3: {  	s29 =	simm.s32 $0x9;
	_ =	strace $0x80000048  }
0xb4: {  	_ =	swait.ge [sflag:s29], $0x1  }
0xb5: {  	[sflag:s29] =	ssyncadd.s32 $0xFFFFFFFF  }
0xb6: {  	_ =	strace $0x90000048  }
0xb7: {  	_ =	sfence  }
0xb8: {  	s30 =	sld [smem:$0x0];
	_ =	sdelay $0x2  }
0xb9: {  	s31 =	sshll.u32 s1, $0xD;
	s1 =	sshrl.u32 s1, $0x2  }
0xba: {  	s3 =	sand.u32 $0x4000, s31;
	s1 =	sadd.s32 s1, s30  }
0xbb: {  	s0 =	sor.u32 s3, s0;
	s1 =	sshll.u32 s1, $0x11  }
0xbc: {  	s0 =	sor.u32 s1, s0  }
0xbd: {  	s0 =	sadd.s32 $0x8F2B, s0  }
0xbe: {  	[sflag:s0] =	ssyncadd.remote.s32 $0x1  }
0xbf: {  	_ =	sfence.sel $0xFFFF  }
0xc0: {  	[dreg:$0x0] =	wrdreg $0xFFFFFFFF;
	(pc) =	sbr.abs _section_cstart, $3  }
0xc1: {  	[dreg:$0x1] =	wrdreg $0xFFFFFFFF  }
0xc2: {  	_ =	task.clear_ibuf [dreg:s7], $0x2FFFF;
	_ =	strace $0x9FFFFFFF  }
0xc3: {  	(tm) =	ssettm $0x7FFFFFFF  }
tec
execute0_lowered:
.L_overlay_start_1:
0x0: {  	(tag) =	ssettag $0x1  }
0x1: {  	s4 =	rddreg [dreg:$0x0]  }
0x2: {  	s5 =	rddreg [dreg:$0x1]  }
0x3: {  	s2 =	rddreg [dreg:$0x2]  }
0x4: {  	s3 =	srdreg.scid;
	s1 =	stileid.u32  }
0x5: {  	s0 =	rddreg [dreg:$0x3];
	s11 =	simm.s32 $0x5000;
	s14 =	simm.s32 $0x20  }
0x6: {  	s15 =	simm.s32 $0x10;
	s16 =	simm.s32 $0x0;
	s7 =	smul.u32 $0x500, s1  }
0x7: {  	s6 =	sand.u32 $0x1, s3;
	s3 =	simm.s32 $0x0;
	s26 =	smul.u32 $0x5000, s1  }
0x8: {  	s10 =	smul.u32 $0xA00, s1;
	s12 =	sshll.u32 s1, $0x6;
	s8 =	sshll.u32 s6, $0x7  }
0x9: {  	s9 =	smul.u32 $0x50000, s6;
	[smem:$0x7FF] =	sst s3;
	s28 =	ssub.s32 $0x2, s6  }
0xa: {  	s12 =	sor.u32 $0x1C01, s12;
	s7 =	sor.u32 s8, s7;
	_ =	strace $0x80000047  }
0xb: {  	s30 =	sshrl.u32 s28, $0x1;
	s31 =	sshrl.u32 s10, $0x2;
	s10 =	simm.s32 $0x80  }
0xc: {  	s7 =	sshrl.u32 s7, $0x3;
	s29 =	sadd.s32 s26, s9;
	s8 =	ssub.s32 s28, s30  }
0xd: {  	s9 =	simm.s32 $0x5080;
	s7 =	sadd.s32 s7, s5;
	s6 =	sshrl.u32 s29, $0x3  }
0xe: {  	s5 =	sadd.s32 s31, s2;
	s4 =	sadd.s32 s4, s6;
	s6 =	sadd.s32 $0xC800, s7  }
0xf: {  	v0 =	vimm.f32 $0.0e+00;
	v1 =	vimm.f32 $1.000000000e+00;
	s7 =	smax.u32 s8, $0x1;
	s8 =	simm.s32 $0x1;
	s13 =	sshrl.u32 s5, $0x3  }
.LBB2_1:
0x10: {  	[tilespmem:$0x5080] =	vst v0  }
0x11: {  	[tilespmem:$0x5090] =	vst v0  }
0x12: {  	[tilespmem:$0x50A0] =	vst v0  }
0x13: {  	[tilespmem:$0x50B0] =	vst v0  }
0x14: {  	[tilespmem:$0x50C0] =	vst v0  }
0x15: {  	[tilespmem:$0x50D0] =	vst v0  }
0x16: {  	[tilespmem:$0x50E0] =	vst v0  }
0x17: {  	[tilespmem:$0x50F0] =	vst v0  }
0x18: {  	[tilespmem:$0x5100] =	vst v0  }
0x19: {  	[tilespmem:$0x5110] =	vst v0  }
0x1a: {  	[tilespmem:$0x5120] =	vst v0  }
0x1b: {  	[tilespmem:$0x5130] =	vst v0  }
0x1c: {  	[tilespmem:$0x5140] =	vst v0  }
0x1d: {  	[tilespmem:$0x5150] =	vst v0  }
0x1e: {  	[tilespmem:$0x5160] =	vst v0  }
0x1f: {  	[tilespmem:$0x5170] =	vst v0  }
0x20: {  	[tilespmem:$0x5180] =	vst v0  }
0x21: {  	[tilespmem:$0x5190] =	vst v0  }
0x22: {  	[tilespmem:$0x51A0] =	vst v0  }
0x23: {  	[tilespmem:$0x51B0] =	vst v0  }
0x24: {  	[tilespmem:$0x51C0] =	vst v0  }
0x25: {  	[tilespmem:$0x51D0] =	vst v0  }
0x26: {  	[tilespmem:$0x51E0] =	vst v0  }
0x27: {  	[tilespmem:$0x51F0] =	vst v0  }
0x28: {  	[tilespmem:$0x5200] =	vst v0  }
0x29: {  	[tilespmem:$0x5210] =	vst v0  }
0x2a: {  	[tilespmem:$0x5220] =	vst v0  }
0x2b: {  	[tilespmem:$0x5230] =	vst v0  }
0x2c: {  	[tilespmem:$0x5240] =	vst v0  }
0x2d: {  	[tilespmem:$0x5250] =	vst v0  }
0x2e: {  	[tilespmem:$0x5260] =	vst v0  }
0x2f: {  	[tilespmem:$0x5270] =	vst v0  }
0x30: {  	[tilespmem:$0x5280] =	vst v0  }
0x31: {  	[tilespmem:$0x5290] =	vst v0  }
0x32: {  	[tilespmem:$0x52A0] =	vst v0  }
0x33: {  	[tilespmem:$0x52B0] =	vst v0  }
0x34: {  	[tilespmem:$0x52C0] =	vst v0  }
0x35: {  	[tilespmem:$0x52D0] =	vst v0  }
0x36: {  	[tilespmem:$0x52E0] =	vst v0  }
0x37: {  	[tilespmem:$0x52F0] =	vst v0  }
0x38: {  	[tilespmem:$0x5000] =	vst v1  }
0x39: {  	[tilespmem:$0x5010] =	vst v1  }
0x3a: {  	[tilespmem:$0x5020] =	vst v1  }
0x3b: {  	[tilespmem:$0x5030] =	vst v1  }
0x3c: {  	[tilespmem:$0x5040] =	vst v1  }
0x3d: {  	[tilespmem:$0x5050] =	vst v1  }
0x3e: {  	[tilespmem:$0x5060] =	vst v1  }
0x3f: {  	[tilespmem:$0x5070] =	vst v1  }
0x40: {  	[tilespmem:s3], [sflag:$0x1] =	stream.linear.gather [hbm4b:s4+s3], $0x5000, $0x38;
	[tilespmem:$0x5580] =	vst v63  }
0x41: {  	_ =	swait.ge [sflag:s8], $0x5000  }
0x42: {  	[sflag:s8] =	ssyncset.done $0x0  }
0x43: {  	[sflag:s8] =	ssyncadd.s32 $0xFFFFB000  }
0x44: {  	[spmem:s5] =	stream.linear.scatter [tilespmem:s9], [sflag:$0x1], $0x280, $0x38;
	[tilespmem:$0x5580] =	vst v63  }
0x45: {  	_ =	swait.ge [sflag:s8], $0x280  }
0x46: {  	[sflag:s8] =	ssyncset.done $0x0  }
0x47: {  	[sflag:s8] =	ssyncadd.s32 $0xFFFFFD80  }
0x48: {  	s17 =	simm.s32 $0x0;
	[bflag:$0x0] =	sbarrier.arrive $0xFFFF  }
0x49: {  	[spmem:s2] =	stream.indirect.scatter.add.f32 [tilespmem:s11], [sflag:$0x1], $0x1, s17, s10, $0xb8;
	[tilespmem:$0x5580] =	vst v63  }
0x4a: {  	_ =	swait.ge [sflag:s8], $0x80  }
0x4b: {  	s17 =	simm.s32 $0x200;
	[sflag:s8] =	ssyncset.done $0x0  }
.LBB2_2:
0x4c: {  	s18 =	sshra.s32 s17, $0x2;
	[sflag:s8] =	ssyncadd.s32 $0xFFFFFF80;
	p0 =	sne.s32 s17, $0x13E00  }
0x4d: {  	[spmem:s2] =	stream.indirect.scatter.add.f32 [tilespmem:s11], [sflag:$0x1], $0x1, s18, s10, $0xb8;
	[tilespmem:$0x5580] =	vst v63  }
.Ltmp0:
0x4e: {  	_ = 	snop;
	(pc) =	sbr.rel @p0 .LBB2_2-.Ltmp0, $4  }
0x4f: {  	_ = 	snop  }
0x50: {  	s17 =	sadd.s32 $0x200, s17  }
0x51: {  	_ =	swait.ge [sflag:s8], $0x80  }
0x52: {  	[sflag:s8] =	ssyncset.done $0x0  }
0x53: {  	s16 =	sadd.s32 $0x1, s16  }
0x54: {  	[sflag:s8] =	ssyncadd.s32 $0xFFFFFF80;
	p0 =	sne.s32 s16, s7  }
.Ltmp1:
0x55: {  	[bflag:$0x0] =	sbarrier.arrive $0xFFFF;
	(pc) =	sbr.rel @p0 .LBB2_1-.Ltmp1, $4  }
0x56: {  	[hbm:s6@s14], [sflag:s12] =	dma.strided [spmem:s13@s15], $0x50, s8, $0x10   }
0x57: {  	_ =	swait.ge [sflag:s8], $0x50  }
0x58: {  	[sflag:s8] =	ssyncset.done $0x0  }
0x59: {  	[sflag:s8] =	ssyncadd.s32 $0xFFFFFFB0  }
0x5a: {  	_ =	sfence.sel $0x180000  }
0x5b: {  	[bflag:$0x0] =	sbarrier.arrive $0xFFFF  }
0x5c: {  	p0 =	sne.s32 s1, $0x0;
	_ =	strace $0x90000047  }
0x5d: {  	s0 =	sadd.s32 @!p0 $0x100000, s0;
	[bflag:$0x2] =	sbarrier.arrive $0xFFFF  }
0x5e: {  	[sflag:s0] =	ssyncadd.tile.s32 @!p0 $0x1;
	_ =	shalt  }
.Lfunc_end2:
_tile_overlayer_lowered:
.L_overlay_start_2:
0x5f: {  	(tag) =	ssettag $0x2  }
0x60: {  	s0 =	rddreg [dreg:$0x0];
	s2 =	stileid.u32  }
0x61: {  	s1 =	rddreg [dreg:$0x1];
	p0 =	sne.s32 s2, $0x0  }
0x62: {  	s3 =	rddreg [dreg:$0x2];
	[bflag:$0x3] =	sbarrier.arrive $0xFFFF;
	s2 =	simm.s32 @!p0 $0x1C01  }
0x63: {  	[timem:s3], [sflag:s2] =	dma.local @!p0 [hbm:s0], s1  }
0x64: {  	s0 =	simm.s32 @!p0 $0x1  }
0x65: {  	_ =	swait.ge @!p0 [sflag:s0], s1  }
0x66: {  	s1 =	ssub.s32 @!p0 $0x0, s1;
	[sflag:s0] =	ssyncset.done @!p0 $0x0  }
0x67: {  	[sflag:s0] =	ssyncadd.s32 @!p0 s1  }
0x68: {  	[bflag:$0x3] =	sbarrier.arrive $0xFFFF  }
0x69: {  	_ =	shalt  }

</sc_bundles>
